<compile_context>
chip_gen: v7x
topology: tpu7x:2x2x1
jax: 0.10.2.dev20260603
libtpu: 0.0.44.dev20260713+nightly
codegen_flags: <defaults>
</compile_context>

<pallas_src>
import functools

import jax
import jax.numpy as jnp
from jax import lax
from jax.experimental import pallas as pl
from jax.experimental.pallas import tpu as pltpu
from jax.experimental.pallas import tpu_sc as plsc


def _sc_gather(kv_flat, idx_flat, window=256, gwin=128):
    n_idx = idx_flat.shape[1]
    d = kv_flat.shape[1]
    mesh = plsc.VectorSubcoreMesh(core_axis_name="core",
                                  subcore_axis_name="subcore")

    @functools.partial(
        pl.kernel,
        out_type=jax.ShapeDtypeStruct((n_idx, d), kv_flat.dtype),
        mesh=mesh,
        scratch_types=[pltpu.SemaphoreType.DMA],
    )
    def gather_kernel(kv_hbm, i_hbm, o_hbm, sem):
        def body(i_vmem, o_vmem):
            copies = []
            for g in range(window // gwin):
                copies.append(pltpu.async_copy(
                    kv_hbm.at[i_vmem.at[0, pl.ds(g * gwin, gwin)]],
                    o_vmem.at[pl.ds(g * gwin, gwin)], sem))
            for cp_ in copies:
                cp_.wait()

        pltpu.emit_pipeline(
            body,
            grid=(n_idx // window,),
            in_specs=[pl.BlockSpec((1, window), index_map=lambda i: (0, i))],
            out_specs=[pl.BlockSpec((window, d), index_map=lambda i: (i, 0))],
            core_axis_name=("core", "subcore"),
            dimension_semantics=(pltpu.PARALLEL,),
        )(i_hbm, o_hbm)

    return gather_kernel(kv_flat, idx_flat)


def _tc_attn(q_flat, kvg, sm_scale, s_blk=16):
    bs, h, d = q_flat.shape
    t = kvg.shape[1]

    def body(q_ref, kvg_ref, o_ref):
        scores_list = []
        for s in range(s_blk):
            qs = q_ref[s]
            kvc = kvg_ref[s].astype(jnp.bfloat16)
            scores_list.append(lax.dot_general(
                qs, kvc, (((1,), (1,)), ((), ())),
                preferred_element_type=jnp.float32))
        scores = jnp.concatenate(scores_list, axis=0) * sm_scale
        m = jnp.max(scores, axis=-1, keepdims=True)
        p = jnp.exp(scores - m)
        denom = jnp.sum(p, axis=-1, keepdims=True)
        pb = p.astype(jnp.bfloat16)
        for s in range(s_blk):
            kvc = kvg_ref[s].astype(jnp.bfloat16)
            out = lax.dot_general(
                pb[s * h:(s + 1) * h], kvc, (((1,), (0,)), ((), ())),
                preferred_element_type=jnp.float32)
            o_ref[s] = out / denom[s * h:(s + 1) * h]

    return pl.pallas_call(
        body,
        grid=(bs // s_blk,),
        in_specs=[
            pl.BlockSpec((s_blk, h, d), lambda i: (i, 0, 0)),
            pl.BlockSpec((s_blk, t, d), lambda i: (i, 0, 0)),
        ],
        out_specs=pl.BlockSpec((s_blk, h, d), lambda i: (i, 0, 0)),
        out_shape=jax.ShapeDtypeStruct((bs, h, d), jnp.float32),
    )(q_flat, kvg)


def kernel(q, kv, topk_idx):
    b, s, h, d = q.shape
    kv_ctx = kv.shape[1]
    t = topk_idx.shape[2]
    sm_scale = 1.0 / (d ** 0.5)

    batch_off = (jnp.arange(b, dtype=jnp.int32) * kv_ctx)[:, None, None]
    idx3 = topk_idx.astype(jnp.int32) + batch_off
    idx_flat = idx3.reshape(b * s, t)
    kv_flat = kv.reshape(b * kv_ctx, d)
    q3 = q.reshape(b * s, h, d)

    n_chunks = 4
    qs_per_chunk = (b * s) // n_chunks
    outs = []
    for c in range(n_chunks):
        sl = slice(c * qs_per_chunk, (c + 1) * qs_per_chunk)
        kvg = _sc_gather(kv_flat, idx_flat[sl].reshape(1, qs_per_chunk * t))
        q_blk = q3[sl].astype(jnp.bfloat16)
        outs.append(_tc_attn(q_blk, kvg.reshape(qs_per_chunk, t, d),
                             sm_scale))
    return jnp.concatenate(outs, axis=0).reshape(b, s, h, d)

# --- scband reference (transcript-rebuilt; emitter-appended) ---
"""Pipeline reference for scband-g2-core-attention-6674379178219 (READ-ONLY COPY).

The authoritative reference and input builder live on the scoring server;
editing this copy changes nothing except your own understanding.
"""

import jax, jax.numpy as jnp
import numpy as np

B, S, H, D = 2, 1024, 16, 128
KV_CTX = 8192
TOPK = 512


def setup_inputs(seed: int = 0) -> dict:
    key = jax.random.key(seed)
    k1, k2, k3 = jax.random.split(key, 3)
    q = jax.random.normal(k1, (B, S, H, D), dtype=jnp.float32)
    kv = jax.random.normal(k2, (B, KV_CTX, D), dtype=jnp.float32)
    topk_idx = jax.random.randint(k3, (B, S, TOPK), 0, KV_CTX).astype(jnp.int64)
    return {"q": q, "kv": kv, "topk_idx": topk_idx}


def reference(q, kv, topk_idx):
    # G2CoreAttention forward: per-query top-k sparse attention where the
    # shared KV tensor serves as both keys and values (MQA/MLA-style, k == v),
    # matching the Triton kernel which loads K from KV_ptr and accumulates
    # both dK and dV into the same Grad_KV buffer.
    sm_scale = 1.0 / np.sqrt(q.shape[-1])
    # Gather selected KV rows per (batch, query) -> [B, S, TOPK, D]
    idx_safe = jnp.where(topk_idx >= 0, topk_idx, 0)
    kv_g = jax.vmap(lambda kvb, ib: jnp.take(kvb, ib, axis=0))(kv, idx_safe)
    # Scores: q . k for each selected index, shared indices across heads
    scores = jnp.einsum('bshd,bstd->bhst', q, kv_g) * sm_scale  # [B,H,S,T]
    valid = (topk_idx >= 0)[:, None, :, :]  # [B,1,S,T]
    scores = jnp.where(valid, scores, -jnp.inf)
    # Numerically-stable softmax over the top-k axis (kernel uses exp2/LSE)
    m = jnp.max(scores, axis=-1, keepdims=True)
    p = jnp.exp(scores - m)
    p = jnp.where(valid, p, 0.0)
    p = p / jnp.sum(p, axis=-1, keepdims=True)
    out = jnp.einsum('bhst,bstd->bshd', p, kv_g)  # [B,S,H,D]
    return out

if __name__ == "__main__":
    import jax
    _d = setup_inputs()
    print(jax.jit(kernel)(*tuple(_d.values())))

</pallas_src>

<mosaic_0001>
#map = affine_map<(d0, d1) -> (0, 0)>
module attributes {stable_mosaic.version = 14 : i64} {
  func.func @gather_kernel(%arg0: i32, %arg1: i32, %arg2: memref<16384x128xf32, #tpu.memory_space<hbm>>, %arg3: memref<1x262144xi32, #tpu.memory_space<hbm>>, %arg4: memref<262144x128xf32, #tpu.memory_space<hbm>>, %arg5: memref<!tpu.dma_semaphore, #tpu.memory_space<semaphore_mem>>) attributes {dimension_semantics = [#tpu.dimension_semantics<core_parallel>, #tpu.dimension_semantics<subcore_parallel>], iteration_bounds = array<i64: 2, 16>, scalar_prefetch = 0 : i64, scratch_operands = 1 : i64, tpu.core_type = #tpu.core_type<sc_vector_subcore>, window_params = [{transform_indices = #map}, {transform_indices = #map}, {transform_indices = #map}]} {
    %mul3A = arith.constant 1 : i32
    %mul3A_0 = arith.muli %arg1, %mul3A : i32
    %add3A = arith.constant 0 : i32
    %add3A_1 = arith.addi %add3A, %mul3A_0 : i32
    %mul3A_2 = arith.constant 16 : i32
    %mul3A_3 = arith.muli %arg0, %mul3A_2 : i32
    %add3A_4 = arith.addi %add3A_1, %mul3A_3 : i32
    %mul3A_5 = arith.constant 32 : i32
    %mul3A_6 = arith.muli %add3A_4, %mul3A_5 : i32
    "tpu.region"() ({
      %run_scoped3A = memref.alloca() : memref<2x1x256xi32, #tpu.memory_space<vmem>>
      %run_scoped3A_7 = tpu.sem_alloc : memref<2x!tpu.dma_semaphore, #tpu.memory_space<semaphore_mem>>
      %run_scoped3A_8 = memref.alloca() : memref<2x256x128xf32, #tpu.memory_space<vmem>>
      %run_scoped3A_9 = tpu.sem_alloc : memref<2x!tpu.dma_semaphore, #tpu.memory_space<semaphore_mem>>
      %add3A_10 = arith.constant 0 : i32
      %add3A_11 = arith.addi %add3A_10, %mul3A_6 : i32
      %select_n3A = arith.constant true
      %select_n3A_12 = arith.constant 0 : i32
      %select_n3A_13 = arith.constant -1 : i32
      %select_n3A_14 = arith.select %select_n3A, %select_n3A_13, %select_n3A_12 : i32
      %eq3A = arith.constant -1 : i32
      %eq3A_15 = arith.cmpi eq, %select_n3A_14, %eq3A : i32
      %select_n3A_16 = arith.constant 31 : i32
      %select_n3A_17 = arith.select %eq3A_15, %select_n3A_16, %select_n3A_14 : i32
      %add3A_18 = arith.addi %select_n3A_17, %mul3A_6 : i32
      %select_n3A_19 = arith.constant true
      %select_n3A_20 = arith.constant 0 : i32
      %select_n3A_21 = arith.constant 1 : i32
      %select_n3A_22 = arith.select %select_n3A_19, %select_n3A_21, %select_n3A_20 : i32
      %eq3A_23 = arith.constant 32 : i32
      %eq3A_24 = arith.cmpi eq, %select_n3A_22, %eq3A_23 : i32
      %select_n3A_25 = arith.constant 0 : i32
      %select_n3A_26 = arith.select %eq3A_24, %select_n3A_25, %select_n3A_22 : i32
      %add3A_27 = arith.addi %select_n3A_26, %mul3A_6 : i32
      %add3A_28 = arith.constant 1 : i32
      %add3A_29 = arith.addi %select_n3A_26, %add3A_28 : i32
      %select_n3A_30 = arith.constant true
      %select_n3A_31 = arith.select %select_n3A_30, %add3A_29, %select_n3A_26 : i32
      %eq3A_32 = arith.constant 32 : i32
      %eq3A_33 = arith.cmpi eq, %select_n3A_31, %eq3A_32 : i32
      %select_n3A_34 = arith.constant 0 : i32
      %select_n3A_35 = arith.select %eq3A_33, %select_n3A_34, %select_n3A_31 : i32
      %add3A_36 = arith.addi %select_n3A_35, %mul3A_6 : i32
      "tpu.trace_start"() <{level = 10 : i32, message = "ep_initialize_0"}> : () -> ()
      %rem3A = arith.constant 0 : i32
      %rem3A_37 = arith.constant 2 : i32
      %rem3A_38 = arith.remui %rem3A, %rem3A_37 : i32
      %mul3A_39 = arith.constant 256 : i32
      %mul3A_40 = arith.muli %mul3A_39, %add3A_11 : i32
      %dma_start3A = arith.constant 0 : i32
      %dma_start3A_41 = arith.constant 0 : i32
      %dma_start3A_42 = tpu.memref_slice %run_scoped3A[%rem3A_38, %dma_start3A, %dma_start3A_41] : memref<2x1x256xi32, #tpu.memory_space<vmem>> -> memref<1x1x256xi32, #tpu.memory_space<vmem>>
      %dma_start3A_43 = tpu.memref_squeeze %dma_start3A_42 : memref<1x1x256xi32, #tpu.memory_space<vmem>> -> memref<1x256xi32, #tpu.memory_space<vmem>>
      %dma_start3A_44 = arith.constant 0 : i32
      %dma_start3A_45 = tpu.memref_slice %arg3[%dma_start3A_44, %mul3A_40] : memref<1x262144xi32, #tpu.memory_space<hbm>> -> memref<1x256xi32, #tpu.memory_space<hbm>>
      %dma_start3A_46 = tpu.memref_slice %run_scoped3A_7[%rem3A_38] : memref<2x!tpu.dma_semaphore, #tpu.memory_space<semaphore_mem>> -> memref<1x!tpu.dma_semaphore, #tpu.memory_space<semaphore_mem>>
      %dma_start3A_47 = tpu.memref_squeeze %dma_start3A_46 : memref<1x!tpu.dma_semaphore, #tpu.memory_space<semaphore_mem>> -> memref<!tpu.dma_semaphore, #tpu.memory_space<semaphore_mem>>
      %dma_start3A_48 = arith.constant 0 : i32
      %dma_start3A_49 = arith.constant 0 : i32
      %dma_start3A_50 = tpu.memref_slice %run_scoped3A[%rem3A_38, %dma_start3A_48, %dma_start3A_49] : memref<2x1x256xi32, #tpu.memory_space<vmem>> -> memref<1x1x256xi32, #tpu.memory_space<vmem>>
      %dma_start3A_51 = tpu.memref_squeeze %dma_start3A_50 : memref<1x1x256xi32, #tpu.memory_space<vmem>> -> memref<1x256xi32, #tpu.memory_space<vmem>>
      %dma_start3A_52 = arith.constant 0 : i32
      %dma_start3A_53 = tpu.memref_slice %arg3[%dma_start3A_52, %mul3A_40] : memref<1x262144xi32, #tpu.memory_space<hbm>> -> memref<1x256xi32, #tpu.memory_space<hbm>>
      tpu.enqueue_dma source(%dma_start3A_53 : memref<1x256xi32, #tpu.memory_space<hbm>>) target(%dma_start3A_51 : memref<1x256xi32, #tpu.memory_space<vmem>>) target_semaphore(%dma_start3A_47 : memref<!tpu.dma_semaphore, #tpu.memory_space<semaphore_mem>>)
      %add3A_54 = arith.constant 0 : i32
      %add3A_55 = arith.constant 1 : i32
      %add3A_56 = arith.addi %add3A_54, %add3A_55 : i32
      %select_n3A_57 = arith.constant true
      %select_n3A_58 = arith.constant 0 : i32
      %select_n3A_59 = arith.select %select_n3A_57, %add3A_56, %select_n3A_58 : i32
      "tpu.trace_stop"() : () -> ()
      %scan3A = arith.constant 0 : i32
      %scan3A_60 = arith.constant 0 : i32
      %scan3A_61 = arith.constant 0 : i32
      %scan3A_62 = arith.constant 0 : i32
      %scan3A_63 = arith.constant 0 : i32
      %scan3A_64 = arith.constant 32 : i32
      %scan3A_65 = arith.addi %scan3A_63, %scan3A_64 : i32
      %scan3A_66 = arith.constant 1 : i32
      %scan3A_67:5 = scf.for %scan3A_121 = %scan3A_63 to %scan3A_65 step %scan3A_66 iter_args(%scan3A_122 = %select_n3A_59, %scan3A_123 = %scan3A, %scan3A_124 = %scan3A_60, %scan3A_125 = %scan3A_61, %scan3A_126 = %scan3A_62) -> (i32, i32, i32, i32, i32)  : i32 {
        %eq3A_127 = arith.constant 0 : i32
        %eq3A_128 = arith.cmpi eq, %scan3A_121, %eq3A_127 : i32
        %eq3A_129 = arith.constant 31 : i32
        %eq3A_130 = arith.cmpi eq, %scan3A_121, %eq3A_129 : i32
        %add3A_131 = arith.addi %scan3A_126, %mul3A_6 : i32
        %sub3A_132 = arith.constant 1 : i32
        %sub3A_133 = arith.subi %scan3A_126, %sub3A_132 : i32
        %select_n3A_134 = arith.constant true
        %select_n3A_135 = arith.select %select_n3A_134, %sub3A_133, %scan3A_126 : i32
        %eq3A_136 = arith.constant -1 : i32
        %eq3A_137 = arith.cmpi eq, %select_n3A_135, %eq3A_136 : i32
        %select_n3A_138 = arith.constant 31 : i32
        %select_n3A_139 = arith.select %eq3A_137, %select_n3A_138, %select_n3A_135 : i32
        %add3A_140 = arith.addi %select_n3A_139, %mul3A_6 : i32
        %add3A_141 = arith.constant 1 : i32
        %add3A_142 = arith.addi %scan3A_126, %add3A_141 : i32
        %select_n3A_143 = arith.constant true
        %select_n3A_144 = arith.select %select_n3A_143, %add3A_142, %scan3A_126 : i32
        %eq3A_145 = arith.constant 32 : i32
        %eq3A_146 = arith.cmpi eq, %select_n3A_144, %eq3A_145 : i32
        %select_n3A_147 = arith.constant 0 : i32
        %select_n3A_148 = arith.select %eq3A_146, %select_n3A_147, %select_n3A_144 : i32
        %add3A_149 = arith.addi %select_n3A_148, %mul3A_6 : i32
        %add3A_150 = arith.constant 1 : i32
        %add3A_151 = arith.addi %select_n3A_148, %add3A_150 : i32
        %select_n3A_152 = arith.constant true
        %select_n3A_153 = arith.select %select_n3A_152, %add3A_151, %select_n3A_148 : i32
        %eq3A_154 = arith.constant 32 : i32
        %eq3A_155 = arith.cmpi eq, %select_n3A_153, %eq3A_154 : i32
        %select_n3A_156 = arith.constant 0 : i32
        %select_n3A_157 = arith.select %eq3A_155, %select_n3A_156, %select_n3A_153 : i32
        %add3A_158 = arith.addi %select_n3A_157, %mul3A_6 : i32
        %ne3A = arith.cmpi ne, %add3A_131, %add3A_149 : i32
        %or3A = arith.constant false
        %or3A_159 = arith.ori %or3A, %ne3A : i1
        %ge3A = arith.constant 31 : i32
        %ge3A_160 = arith.cmpi sge, %scan3A_121, %ge3A : i32
        %not3A = arith.constant true
        %not3A_161 = arith.xori %ge3A_160, %not3A : i1
        %and3A = arith.andi %or3A_159, %not3A_161 : i1
        %convert_element_type3A = arith.extui %and3A : i1 to i32
        %cond3A = arith.constant 0 : i32
        %cond3A_162 = arith.cmpi ne, %convert_element_type3A, %cond3A : i32
        scf.if %cond3A_162 {
          "tpu.trace_start"() <{level = 10 : i32, message = "ep_copy_in"}> : () -> ()
          %rem3A_335 = arith.constant 2 : i32
          %rem3A_336 = arith.remui %scan3A_122, %rem3A_335 : i32
          %mul3A_337 = arith.constant 256 : i32
          %mul3A_338 = arith.muli %mul3A_337, %add3A_149 : i32
          %dma_start3A_339 = arith.constant 0 : i32
          %dma_start3A_340 = arith.constant 0 : i32
          %dma_start3A_341 = tpu.memref_slice %run_scoped3A[%rem3A_336, %dma_start3A_339, %dma_start3A_340] : memref<2x1x256xi32, #tpu.memory_space<vmem>> -> memref<1x1x256xi32, #tpu.memory_space<vmem>>
          %dma_start3A_342 = tpu.memref_squeeze %dma_start3A_341 : memref<1x1x256xi32, #tpu.memory_space<vmem>> -> memref<1x256xi32, #tpu.memory_space<vmem>>
          %dma_start3A_343 = arith.constant 0 : i32
          %dma_start3A_344 = tpu.memref_slice %arg3[%dma_start3A_343, %mul3A_338] : memref<1x262144xi32, #tpu.memory_space<hbm>> -> memref<1x256xi32, #tpu.memory_space<hbm>>
          %dma_start3A_345 = tpu.memref_slice %run_scoped3A_7[%rem3A_336] : memref<2x!tpu.dma_semaphore, #tpu.memory_space<semaphore_mem>> -> memref<1x!tpu.dma_semaphore, #tpu.memory_space<semaphore_mem>>
          %dma_start3A_346 = tpu.memref_squeeze %dma_start3A_345 : memref<1x!tpu.dma_semaphore, #tpu.memory_space<semaphore_mem>> -> memref<!tpu.dma_semaphore, #tpu.memory_space<semaphore_mem>>
          %dma_start3A_347 = arith.constant 0 : i32
          %dma_start3A_348 = arith.constant 0 : i32
          %dma_start3A_349 = tpu.memref_slice %run_scoped3A[%rem3A_336, %dma_start3A_347, %dma_start3A_348] : memref<2x1x256xi32, #tpu.memory_space<vmem>> -> memref<1x1x256xi32, #tpu.memory_space<vmem>>
          %dma_start3A_350 = tpu.memref_squeeze %dma_start3A_349 : memref<1x1x256xi32, #tpu.memory_space<vmem>> -> memref<1x256xi32, #tpu.memory_space<vmem>>
          %dma_start3A_351 = arith.constant 0 : i32
          %dma_start3A_352 = tpu.memref_slice %arg3[%dma_start3A_351, %mul3A_338] : memref<1x262144xi32, #tpu.memory_space<hbm>> -> memref<1x256xi32, #tpu.memory_space<hbm>>
          tpu.enqueue_dma source(%dma_start3A_352 : memref<1x256xi32, #tpu.memory_space<hbm>>) target(%dma_start3A_350 : memref<1x256xi32, #tpu.memory_space<vmem>>) target_semaphore(%dma_start3A_346 : memref<!tpu.dma_semaphore, #tpu.memory_space<semaphore_mem>>)
          "tpu.trace_stop"() : () -> ()
        } else {
        }
        %and3A_163 = arith.constant true
        %and3A_164 = arith.andi %and3A, %and3A_163 : i1
        %add3A_165 = arith.constant 1 : i32
        %add3A_166 = arith.addi %scan3A_122, %add3A_165 : i32
        %select_n3A_167 = arith.select %and3A_164, %add3A_166, %scan3A_122 : i32
        %ne3A_168 = arith.cmpi ne, %add3A_131, %add3A_149 : i32
        %or3A_169 = arith.constant false
        %or3A_170 = arith.ori %or3A_169, %ne3A_168 : i1
        %or3A_171 = arith.constant false
        %or3A_172 = arith.ori %or3A_170, %or3A_171 : i1
        %ge3A_173 = arith.constant 31 : i32
        %ge3A_174 = arith.cmpi sge, %scan3A_121, %ge3A_173 : i32
        %not3A_175 = arith.constant true
        %not3A_176 = arith.xori %ge3A_174, %not3A_175 : i1
        %and3A_177 = arith.andi %or3A_172, %not3A_176 : i1
        %ne3A_178 = arith.cmpi ne, %add3A_131, %add3A_140 : i32
        %or3A_179 = arith.constant false
        %or3A_180 = arith.ori %or3A_179, %ne3A_178 : i1
        %or3A_181 = arith.ori %or3A_180, %eq3A_128 : i1
        %convert_element_type3A_182 = arith.extui %or3A_181 : i1 to i32
        %cond3A_183 = arith.constant 0 : i32
        %cond3A_184 = arith.cmpi ne, %convert_element_type3A_182, %cond3A_183 : i32
        scf.if %cond3A_184 {
          "tpu.trace_start"() <{level = 10 : i32, message = "ep_wait_in"}> : () -> ()
          %mul3A_335 = arith.constant 256 : i32
          %mul3A_336 = arith.muli %mul3A_335, %add3A_131 : i32
          %rem3A_337 = arith.constant 2 : i32
          %rem3A_338 = arith.remui %scan3A_123, %rem3A_337 : i32
          %dma_wait3A_339 = arith.constant 0 : i32
          %dma_wait3A_340 = arith.constant 0 : i32
          %dma_wait3A_341 = tpu.memref_slice %run_scoped3A[%rem3A_338, %dma_wait3A_339, %dma_wait3A_340] : memref<2x1x256xi32, #tpu.memory_space<vmem>> -> memref<1x1x256xi32, #tpu.memory_space<vmem>>
          %dma_wait3A_342 = tpu.memref_squeeze %dma_wait3A_341 : memref<1x1x256xi32, #tpu.memory_space<vmem>> -> memref<1x256xi32, #tpu.memory_space<vmem>>
          %dma_wait3A_343 = arith.constant 0 : i32
          %dma_wait3A_344 = tpu.memref_slice %arg3[%dma_wait3A_343, %mul3A_336] : memref<1x262144xi32, #tpu.memory_space<hbm>> -> memref<1x256xi32, #tpu.memory_space<hbm>>
          %dma_wait3A_345 = tpu.memref_slice %run_scoped3A_7[%rem3A_338] : memref<2x!tpu.dma_semaphore, #tpu.memory_space<semaphore_mem>> -> memref<1x!tpu.dma_semaphore, #tpu.memory_space<semaphore_mem>>
          %dma_wait3A_346 = tpu.memref_squeeze %dma_wait3A_345 : memref<1x!tpu.dma_semaphore, #tpu.memory_space<semaphore_mem>> -> memref<!tpu.dma_semaphore, #tpu.memory_space<semaphore_mem>>
          %dma_wait3A_347 = arith.constant 0 : i32
          %dma_wait3A_348 = arith.constant 0 : i32
          %dma_wait3A_349 = tpu.memref_slice %run_scoped3A[%rem3A_338, %dma_wait3A_347, %dma_wait3A_348] : memref<2x1x256xi32, #tpu.memory_space<vmem>> -> memref<1x1x256xi32, #tpu.memory_space<vmem>>
          %dma_wait3A_350 = tpu.memref_squeeze %dma_wait3A_349 : memref<1x1x256xi32, #tpu.memory_space<vmem>> -> memref<1x256xi32, #tpu.memory_space<vmem>>
          %dma_wait3A_351 = arith.constant 0 : i32
          %dma_wait3A_352 = tpu.memref_slice %arg3[%dma_wait3A_351, %mul3A_336] : memref<1x262144xi32, #tpu.memory_space<hbm>> -> memref<1x256xi32, #tpu.memory_space<hbm>>
          tpu.wait_dma2 semaphore(%dma_wait3A_346 : memref<!tpu.dma_semaphore, #tpu.memory_space<semaphore_mem>>) src(%dma_wait3A_352 : memref<1x256xi32, #tpu.memory_space<hbm>>) dst(%dma_wait3A_350 : memref<1x256xi32, #tpu.memory_space<vmem>>)
          "tpu.trace_stop"() : () -> ()
        } else {
        }
        %ne3A_185 = arith.cmpi ne, %add3A_131, %add3A_140 : i32
        %or3A_186 = arith.constant false
        %or3A_187 = arith.ori %or3A_186, %ne3A_185 : i1
        %or3A_188 = arith.constant false
        %or3A_189 = arith.ori %or3A_187, %or3A_188 : i1
        %or3A_190 = arith.ori %or3A_189, %eq3A_128 : i1
        %convert_element_type3A_191 = arith.extui %or3A_190 : i1 to i32
        %cond3A_192 = arith.constant 0 : i32
        %cond3A_193 = arith.cmpi ne, %convert_element_type3A_191, %cond3A_192 : i32
        scf.if %cond3A_193 {
        } else {
        }
        %rem3A_194 = arith.constant 2 : i32
        %rem3A_195 = arith.remui %scan3A_123, %rem3A_194 : i32
        %rem3A_196 = arith.constant 2 : i32
        %rem3A_197 = arith.remui %scan3A_124, %rem3A_196 : i32
        %dma_start3A_198 = arith.constant 0 : i32
        "tpu.trace_start"() <{level = 10 : i32, message = "ep_run_kernel"}> : () -> ()
        %dma_start3A_199 = arith.constant 0 : i32
        %dma_start3A_200 = arith.constant 0 : i32
        %dma_start3A_201 = tpu.memref_slice %run_scoped3A_8[%rem3A_197, %dma_start3A_199, %dma_start3A_200] : memref<2x256x128xf32, #tpu.memory_space<vmem>> -> memref<1x256x128xf32, #tpu.memory_space<vmem>>
        %dma_start3A_202 = tpu.memref_squeeze %dma_start3A_201 : memref<1x256x128xf32, #tpu.memory_space<vmem>> -> memref<256x128xf32, #tpu.memory_space<vmem>>
        %dma_start3A_203 = arith.constant 0 : i32
        %dma_start3A_204 = arith.constant 0 : i32
        %dma_start3A_205 = tpu.memref_slice %dma_start3A_202[%dma_start3A_203, %dma_start3A_204] : memref<256x128xf32, #tpu.memory_space<vmem>> -> memref<128x128xf32, #tpu.memory_space<vmem>>
        %dma_start3A_206 = arith.constant 0 : i32
        %dma_start3A_207 = arith.constant 0 : i32
        %dma_start3A_208 = tpu.memref_slice %run_scoped3A[%rem3A_195, %dma_start3A_206, %dma_start3A_207] : memref<2x1x256xi32, #tpu.memory_space<vmem>> -> memref<1x1x256xi32, #tpu.memory_space<vmem>>
        %dma_start3A_209 = tpu.memref_squeeze %dma_start3A_208 : memref<1x1x256xi32, #tpu.memory_space<vmem>> -> memref<1x256xi32, #tpu.memory_space<vmem>>
        %dma_start3A_210 = arith.constant 0 : i32
        %dma_start3A_211 = tpu.memref_slice %dma_start3A_209[%dma_start3A_198, %dma_start3A_210] : memref<1x256xi32, #tpu.memory_space<vmem>> -> memref<1x128xi32, #tpu.memory_space<vmem>>
        %dma_start3A_212 = tpu.memref_squeeze %dma_start3A_211 : memref<1x128xi32, #tpu.memory_space<vmem>> -> memref<128xi32, #tpu.memory_space<vmem>>
        %dma_start3A_213 = arith.constant 0 : i32
        %dma_start3A_214 = arith.constant 0 : i32
        %dma_start3A_215 = tpu.memref_slice %arg2[%dma_start3A_213, %dma_start3A_214] : memref<16384x128xf32, #tpu.memory_space<hbm>> -> memref<16384x128xf32, #tpu.memory_space<hbm>>
        tpu.enqueue_indirect_dma source(%dma_start3A_215 : memref<16384x128xf32, #tpu.memory_space<hbm>>) target(%dma_start3A_205 : memref<128x128xf32, #tpu.memory_space<vmem>>) offsets(%dma_start3A_212 : memref<128xi32, #tpu.memory_space<vmem>>) semaphore(%arg5 : memref<!tpu.dma_semaphore, #tpu.memory_space<semaphore_mem>>)
        %dma_start3A_216 = arith.constant 0 : i32
        %dma_start3A_217 = arith.constant 0 : i32
        %dma_start3A_218 = arith.constant 0 : i32
        %dma_start3A_219 = tpu.memref_slice %run_scoped3A_8[%rem3A_197, %dma_start3A_217, %dma_start3A_218] : memref<2x256x128xf32, #tpu.memory_space<vmem>> -> memref<1x256x128xf32, #tpu.memory_space<vmem>>
        %dma_start3A_220 = tpu.memref_squeeze %dma_start3A_219 : memref<1x256x128xf32, #tpu.memory_space<vmem>> -> memref<256x128xf32, #tpu.memory_space<vmem>>
        %dma_start3A_221 = arith.constant 128 : i32
        %dma_start3A_222 = arith.constant 0 : i32
        %dma_start3A_223 = tpu.memref_slice %dma_start3A_220[%dma_start3A_221, %dma_start3A_222] : memref<256x128xf32, #tpu.memory_space<vmem>> -> memref<128x128xf32, #tpu.memory_space<vmem>>
        %dma_start3A_224 = arith.constant 0 : i32
        %dma_start3A_225 = arith.constant 0 : i32
        %dma_start3A_226 = tpu.memref_slice %run_scoped3A[%rem3A_195, %dma_start3A_224, %dma_start3A_225] : memref<2x1x256xi32, #tpu.memory_space<vmem>> -> memref<1x1x256xi32, #tpu.memory_space<vmem>>
        %dma_start3A_227 = tpu.memref_squeeze %dma_start3A_226 : memref<1x1x256xi32, #tpu.memory_space<vmem>> -> memref<1x256xi32, #tpu.memory_space<vmem>>
        %dma_start3A_228 = arith.constant 128 : i32
        %dma_start3A_229 = tpu.memref_slice %dma_start3A_227[%dma_start3A_216, %dma_start3A_228] : memref<1x256xi32, #tpu.memory_space<vmem>> -> memref<1x128xi32, #tpu.memory_space<vmem>>
        %dma_start3A_230 = tpu.memref_squeeze %dma_start3A_229 : memref<1x128xi32, #tpu.memory_space<vmem>> -> memref<128xi32, #tpu.memory_space<vmem>>
        %dma_start3A_231 = arith.constant 0 : i32
        %dma_start3A_232 = arith.constant 0 : i32
        %dma_start3A_233 = tpu.memref_slice %arg2[%dma_start3A_231, %dma_start3A_232] : memref<16384x128xf32, #tpu.memory_space<hbm>> -> memref<16384x128xf32, #tpu.memory_space<hbm>>
        tpu.enqueue_indirect_dma source(%dma_start3A_233 : memref<16384x128xf32, #tpu.memory_space<hbm>>) target(%dma_start3A_223 : memref<128x128xf32, #tpu.memory_space<vmem>>) offsets(%dma_start3A_230 : memref<128xi32, #tpu.memory_space<vmem>>) semaphore(%arg5 : memref<!tpu.dma_semaphore, #tpu.memory_space<semaphore_mem>>)
        %dma_wait3A_234 = arith.constant 0 : i32
        %dma_wait3A_235 = arith.constant 0 : i32
        %dma_wait3A_236 = arith.constant 0 : i32
        %dma_wait3A_237 = tpu.memref_slice %run_scoped3A_8[%rem3A_197, %dma_wait3A_235, %dma_wait3A_236] : memref<2x256x128xf32, #tpu.memory_space<vmem>> -> memref<1x256x128xf32, #tpu.memory_space<vmem>>
        %dma_wait3A_238 = tpu.memref_squeeze %dma_wait3A_237 : memref<1x256x128xf32, #tpu.memory_space<vmem>> -> memref<256x128xf32, #tpu.memory_space<vmem>>
        %dma_wait3A_239 = arith.constant 0 : i32
        %dma_wait3A_240 = arith.constant 0 : i32
        %dma_wait3A_241 = tpu.memref_slice %dma_wait3A_238[%dma_wait3A_239, %dma_wait3A_240] : memref<256x128xf32, #tpu.memory_space<vmem>> -> memref<128x128xf32, #tpu.memory_space<vmem>>
        %dma_wait3A_242 = arith.constant 0 : i32
        %dma_wait3A_243 = arith.constant 0 : i32
        %dma_wait3A_244 = tpu.memref_slice %run_scoped3A[%rem3A_195, %dma_wait3A_242, %dma_wait3A_243] : memref<2x1x256xi32, #tpu.memory_space<vmem>> -> memref<1x1x256xi32, #tpu.memory_space<vmem>>
        %dma_wait3A_245 = tpu.memref_squeeze %dma_wait3A_244 : memref<1x1x256xi32, #tpu.memory_space<vmem>> -> memref<1x256xi32, #tpu.memory_space<vmem>>
        %dma_wait3A_246 = arith.constant 0 : i32
        %dma_wait3A_247 = tpu.memref_slice %dma_wait3A_245[%dma_wait3A_234, %dma_wait3A_246] : memref<1x256xi32, #tpu.memory_space<vmem>> -> memref<1x128xi32, #tpu.memory_space<vmem>>
        %dma_wait3A_248 = tpu.memref_squeeze %dma_wait3A_247 : memref<1x128xi32, #tpu.memory_space<vmem>> -> memref<128xi32, #tpu.memory_space<vmem>>
        %dma_wait3A_249 = arith.constant 0 : i32
        %dma_wait3A_250 = arith.constant 0 : i32
        %dma_wait3A_251 = tpu.memref_slice %arg2[%dma_wait3A_249, %dma_wait3A_250] : memref<16384x128xf32, #tpu.memory_space<hbm>> -> memref<16384x128xf32, #tpu.memory_space<hbm>>
        tpu.wait_indirect_dma semaphore(%arg5 : memref<!tpu.dma_semaphore, #tpu.memory_space<semaphore_mem>>) src(%dma_wait3A_251 : memref<16384x128xf32, #tpu.memory_space<hbm>>) dst(%dma_wait3A_241 : memref<128x128xf32, #tpu.memory_space<vmem>>)
        %dma_wait3A_252 = arith.constant 0 : i32
        %dma_wait3A_253 = arith.constant 0 : i32
        %dma_wait3A_254 = arith.constant 0 : i32
        %dma_wait3A_255 = tpu.memref_slice %run_scoped3A_8[%rem3A_197, %dma_wait3A_253, %dma_wait3A_254] : memref<2x256x128xf32, #tpu.memory_space<vmem>> -> memref<1x256x128xf32, #tpu.memory_space<vmem>>
        %dma_wait3A_256 = tpu.memref_squeeze %dma_wait3A_255 : memref<1x256x128xf32, #tpu.memory_space<vmem>> -> memref<256x128xf32, #tpu.memory_space<vmem>>
        %dma_wait3A_257 = arith.constant 128 : i32
        %dma_wait3A_258 = arith.constant 0 : i32
        %dma_wait3A_259 = tpu.memref_slice %dma_wait3A_256[%dma_wait3A_257, %dma_wait3A_258] : memref<256x128xf32, #tpu.memory_space<vmem>> -> memref<128x128xf32, #tpu.memory_space<vmem>>
        %dma_wait3A_260 = arith.constant 0 : i32
        %dma_wait3A_261 = arith.constant 0 : i32
        %dma_wait3A_262 = tpu.memref_slice %run_scoped3A[%rem3A_195, %dma_wait3A_260, %dma_wait3A_261] : memref<2x1x256xi32, #tpu.memory_space<vmem>> -> memref<1x1x256xi32, #tpu.memory_space<vmem>>
        %dma_wait3A_263 = tpu.memref_squeeze %dma_wait3A_262 : memref<1x1x256xi32, #tpu.memory_space<vmem>> -> memref<1x256xi32, #tpu.memory_space<vmem>>
        %dma_wait3A_264 = arith.constant 128 : i32
        %dma_wait3A_265 = tpu.memref_slice %dma_wait3A_263[%dma_wait3A_252, %dma_wait3A_264] : memref<1x256xi32, #tpu.memory_space<vmem>> -> memref<1x128xi32, #tpu.memory_space<vmem>>
        %dma_wait3A_266 = tpu.memref_squeeze %dma_wait3A_265 : memref<1x128xi32, #tpu.memory_space<vmem>> -> memref<128xi32, #tpu.memory_space<vmem>>
        %dma_wait3A_267 = arith.constant 0 : i32
        %dma_wait3A_268 = arith.constant 0 : i32
        %dma_wait3A_269 = tpu.memref_slice %arg2[%dma_wait3A_267, %dma_wait3A_268] : memref<16384x128xf32, #tpu.memory_space<hbm>> -> memref<16384x128xf32, #tpu.memory_space<hbm>>
        tpu.wait_indirect_dma semaphore(%arg5 : memref<!tpu.dma_semaphore, #tpu.memory_space<semaphore_mem>>) src(%dma_wait3A_269 : memref<16384x128xf32, #tpu.memory_space<hbm>>) dst(%dma_wait3A_259 : memref<128x128xf32, #tpu.memory_space<vmem>>)
        "tpu.trace_stop"() : () -> ()
        %ne3A_270 = arith.cmpi ne, %add3A_131, %add3A_149 : i32
        %or3A_271 = arith.constant false
        %or3A_272 = arith.ori %or3A_271, %ne3A_270 : i1
        %or3A_273 = arith.ori %or3A_272, %eq3A_130 : i1
        %convert_element_type3A_274 = arith.extui %or3A_273 : i1 to i32
        %cond3A_275 = arith.constant 0 : i32
        %cond3A_276 = arith.cmpi ne, %convert_element_type3A_274, %cond3A_275 : i32
        scf.if %cond3A_276 {
        } else {
        }
        %and3A_277 = arith.constant false
        %and3A_278 = arith.andi %or3A_273, %and3A_277 : i1
        %ne3A_279 = arith.cmpi ne, %add3A_131, %add3A_149 : i32
        %or3A_280 = arith.constant false
        %or3A_281 = arith.ori %or3A_280, %ne3A_279 : i1
        %or3A_282 = arith.constant false
        %or3A_283 = arith.ori %or3A_281, %or3A_282 : i1
        %or3A_284 = arith.ori %or3A_283, %eq3A_130 : i1
        %convert_element_type3A_285 = arith.extui %or3A_284 : i1 to i32
        %cond3A_286 = arith.constant 0 : i32
        %cond3A_287 = arith.cmpi ne, %convert_element_type3A_285, %cond3A_286 : i32
        scf.if %cond3A_287 {
          "tpu.trace_start"() <{level = 10 : i32, message = "ep_copy_out"}> : () -> ()
          %rem3A_335 = arith.constant 2 : i32
          %rem3A_336 = arith.remui %scan3A_124, %rem3A_335 : i32
          %mul3A_337 = arith.constant 256 : i32
          %mul3A_338 = arith.muli %mul3A_337, %add3A_131 : i32
          %dma_start3A_339 = arith.constant 0 : i32
          %dma_start3A_340 = arith.constant 0 : i32
          %dma_start3A_341 = tpu.memref_slice %run_scoped3A_8[%rem3A_336, %dma_start3A_339, %dma_start3A_340] : memref<2x256x128xf32, #tpu.memory_space<vmem>> -> memref<1x256x128xf32, #tpu.memory_space<vmem>>
          %dma_start3A_342 = tpu.memref_squeeze %dma_start3A_341 : memref<1x256x128xf32, #tpu.memory_space<vmem>> -> memref<256x128xf32, #tpu.memory_space<vmem>>
          %dma_start3A_343 = arith.constant 0 : i32
          %dma_start3A_344 = tpu.memref_slice %arg4[%mul3A_338, %dma_start3A_343] : memref<262144x128xf32, #tpu.memory_space<hbm>> -> memref<256x128xf32, #tpu.memory_space<hbm>>
          %dma_start3A_345 = tpu.memref_slice %run_scoped3A_9[%rem3A_336] : memref<2x!tpu.dma_semaphore, #tpu.memory_space<semaphore_mem>> -> memref<1x!tpu.dma_semaphore, #tpu.memory_space<semaphore_mem>>
          %dma_start3A_346 = tpu.memref_squeeze %dma_start3A_345 : memref<1x!tpu.dma_semaphore, #tpu.memory_space<semaphore_mem>> -> memref<!tpu.dma_semaphore, #tpu.memory_space<semaphore_mem>>
          %dma_start3A_347 = arith.constant 0 : i32
          %dma_start3A_348 = tpu.memref_slice %arg4[%mul3A_338, %dma_start3A_347] : memref<262144x128xf32, #tpu.memory_space<hbm>> -> memref<256x128xf32, #tpu.memory_space<hbm>>
          %dma_start3A_349 = arith.constant 0 : i32
          %dma_start3A_350 = arith.constant 0 : i32
          %dma_start3A_351 = tpu.memref_slice %run_scoped3A_8[%rem3A_336, %dma_start3A_349, %dma_start3A_350] : memref<2x256x128xf32, #tpu.memory_space<vmem>> -> memref<1x256x128xf32, #tpu.memory_space<vmem>>
          %dma_start3A_352 = tpu.memref_squeeze %dma_start3A_351 : memref<1x256x128xf32, #tpu.memory_space<vmem>> -> memref<256x128xf32, #tpu.memory_space<vmem>>
          tpu.enqueue_dma source(%dma_start3A_352 : memref<256x128xf32, #tpu.memory_space<vmem>>) target(%dma_start3A_348 : memref<256x128xf32, #tpu.memory_space<hbm>>) target_semaphore(%dma_start3A_346 : memref<!tpu.dma_semaphore, #tpu.memory_space<semaphore_mem>>)
          "tpu.trace_stop"() : () -> ()
        } else {
        }
        %and3A_288 = arith.constant true
        %and3A_289 = arith.andi %or3A_284, %and3A_288 : i1
        %add3A_290 = arith.constant 1 : i32
        %add3A_291 = arith.addi %scan3A_124, %add3A_290 : i32
        %select_n3A_292 = arith.select %and3A_289, %add3A_291, %scan3A_124 : i32
        %ne3A_293 = arith.cmpi ne, %add3A_131, %add3A_140 : i32
        %or3A_294 = arith.constant false
        %or3A_295 = arith.ori %or3A_294, %ne3A_293 : i1
        %not3A_296 = arith.constant true
        %not3A_297 = arith.xori %eq3A_128, %not3A_296 : i1
        %and3A_298 = arith.andi %or3A_295, %not3A_297 : i1
        %convert_element_type3A_299 = arith.extui %and3A_298 : i1 to i32
        %cond3A_300 = arith.constant 0 : i32
        %cond3A_301 = arith.cmpi ne, %convert_element_type3A_299, %cond3A_300 : i32
        scf.if %cond3A_301 {
        } else {
        }
        %and3A_302 = arith.constant false
        %and3A_303 = arith.andi %and3A_298, %and3A_302 : i1
        %ne3A_304 = arith.cmpi ne, %add3A_131, %add3A_140 : i32
        %or3A_305 = arith.constant false
        %or3A_306 = arith.ori %or3A_305, %ne3A_304 : i1
        %or3A_307 = arith.constant false
        %or3A_308 = arith.ori %or3A_306, %or3A_307 : i1
        %not3A_309 = arith.constant true
        %not3A_310 = arith.xori %eq3A_128, %not3A_309 : i1
        %and3A_311 = arith.andi %or3A_308, %not3A_310 : i1
        %convert_element_type3A_312 = arith.extui %and3A_311 : i1 to i32
        %cond3A_313 = arith.constant 0 : i32
        %cond3A_314 = arith.cmpi ne, %convert_element_type3A_312, %cond3A_313 : i32
        scf.if %cond3A_314 {
          "tpu.trace_start"() <{level = 10 : i32, message = "ep_wait_out"}> : () -> ()
          %rem3A_335 = arith.constant 2 : i32
          %rem3A_336 = arith.remui %scan3A_125, %rem3A_335 : i32
          %mul3A_337 = arith.constant 256 : i32
          %mul3A_338 = arith.muli %mul3A_337, %add3A_140 : i32
          %dma_wait3A_339 = arith.constant 0 : i32
          %dma_wait3A_340 = arith.constant 0 : i32
          %dma_wait3A_341 = tpu.memref_slice %run_scoped3A_8[%rem3A_336, %dma_wait3A_339, %dma_wait3A_340] : memref<2x256x128xf32, #tpu.memory_space<vmem>> -> memref<1x256x128xf32, #tpu.memory_space<vmem>>
          %dma_wait3A_342 = tpu.memref_squeeze %dma_wait3A_341 : memref<1x256x128xf32, #tpu.memory_space<vmem>> -> memref<256x128xf32, #tpu.memory_space<vmem>>
          %dma_wait3A_343 = arith.constant 0 : i32
          %dma_wait3A_344 = tpu.memref_slice %arg4[%mul3A_338, %dma_wait3A_343] : memref<262144x128xf32, #tpu.memory_space<hbm>> -> memref<256x128xf32, #tpu.memory_space<hbm>>
          %dma_wait3A_345 = tpu.memref_slice %run_scoped3A_9[%rem3A_336] : memref<2x!tpu.dma_semaphore, #tpu.memory_space<semaphore_mem>> -> memref<1x!tpu.dma_semaphore, #tpu.memory_space<semaphore_mem>>
          %dma_wait3A_346 = tpu.memref_squeeze %dma_wait3A_345 : memref<1x!tpu.dma_semaphore, #tpu.memory_space<semaphore_mem>> -> memref<!tpu.dma_semaphore, #tpu.memory_space<semaphore_mem>>
          %dma_wait3A_347 = arith.constant 0 : i32
          %dma_wait3A_348 = tpu.memref_slice %arg4[%mul3A_338, %dma_wait3A_347] : memref<262144x128xf32, #tpu.memory_space<hbm>> -> memref<256x128xf32, #tpu.memory_space<hbm>>
          %dma_wait3A_349 = arith.constant 0 : i32
          %dma_wait3A_350 = arith.constant 0 : i32
          %dma_wait3A_351 = tpu.memref_slice %run_scoped3A_8[%rem3A_336, %dma_wait3A_349, %dma_wait3A_350] : memref<2x256x128xf32, #tpu.memory_space<vmem>> -> memref<1x256x128xf32, #tpu.memory_space<vmem>>
          %dma_wait3A_352 = tpu.memref_squeeze %dma_wait3A_351 : memref<1x256x128xf32, #tpu.memory_space<vmem>> -> memref<256x128xf32, #tpu.memory_space<vmem>>
          tpu.wait_dma2 semaphore(%dma_wait3A_346 : memref<!tpu.dma_semaphore, #tpu.memory_space<semaphore_mem>>) src(%dma_wait3A_352 : memref<256x128xf32, #tpu.memory_space<vmem>>) dst(%dma_wait3A_348 : memref<256x128xf32, #tpu.memory_space<hbm>>)
          "tpu.trace_stop"() : () -> ()
        } else {
        }
        %and3A_315 = arith.constant true
        %and3A_316 = arith.andi %and3A_311, %and3A_315 : i1
        %add3A_317 = arith.constant 1 : i32
        %add3A_318 = arith.addi %scan3A_125, %add3A_317 : i32
        %select_n3A_319 = arith.select %and3A_316, %add3A_318, %scan3A_125 : i32
        %ne3A_320 = arith.cmpi ne, %add3A_131, %add3A_149 : i32
        %or3A_321 = arith.constant false
        %or3A_322 = arith.ori %or3A_321, %ne3A_320 : i1
        %or3A_323 = arith.ori %or3A_322, %eq3A_130 : i1
        %add3A_324 = arith.constant 1 : i32
        %add3A_325 = arith.addi %scan3A_123, %add3A_324 : i32
        %select_n3A_326 = arith.select %or3A_323, %add3A_325, %scan3A_123 : i32
        %add3A_327 = arith.constant 1 : i32
        %add3A_328 = arith.addi %scan3A_126, %add3A_327 : i32
        %select_n3A_329 = arith.constant true
        %select_n3A_330 = arith.select %select_n3A_329, %add3A_328, %scan3A_126 : i32
        %eq3A_331 = arith.constant 32 : i32
        %eq3A_332 = arith.cmpi eq, %select_n3A_330, %eq3A_331 : i32
        %select_n3A_333 = arith.constant 0 : i32
        %select_n3A_334 = arith.select %eq3A_332, %select_n3A_333, %select_n3A_330 : i32
        scf.yield %select_n3A_167, %select_n3A_326, %select_n3A_292, %select_n3A_319, %select_n3A_334 : i32, i32, i32, i32, i32
      }
      %scan3A_68 = arith.constant 32 : i32
      %sub3A = arith.constant 1 : i32
      %sub3A_69 = arith.subi %scan3A_67#4, %sub3A : i32
      %select_n3A_70 = arith.constant true
      %select_n3A_71 = arith.select %select_n3A_70, %sub3A_69, %scan3A_67#4 : i32
      %eq3A_72 = arith.constant -1 : i32
      %eq3A_73 = arith.cmpi eq, %select_n3A_71, %eq3A_72 : i32
      %select_n3A_74 = arith.constant 31 : i32
      %select_n3A_75 = arith.select %eq3A_73, %select_n3A_74, %select_n3A_71 : i32
      %add3A_76 = arith.addi %select_n3A_75, %mul3A_6 : i32
      %sub3A_77 = arith.constant 1 : i32
      %sub3A_78 = arith.subi %select_n3A_75, %sub3A_77 : i32
      %select_n3A_79 = arith.constant true
      %select_n3A_80 = arith.select %select_n3A_79, %sub3A_78, %select_n3A_75 : i32
      %eq3A_81 = arith.constant -1 : i32
      %eq3A_82 = arith.cmpi eq, %select_n3A_80, %eq3A_81 : i32
      %select_n3A_83 = arith.constant 31 : i32
      %select_n3A_84 = arith.select %eq3A_82, %select_n3A_83, %select_n3A_80 : i32
      %add3A_85 = arith.addi %select_n3A_84, %mul3A_6 : i32
      %add3A_86 = arith.constant 1 : i32
      %add3A_87 = arith.addi %select_n3A_75, %add3A_86 : i32
      %select_n3A_88 = arith.constant true
      %select_n3A_89 = arith.select %select_n3A_88, %add3A_87, %select_n3A_75 : i32
      %eq3A_90 = arith.constant 32 : i32
      %eq3A_91 = arith.cmpi eq, %select_n3A_89, %eq3A_90 : i32
      %select_n3A_92 = arith.constant 0 : i32
      %select_n3A_93 = arith.select %eq3A_91, %select_n3A_92, %select_n3A_89 : i32
      %add3A_94 = arith.addi %select_n3A_93, %mul3A_6 : i32
      %add3A_95 = arith.constant 1 : i32
      %add3A_96 = arith.addi %select_n3A_93, %add3A_95 : i32
      %select_n3A_97 = arith.constant true
      %select_n3A_98 = arith.select %select_n3A_97, %add3A_96, %select_n3A_93 : i32
      %eq3A_99 = arith.constant 32 : i32
      %eq3A_100 = arith.cmpi eq, %select_n3A_98, %eq3A_99 : i32
      %select_n3A_101 = arith.constant 0 : i32
      %select_n3A_102 = arith.select %eq3A_100, %select_n3A_101, %select_n3A_98 : i32
      %add3A_103 = arith.addi %select_n3A_102, %mul3A_6 : i32
      "tpu.trace_start"() <{level = 10 : i32, message = "ep_finalize"}> : () -> ()
      %rem3A_104 = arith.constant 2 : i32
      %rem3A_105 = arith.remui %scan3A_67#3, %rem3A_104 : i32
      %mul3A_106 = arith.constant 256 : i32
      %mul3A_107 = arith.muli %mul3A_106, %add3A_76 : i32
      %dma_wait3A = arith.constant 0 : i32
      %dma_wait3A_108 = arith.constant 0 : i32
      %dma_wait3A_109 = tpu.memref_slice %run_scoped3A_8[%rem3A_105, %dma_wait3A, %dma_wait3A_108] : memref<2x256x128xf32, #tpu.memory_space<vmem>> -> memref<1x256x128xf32, #tpu.memory_space<vmem>>
      %dma_wait3A_110 = tpu.memref_squeeze %dma_wait3A_109 : memref<1x256x128xf32, #tpu.memory_space<vmem>> -> memref<256x128xf32, #tpu.memory_space<vmem>>
      %dma_wait3A_111 = arith.constant 0 : i32
      %dma_wait3A_112 = tpu.memref_slice %arg4[%mul3A_107, %dma_wait3A_111] : memref<262144x128xf32, #tpu.memory_space<hbm>> -> memref<256x128xf32, #tpu.memory_space<hbm>>
      %dma_wait3A_113 = tpu.memref_slice %run_scoped3A_9[%rem3A_105] : memref<2x!tpu.dma_semaphore, #tpu.memory_space<semaphore_mem>> -> memref<1x!tpu.dma_semaphore, #tpu.memory_space<semaphore_mem>>
      %dma_wait3A_114 = tpu.memref_squeeze %dma_wait3A_113 : memref<1x!tpu.dma_semaphore, #tpu.memory_space<semaphore_mem>> -> memref<!tpu.dma_semaphore, #tpu.memory_space<semaphore_mem>>
      %dma_wait3A_115 = arith.constant 0 : i32
      %dma_wait3A_116 = tpu.memref_slice %arg4[%mul3A_107, %dma_wait3A_115] : memref<262144x128xf32, #tpu.memory_space<hbm>> -> memref<256x128xf32, #tpu.memory_space<hbm>>
      %dma_wait3A_117 = arith.constant 0 : i32
      %dma_wait3A_118 = arith.constant 0 : i32
      %dma_wait3A_119 = tpu.memref_slice %run_scoped3A_8[%rem3A_105, %dma_wait3A_117, %dma_wait3A_118] : memref<2x256x128xf32, #tpu.memory_space<vmem>> -> memref<1x256x128xf32, #tpu.memory_space<vmem>>
      %dma_wait3A_120 = tpu.memref_squeeze %dma_wait3A_119 : memref<1x256x128xf32, #tpu.memory_space<vmem>> -> memref<256x128xf32, #tpu.memory_space<vmem>>
      tpu.wait_dma2 semaphore(%dma_wait3A_114 : memref<!tpu.dma_semaphore, #tpu.memory_space<semaphore_mem>>) src(%dma_wait3A_120 : memref<256x128xf32, #tpu.memory_space<vmem>>) dst(%dma_wait3A_116 : memref<256x128xf32, #tpu.memory_space<hbm>>)
      "tpu.trace_stop"() : () -> ()
      tpu.yield
    }) : () -> ()
    return
  }
}

#map = affine_map<(d0, d1) -> (0, 0)>
module attributes {stable_mosaic.version = 14 : i64} {
  func.func @gather_kernel(%arg0: i32, %arg1: i32, %arg2: memref<16384x128xf32, #tpu.memory_space<hbm>>, %arg3: memref<1x262144xi32, #tpu.memory_space<hbm>>, %arg4: memref<262144x128xf32, #tpu.memory_space<hbm>>, %arg5: memref<!tpu.dma_semaphore, #tpu.memory_space<semaphore_mem>>) attributes {dimension_semantics = [#tpu.dimension_semantics<core_parallel>, #tpu.dimension_semantics<subcore_parallel>], iteration_bounds = array<i64: 2, 16>, scalar_prefetch = 0 : i64, scratch_operands = 1 : i64, tpu.core_type = #tpu.core_type<sc_vector_subcore>, window_params = [{transform_indices = #map}, {transform_indices = #map}, {transform_indices = #map}]} {
    %mul3A = arith.constant 1 : i32
    %mul3A_0 = arith.muli %arg1, %mul3A : i32
    %add3A = arith.constant 0 : i32
    %add3A_1 = arith.addi %add3A, %mul3A_0 : i32
    %mul3A_2 = arith.constant 16 : i32
    %mul3A_3 = arith.muli %arg0, %mul3A_2 : i32
    %add3A_4 = arith.addi %add3A_1, %mul3A_3 : i32
    %mul3A_5 = arith.constant 32 : i32
    %mul3A_6 = arith.muli %add3A_4, %mul3A_5 : i32
    "tpu.region"() ({
      %run_scoped3A = memref.alloca() : memref<2x1x256xi32, #tpu.memory_space<vmem>>
      %run_scoped3A_7 = tpu.sem_alloc : memref<2x!tpu.dma_semaphore, #tpu.memory_space<semaphore_mem>>
      %run_scoped3A_8 = memref.alloca() : memref<2x256x128xf32, #tpu.memory_space<vmem>>
      %run_scoped3A_9 = tpu.sem_alloc : memref<2x!tpu.dma_semaphore, #tpu.memory_space<semaphore_mem>>
      %add3A_10 = arith.constant 0 : i32
      %add3A_11 = arith.addi %add3A_10, %mul3A_6 : i32
      %select_n3A = arith.constant true
      %select_n3A_12 = arith.constant 0 : i32
      %select_n3A_13 = arith.constant -1 : i32
      %select_n3A_14 = arith.select %select_n3A, %select_n3A_13, %select_n3A_12 : i32
      %eq3A = arith.constant -1 : i32
      %eq3A_15 = arith.cmpi eq, %select_n3A_14, %eq3A : i32
      %select_n3A_16 = arith.constant 31 : i32
      %select_n3A_17 = arith.select %eq3A_15, %select_n3A_16, %select_n3A_14 : i32
      %add3A_18 = arith.addi %select_n3A_17, %mul3A_6 : i32
      %select_n3A_19 = arith.constant true
      %select_n3A_20 = arith.constant 0 : i32
      %select_n3A_21 = arith.constant 1 : i32
      %select_n3A_22 = arith.select %select_n3A_19, %select_n3A_21, %select_n3A_20 : i32
      %eq3A_23 = arith.constant 32 : i32
      %eq3A_24 = arith.cmpi eq, %select_n3A_22, %eq3A_23 : i32
      %select_n3A_25 = arith.constant 0 : i32
      %select_n3A_26 = arith.select %eq3A_24, %select_n3A_25, %select_n3A_22 : i32
      %add3A_27 = arith.addi %select_n3A_26, %mul3A_6 : i32
      %add3A_28 = arith.constant 1 : i32
      %add3A_29 = arith.addi %select_n3A_26, %add3A_28 : i32
      %select_n3A_30 = arith.constant true
      %select_n3A_31 = arith.select %select_n3A_30, %add3A_29, %select_n3A_26 : i32
      %eq3A_32 = arith.constant 32 : i32
      %eq3A_33 = arith.cmpi eq, %select_n3A_31, %eq3A_32 : i32
      %select_n3A_34 = arith.constant 0 : i32
      %select_n3A_35 = arith.select %eq3A_33, %select_n3A_34, %select_n3A_31 : i32
      %add3A_36 = arith.addi %select_n3A_35, %mul3A_6 : i32
      "tpu.trace_start"() <{level = 10 : i32, message = "ep_initialize_0"}> : () -> ()
      %rem3A = arith.constant 0 : i32
      %rem3A_37 = arith.constant 2 : i32
      %rem3A_38 = arith.remui %rem3A, %rem3A_37 : i32
      %mul3A_39 = arith.constant 256 : i32
      %mul3A_40 = arith.muli %mul3A_39, %add3A_11 : i32
      %dma_start3A = arith.constant 0 : i32
      %dma_start3A_41 = arith.constant 0 : i32
      %dma_start3A_42 = tpu.memref_slice %run_scoped3A[%rem3A_38, %dma_start3A, %dma_start3A_41] : memref<2x1x256xi32, #tpu.memory_space<vmem>> -> memref<1x1x256xi32, #tpu.memory_space<vmem>>
      %dma_start3A_43 = tpu.memref_squeeze %dma_start3A_42 : memref<1x1x256xi32, #tpu.memory_space<vmem>> -> memref<1x256xi32, #tpu.memory_space<vmem>>
      %dma_start3A_44 = arith.constant 0 : i32
      %dma_start3A_45 = tpu.memref_slice %arg3[%dma_start3A_44, %mul3A_40] : memref<1x262144xi32, #tpu.memory_space<hbm>> -> memref<1x256xi32, #tpu.memory_space<hbm>>
      %dma_start3A_46 = tpu.memref_slice %run_scoped3A_7[%rem3A_38] : memref<2x!tpu.dma_semaphore, #tpu.memory_space<semaphore_mem>> -> memref<1x!tpu.dma_semaphore, #tpu.memory_space<semaphore_mem>>
      %dma_start3A_47 = tpu.memref_squeeze %dma_start3A_46 : memref<1x!tpu.dma_semaphore, #tpu.memory_space<semaphore_mem>> -> memref<!tpu.dma_semaphore, #tpu.memory_space<semaphore_mem>>
      %dma_start3A_48 = arith.constant 0 : i32
      %dma_start3A_49 = arith.constant 0 : i32
      %dma_start3A_50 = tpu.memref_slice %run_scoped3A[%rem3A_38, %dma_start3A_48, %dma_start3A_49] : memref<2x1x256xi32, #tpu.memory_space<vmem>> -> memref<1x1x256xi32, #tpu.memory_space<vmem>>
      %dma_start3A_51 = tpu.memref_squeeze %dma_start3A_50 : memref<1x1x256xi32, #tpu.memory_space<vmem>> -> memref<1x256xi32, #tpu.memory_space<vmem>>
      %dma_start3A_52 = arith.constant 0 : i32
      %dma_start3A_53 = tpu.memref_slice %arg3[%dma_start3A_52, %mul3A_40] : memref<1x262144xi32, #tpu.memory_space<hbm>> -> memref<1x256xi32, #tpu.memory_space<hbm>>
      tpu.enqueue_dma source(%dma_start3A_53 : memref<1x256xi32, #tpu.memory_space<hbm>>) target(%dma_start3A_51 : memref<1x256xi32, #tpu.memory_space<vmem>>) target_semaphore(%dma_start3A_47 : memref<!tpu.dma_semaphore, #tpu.memory_space<semaphore_mem>>)
      %add3A_54 = arith.constant 0 : i32
      %add3A_55 = arith.constant 1 : i32
      %add3A_56 = arith.addi %add3A_54, %add3A_55 : i32
      %select_n3A_57 = arith.constant true
      %select_n3A_58 = arith.constant 0 : i32
      %select_n3A_59 = arith.select %select_n3A_57, %add3A_56, %select_n3A_58 : i32
      "tpu.trace_stop"() : () -> ()
      %scan3A = arith.constant 0 : i32
      %scan3A_60 = arith.constant 0 : i32
      %scan3A_61 = arith.constant 0 : i32
      %scan3A_62 = arith.constant 0 : i32
      %scan3A_63 = arith.constant 0 : i32
      %scan3A_64 = arith.constant 32 : i32
      %scan3A_65 = arith.addi %scan3A_63, %scan3A_64 : i32
      %scan3A_66 = arith.constant 1 : i32
      %scan3A_67:5 = scf.for %scan3A_121 = %scan3A_63 to %scan3A_65 step %scan3A_66 iter_args(%scan3A_122 = %select_n3A_59, %scan3A_123 = %scan3A, %scan3A_124 = %scan3A_60, %scan3A_125 = %scan3A_61, %scan3A_126 = %scan3A_62) -> (i32, i32, i32, i32, i32)  : i32 {
        %eq3A_127 = arith.constant 0 : i32
        %eq3A_128 = arith.cmpi eq, %scan3A_121, %eq3A_127 : i32
        %eq3A_129 = arith.constant 31 : i32
        %eq3A_130 = arith.cmpi eq, %scan3A_121, %eq3A_129 : i32
        %add3A_131 = arith.addi %scan3A_126, %mul3A_6 : i32
        %sub3A_132 = arith.constant 1 : i32
        %sub3A_133 = arith.subi %scan3A_126, %sub3A_132 : i32
        %select_n3A_134 = arith.constant true
        %select_n3A_135 = arith.select %select_n3A_134, %sub3A_133, %scan3A_126 : i32
        %eq3A_136 = arith.constant -1 : i32
        %eq3A_137 = arith.cmpi eq, %select_n3A_135, %eq3A_136 : i32
        %select_n3A_138 = arith.constant 31 : i32
        %select_n3A_139 = arith.select %eq3A_137, %select_n3A_138, %select_n3A_135 : i32
        %add3A_140 = arith.addi %select_n3A_139, %mul3A_6 : i32
        %add3A_141 = arith.constant 1 : i32
        %add3A_142 = arith.addi %scan3A_126, %add3A_141 : i32
        %select_n3A_143 = arith.constant true
        %select_n3A_144 = arith.select %select_n3A_143, %add3A_142, %scan3A_126 : i32
        %eq3A_145 = arith.constant 32 : i32
        %eq3A_146 = arith.cmpi eq, %select_n3A_144, %eq3A_145 : i32
        %select_n3A_147 = arith.constant 0 : i32
        %select_n3A_148 = arith.select %eq3A_146, %select_n3A_147, %select_n3A_144 : i32
        %add3A_149 = arith.addi %select_n3A_148, %mul3A_6 : i32
        %add3A_150 = arith.constant 1 : i32
        %add3A_151 = arith.addi %select_n3A_148, %add3A_150 : i32
        %select_n3A_152 = arith.constant true
        %select_n3A_153 = arith.select %select_n3A_152, %add3A_151, %select_n3A_148 : i32
        %eq3A_154 = arith.constant 32 : i32
        %eq3A_155 = arith.cmpi eq, %select_n3A_153, %eq3A_154 : i32
        %select_n3A_156 = arith.constant 0 : i32
        %select_n3A_157 = arith.select %eq3A_155, %select_n3A_156, %select_n3A_153 : i32
        %add3A_158 = arith.addi %select_n3A_157, %mul3A_6 : i32
        %ne3A = arith.cmpi ne, %add3A_131, %add3A_149 : i32
        %or3A = arith.constant false
        %or3A_159 = arith.ori %or3A, %ne3A : i1
        %ge3A = arith.constant 31 : i32
        %ge3A_160 = arith.cmpi sge, %scan3A_121, %ge3A : i32
        %not3A = arith.constant true
        %not3A_161 = arith.xori %ge3A_160, %not3A : i1
        %and3A = arith.andi %or3A_159, %not3A_161 : i1
        %convert_element_type3A = arith.extui %and3A : i1 to i32
        %cond3A = arith.constant 0 : i32
        %cond3A_162 = arith.cmpi ne, %convert_element_type3A, %cond3A : i32
        scf.if %cond3A_162 {
          "tpu.trace_start"() <{level = 10 : i32, message = "ep_copy_in"}> : () -> ()
          %rem3A_335 = arith.constant 2 : i32
          %rem3A_336 = arith.remui %scan3A_122, %rem3A_335 : i32
          %mul3A_337 = arith.constant 256 : i32
          %mul3A_338 = arith.muli %mul3A_337, %add3A_149 : i32
          %dma_start3A_339 = arith.constant 0 : i32
          %dma_start3A_340 = arith.constant 0 : i32
          %dma_start3A_341 = tpu.memref_slice %run_scoped3A[%rem3A_336, %dma_start3A_339, %dma_start3A_340] : memref<2x1x256xi32, #tpu.memory_space<vmem>> -> memref<1x1x256xi32, #tpu.memory_space<vmem>>
          %dma_start3A_342 = tpu.memref_squeeze %dma_start3A_341 : memref<1x1x256xi32, #tpu.memory_space<vmem>> -> memref<1x256xi32, #tpu.memory_space<vmem>>
          %dma_start3A_343 = arith.constant 0 : i32
          %dma_start3A_344 = tpu.memref_slice %arg3[%dma_start3A_343, %mul3A_338] : memref<1x262144xi32, #tpu.memory_space<hbm>> -> memref<1x256xi32, #tpu.memory_space<hbm>>
          %dma_start3A_345 = tpu.memref_slice %run_scoped3A_7[%rem3A_336] : memref<2x!tpu.dma_semaphore, #tpu.memory_space<semaphore_mem>> -> memref<1x!tpu.dma_semaphore, #tpu.memory_space<semaphore_mem>>
          %dma_start3A_346 = tpu.memref_squeeze %dma_start3A_345 : memref<1x!tpu.dma_semaphore, #tpu.memory_space<semaphore_mem>> -> memref<!tpu.dma_semaphore, #tpu.memory_space<semaphore_mem>>
          %dma_start3A_347 = arith.constant 0 : i32
          %dma_start3A_348 = arith.constant 0 : i32
          %dma_start3A_349 = tpu.memref_slice %run_scoped3A[%rem3A_336, %dma_start3A_347, %dma_start3A_348] : memref<2x1x256xi32, #tpu.memory_space<vmem>> -> memref<1x1x256xi32, #tpu.memory_space<vmem>>
          %dma_start3A_350 = tpu.memref_squeeze %dma_start3A_349 : memref<1x1x256xi32, #tpu.memory_space<vmem>> -> memref<1x256xi32, #tpu.memory_space<vmem>>
          %dma_start3A_351 = arith.constant 0 : i32
          %dma_start3A_352 = tpu.memref_slice %arg3[%dma_start3A_351, %mul3A_338] : memref<1x262144xi32, #tpu.memory_space<hbm>> -> memref<1x256xi32, #tpu.memory_space<hbm>>
          tpu.enqueue_dma source(%dma_start3A_352 : memref<1x256xi32, #tpu.memory_space<hbm>>) target(%dma_start3A_350 : memref<1x256xi32, #tpu.memory_space<vmem>>) target_semaphore(%dma_start3A_346 : memref<!tpu.dma_semaphore, #tpu.memory_space<semaphore_mem>>)
          "tpu.trace_stop"() : () -> ()
        } else {
        }
        %and3A_163 = arith.constant true
        %and3A_164 = arith.andi %and3A, %and3A_163 : i1
        %add3A_165 = arith.constant 1 : i32
        %add3A_166 = arith.addi %scan3A_122, %add3A_165 : i32
        %select_n3A_167 = arith.select %and3A_164, %add3A_166, %scan3A_122 : i32
        %ne3A_168 = arith.cmpi ne, %add3A_131, %add3A_149 : i32
        %or3A_169 = arith.constant false
        %or3A_170 = arith.ori %or3A_169, %ne3A_168 : i1
        %or3A_171 = arith.constant false
        %or3A_172 = arith.ori %or3A_170, %or3A_171 : i1
        %ge3A_173 = arith.constant 31 : i32
        %ge3A_174 = arith.cmpi sge, %scan3A_121, %ge3A_173 : i32
        %not3A_175 = arith.constant true
        %not3A_176 = arith.xori %ge3A_174, %not3A_175 : i1
        %and3A_177 = arith.andi %or3A_172, %not3A_176 : i1
        %ne3A_178 = arith.cmpi ne, %add3A_131, %add3A_140 : i32
        %or3A_179 = arith.constant false
        %or3A_180 = arith.ori %or3A_179, %ne3A_178 : i1
        %or3A_181 = arith.ori %or3A_180, %eq3A_128 : i1
        %convert_element_type3A_182 = arith.extui %or3A_181 : i1 to i32
        %cond3A_183 = arith.constant 0 : i32
        %cond3A_184 = arith.cmpi ne, %convert_element_type3A_182, %cond3A_183 : i32
        scf.if %cond3A_184 {
          "tpu.trace_start"() <{level = 10 : i32, message = "ep_wait_in"}> : () -> ()
          %mul3A_335 = arith.constant 256 : i32
          %mul3A_336 = arith.muli %mul3A_335, %add3A_131 : i32
          %rem3A_337 = arith.constant 2 : i32
          %rem3A_338 = arith.remui %scan3A_123, %rem3A_337 : i32
          %dma_wait3A_339 = arith.constant 0 : i32
          %dma_wait3A_340 = arith.constant 0 : i32
          %dma_wait3A_341 = tpu.memref_slice %run_scoped3A[%rem3A_338, %dma_wait3A_339, %dma_wait3A_340] : memref<2x1x256xi32, #tpu.memory_space<vmem>> -> memref<1x1x256xi32, #tpu.memory_space<vmem>>
          %dma_wait3A_342 = tpu.memref_squeeze %dma_wait3A_341 : memref<1x1x256xi32, #tpu.memory_space<vmem>> -> memref<1x256xi32, #tpu.memory_space<vmem>>
          %dma_wait3A_343 = arith.constant 0 : i32
          %dma_wait3A_344 = tpu.memref_slice %arg3[%dma_wait3A_343, %mul3A_336] : memref<1x262144xi32, #tpu.memory_space<hbm>> -> memref<1x256xi32, #tpu.memory_space<hbm>>
          %dma_wait3A_345 = tpu.memref_slice %run_scoped3A_7[%rem3A_338] : memref<2x!tpu.dma_semaphore, #tpu.memory_space<semaphore_mem>> -> memref<1x!tpu.dma_semaphore, #tpu.memory_space<semaphore_mem>>
          %dma_wait3A_346 = tpu.memref_squeeze %dma_wait3A_345 : memref<1x!tpu.dma_semaphore, #tpu.memory_space<semaphore_mem>> -> memref<!tpu.dma_semaphore, #tpu.memory_space<semaphore_mem>>
          %dma_wait3A_347 = arith.constant 0 : i32
          %dma_wait3A_348 = arith.constant 0 : i32
          %dma_wait3A_349 = tpu.memref_slice %run_scoped3A[%rem3A_338, %dma_wait3A_347, %dma_wait3A_348] : memref<2x1x256xi32, #tpu.memory_space<vmem>> -> memref<1x1x256xi32, #tpu.memory_space<vmem>>
          %dma_wait3A_350 = tpu.memref_squeeze %dma_wait3A_349 : memref<1x1x256xi32, #tpu.memory_space<vmem>> -> memref<1x256xi32, #tpu.memory_space<vmem>>
          %dma_wait3A_351 = arith.constant 0 : i32
          %dma_wait3A_352 = tpu.memref_slice %arg3[%dma_wait3A_351, %mul3A_336] : memref<1x262144xi32, #tpu.memory_space<hbm>> -> memref<1x256xi32, #tpu.memory_space<hbm>>
          tpu.wait_dma2 semaphore(%dma_wait3A_346 : memref<!tpu.dma_semaphore, #tpu.memory_space<semaphore_mem>>) src(%dma_wait3A_352 : memref<1x256xi32, #tpu.memory_space<hbm>>) dst(%dma_wait3A_350 : memref<1x256xi32, #tpu.memory_space<vmem>>)
          "tpu.trace_stop"() : () -> ()
        } else {
        }
        %ne3A_185 = arith.cmpi ne, %add3A_131, %add3A_140 : i32
        %or3A_186 = arith.constant false
        %or3A_187 = arith.ori %or3A_186, %ne3A_185 : i1
        %or3A_188 = arith.constant false
        %or3A_189 = arith.ori %or3A_187, %or3A_188 : i1
        %or3A_190 = arith.ori %or3A_189, %eq3A_128 : i1
        %convert_element_type3A_191 = arith.extui %or3A_190 : i1 to i32
        %cond3A_192 = arith.constant 0 : i32
        %cond3A_193 = arith.cmpi ne, %convert_element_type3A_191, %cond3A_192 : i32
        scf.if %cond3A_193 {
        } else {
        }
        %rem3A_194 = arith.constant 2 : i32
        %rem3A_195 = arith.remui %scan3A_123, %rem3A_194 : i32
        %rem3A_196 = arith.constant 2 : i32
        %rem3A_197 = arith.remui %scan3A_124, %rem3A_196 : i32
        %dma_start3A_198 = arith.constant 0 : i32
        "tpu.trace_start"() <{level = 10 : i32, message = "ep_run_kernel"}> : () -> ()
        %dma_start3A_199 = arith.constant 0 : i32
        %dma_start3A_200 = arith.constant 0 : i32
        %dma_start3A_201 = tpu.memref_slice %run_scoped3A_8[%rem3A_197, %dma_start3A_199, %dma_start3A_200] : memref<2x256x128xf32, #tpu.memory_space<vmem>> -> memref<1x256x128xf32, #tpu.memory_space<vmem>>
        %dma_start3A_202 = tpu.memref_squeeze %dma_start3A_201 : memref<1x256x128xf32, #tpu.memory_space<vmem>> -> memref<256x128xf32, #tpu.memory_space<vmem>>
        %dma_start3A_203 = arith.constant 0 : i32
        %dma_start3A_204 = arith.constant 0 : i32
        %dma_start3A_205 = tpu.memref_slice %dma_start3A_202[%dma_start3A_203, %dma_start3A_204] : memref<256x128xf32, #tpu.memory_space<vmem>> -> memref<128x128xf32, #tpu.memory_space<vmem>>
        %dma_start3A_206 = arith.constant 0 : i32
        %dma_start3A_207 = arith.constant 0 : i32
        %dma_start3A_208 = tpu.memref_slice %run_scoped3A[%rem3A_195, %dma_start3A_206, %dma_start3A_207] : memref<2x1x256xi32, #tpu.memory_space<vmem>> -> memref<1x1x256xi32, #tpu.memory_space<vmem>>
        %dma_start3A_209 = tpu.memref_squeeze %dma_start3A_208 : memref<1x1x256xi32, #tpu.memory_space<vmem>> -> memref<1x256xi32, #tpu.memory_space<vmem>>
        %dma_start3A_210 = arith.constant 0 : i32
        %dma_start3A_211 = tpu.memref_slice %dma_start3A_209[%dma_start3A_198, %dma_start3A_210] : memref<1x256xi32, #tpu.memory_space<vmem>> -> memref<1x128xi32, #tpu.memory_space<vmem>>
        %dma_start3A_212 = tpu.memref_squeeze %dma_start3A_211 : memref<1x128xi32, #tpu.memory_space<vmem>> -> memref<128xi32, #tpu.memory_space<vmem>>
        %dma_start3A_213 = arith.constant 0 : i32
        %dma_start3A_214 = arith.constant 0 : i32
        %dma_start3A_215 = tpu.memref_slice %arg2[%dma_start3A_213, %dma_start3A_214] : memref<16384x128xf32, #tpu.memory_space<hbm>> -> memref<16384x128xf32, #tpu.memory_space<hbm>>
        tpu.enqueue_indirect_dma source(%dma_start3A_215 : memref<16384x128xf32, #tpu.memory_space<hbm>>) target(%dma_start3A_205 : memref<128x128xf32, #tpu.memory_space<vmem>>) offsets(%dma_start3A_212 : memref<128xi32, #tpu.memory_space<vmem>>) semaphore(%arg5 : memref<!tpu.dma_semaphore, #tpu.memory_space<semaphore_mem>>)
        %dma_start3A_216 = arith.constant 0 : i32
        %dma_start3A_217 = arith.constant 0 : i32
        %dma_start3A_218 = arith.constant 0 : i32
        %dma_start3A_219 = tpu.memref_slice %run_scoped3A_8[%rem3A_197, %dma_start3A_217, %dma_start3A_218] : memref<2x256x128xf32, #tpu.memory_space<vmem>> -> memref<1x256x128xf32, #tpu.memory_space<vmem>>
        %dma_start3A_220 = tpu.memref_squeeze %dma_start3A_219 : memref<1x256x128xf32, #tpu.memory_space<vmem>> -> memref<256x128xf32, #tpu.memory_space<vmem>>
        %dma_start3A_221 = arith.constant 128 : i32
        %dma_start3A_222 = arith.constant 0 : i32
        %dma_start3A_223 = tpu.memref_slice %dma_start3A_220[%dma_start3A_221, %dma_start3A_222] : memref<256x128xf32, #tpu.memory_space<vmem>> -> memref<128x128xf32, #tpu.memory_space<vmem>>
        %dma_start3A_224 = arith.constant 0 : i32
        %dma_start3A_225 = arith.constant 0 : i32
        %dma_start3A_226 = tpu.memref_slice %run_scoped3A[%rem3A_195, %dma_start3A_224, %dma_start3A_225] : memref<2x1x256xi32, #tpu.memory_space<vmem>> -> memref<1x1x256xi32, #tpu.memory_space<vmem>>
        %dma_start3A_227 = tpu.memref_squeeze %dma_start3A_226 : memref<1x1x256xi32, #tpu.memory_space<vmem>> -> memref<1x256xi32, #tpu.memory_space<vmem>>
        %dma_start3A_228 = arith.constant 128 : i32
        %dma_start3A_229 = tpu.memref_slice %dma_start3A_227[%dma_start3A_216, %dma_start3A_228] : memref<1x256xi32, #tpu.memory_space<vmem>> -> memref<1x128xi32, #tpu.memory_space<vmem>>
        %dma_start3A_230 = tpu.memref_squeeze %dma_start3A_229 : memref<1x128xi32, #tpu.memory_space<vmem>> -> memref<128xi32, #tpu.memory_space<vmem>>
        %dma_start3A_231 = arith.constant 0 : i32
        %dma_start3A_232 = arith.constant 0 : i32
        %dma_start3A_233 = tpu.memref_slice %arg2[%dma_start3A_231, %dma_start3A_232] : memref<16384x128xf32, #tpu.memory_space<hbm>> -> memref<16384x128xf32, #tpu.memory_space<hbm>>
        tpu.enqueue_indirect_dma source(%dma_start3A_233 : memref<16384x128xf32, #tpu.memory_space<hbm>>) target(%dma_start3A_223 : memref<128x128xf32, #tpu.memory_space<vmem>>) offsets(%dma_start3A_230 : memref<128xi32, #tpu.memory_space<vmem>>) semaphore(%arg5 : memref<!tpu.dma_semaphore, #tpu.memory_space<semaphore_mem>>)
        %dma_wait3A_234 = arith.constant 0 : i32
        %dma_wait3A_235 = arith.constant 0 : i32
        %dma_wait3A_236 = arith.constant 0 : i32
        %dma_wait3A_237 = tpu.memref_slice %run_scoped3A_8[%rem3A_197, %dma_wait3A_235, %dma_wait3A_236] : memref<2x256x128xf32, #tpu.memory_space<vmem>> -> memref<1x256x128xf32, #tpu.memory_space<vmem>>
        %dma_wait3A_238 = tpu.memref_squeeze %dma_wait3A_237 : memref<1x256x128xf32, #tpu.memory_space<vmem>> -> memref<256x128xf32, #tpu.memory_space<vmem>>
        %dma_wait3A_239 = arith.constant 0 : i32
        %dma_wait3A_240 = arith.constant 0 : i32
        %dma_wait3A_241 = tpu.memref_slice %dma_wait3A_238[%dma_wait3A_239, %dma_wait3A_240] : memref<256x128xf32, #tpu.memory_space<vmem>> -> memref<128x128xf32, #tpu.memory_space<vmem>>
        %dma_wait3A_242 = arith.constant 0 : i32
        %dma_wait3A_243 = arith.constant 0 : i32
        %dma_wait3A_244 = tpu.memref_slice %run_scoped3A[%rem3A_195, %dma_wait3A_242, %dma_wait3A_243] : memref<2x1x256xi32, #tpu.memory_space<vmem>> -> memref<1x1x256xi32, #tpu.memory_space<vmem>>
        %dma_wait3A_245 = tpu.memref_squeeze %dma_wait3A_244 : memref<1x1x256xi32, #tpu.memory_space<vmem>> -> memref<1x256xi32, #tpu.memory_space<vmem>>
        %dma_wait3A_246 = arith.constant 0 : i32
        %dma_wait3A_247 = tpu.memref_slice %dma_wait3A_245[%dma_wait3A_234, %dma_wait3A_246] : memref<1x256xi32, #tpu.memory_space<vmem>> -> memref<1x128xi32, #tpu.memory_space<vmem>>
        %dma_wait3A_248 = tpu.memref_squeeze %dma_wait3A_247 : memref<1x128xi32, #tpu.memory_space<vmem>> -> memref<128xi32, #tpu.memory_space<vmem>>
        %dma_wait3A_249 = arith.constant 0 : i32
        %dma_wait3A_250 = arith.constant 0 : i32
        %dma_wait3A_251 = tpu.memref_slice %arg2[%dma_wait3A_249, %dma_wait3A_250] : memref<16384x128xf32, #tpu.memory_space<hbm>> -> memref<16384x128xf32, #tpu.memory_space<hbm>>
        tpu.wait_indirect_dma semaphore(%arg5 : memref<!tpu.dma_semaphore, #tpu.memory_space<semaphore_mem>>) src(%dma_wait3A_251 : memref<16384x128xf32, #tpu.memory_space<hbm>>) dst(%dma_wait3A_241 : memref<128x128xf32, #tpu.memory_space<vmem>>)
        %dma_wait3A_252 = arith.constant 0 : i32
        %dma_wait3A_253 = arith.constant 0 : i32
        %dma_wait3A_254 = arith.constant 0 : i32
        %dma_wait3A_255 = tpu.memref_slice %run_scoped3A_8[%rem3A_197, %dma_wait3A_253, %dma_wait3A_254] : memref<2x256x128xf32, #tpu.memory_space<vmem>> -> memref<1x256x128xf32, #tpu.memory_space<vmem>>
        %dma_wait3A_256 = tpu.memref_squeeze %dma_wait3A_255 : memref<1x256x128xf32, #tpu.memory_space<vmem>> -> memref<256x128xf32, #tpu.memory_space<vmem>>
        %dma_wait3A_257 = arith.constant 128 : i32
        %dma_wait3A_258 = arith.constant 0 : i32
        %dma_wait3A_259 = tpu.memref_slice %dma_wait3A_256[%dma_wait3A_257, %dma_wait3A_258] : memref<256x128xf32, #tpu.memory_space<vmem>> -> memref<128x128xf32, #tpu.memory_space<vmem>>
        %dma_wait3A_260 = arith.constant 0 : i32
        %dma_wait3A_261 = arith.constant 0 : i32
        %dma_wait3A_262 = tpu.memref_slice %run_scoped3A[%rem3A_195, %dma_wait3A_260, %dma_wait3A_261] : memref<2x1x256xi32, #tpu.memory_space<vmem>> -> memref<1x1x256xi32, #tpu.memory_space<vmem>>
        %dma_wait3A_263 = tpu.memref_squeeze %dma_wait3A_262 : memref<1x1x256xi32, #tpu.memory_space<vmem>> -> memref<1x256xi32, #tpu.memory_space<vmem>>
        %dma_wait3A_264 = arith.constant 128 : i32
        %dma_wait3A_265 = tpu.memref_slice %dma_wait3A_263[%dma_wait3A_252, %dma_wait3A_264] : memref<1x256xi32, #tpu.memory_space<vmem>> -> memref<1x128xi32, #tpu.memory_space<vmem>>
        %dma_wait3A_266 = tpu.memref_squeeze %dma_wait3A_265 : memref<1x128xi32, #tpu.memory_space<vmem>> -> memref<128xi32, #tpu.memory_space<vmem>>
        %dma_wait3A_267 = arith.constant 0 : i32
        %dma_wait3A_268 = arith.constant 0 : i32
        %dma_wait3A_269 = tpu.memref_slice %arg2[%dma_wait3A_267, %dma_wait3A_268] : memref<16384x128xf32, #tpu.memory_space<hbm>> -> memref<16384x128xf32, #tpu.memory_space<hbm>>
        tpu.wait_indirect_dma semaphore(%arg5 : memref<!tpu.dma_semaphore, #tpu.memory_space<semaphore_mem>>) src(%dma_wait3A_269 : memref<16384x128xf32, #tpu.memory_space<hbm>>) dst(%dma_wait3A_259 : memref<128x128xf32, #tpu.memory_space<vmem>>)
        "tpu.trace_stop"() : () -> ()
        %ne3A_270 = arith.cmpi ne, %add3A_131, %add3A_149 : i32
        %or3A_271 = arith.constant false
        %or3A_272 = arith.ori %or3A_271, %ne3A_270 : i1
        %or3A_273 = arith.ori %or3A_272, %eq3A_130 : i1
        %convert_element_type3A_274 = arith.extui %or3A_273 : i1 to i32
        %cond3A_275 = arith.constant 0 : i32
        %cond3A_276 = arith.cmpi ne, %convert_element_type3A_274, %cond3A_275 : i32
        scf.if %cond3A_276 {
        } else {
        }
        %and3A_277 = arith.constant false
        %and3A_278 = arith.andi %or3A_273, %and3A_277 : i1
        %ne3A_279 = arith.cmpi ne, %add3A_131, %add3A_149 : i32
        %or3A_280 = arith.constant false
        %or3A_281 = arith.ori %or3A_280, %ne3A_279 : i1
        %or3A_282 = arith.constant false
        %or3A_283 = arith.ori %or3A_281, %or3A_282 : i1
        %or3A_284 = arith.ori %or3A_283, %eq3A_130 : i1
        %convert_element_type3A_285 = arith.extui %or3A_284 : i1 to i32
        %cond3A_286 = arith.constant 0 : i32
        %cond3A_287 = arith.cmpi ne, %convert_element_type3A_285, %cond3A_286 : i32
        scf.if %cond3A_287 {
          "tpu.trace_start"() <{level = 10 : i32, message = "ep_copy_out"}> : () -> ()
          %rem3A_335 = arith.constant 2 : i32
          %rem3A_336 = arith.remui %scan3A_124, %rem3A_335 : i32
          %mul3A_337 = arith.constant 256 : i32
          %mul3A_338 = arith.muli %mul3A_337, %add3A_131 : i32
          %dma_start3A_339 = arith.constant 0 : i32
          %dma_start3A_340 = arith.constant 0 : i32
          %dma_start3A_341 = tpu.memref_slice %run_scoped3A_8[%rem3A_336, %dma_start3A_339, %dma_start3A_340] : memref<2x256x128xf32, #tpu.memory_space<vmem>> -> memref<1x256x128xf32, #tpu.memory_space<vmem>>
          %dma_start3A_342 = tpu.memref_squeeze %dma_start3A_341 : memref<1x256x128xf32, #tpu.memory_space<vmem>> -> memref<256x128xf32, #tpu.memory_space<vmem>>
          %dma_start3A_343 = arith.constant 0 : i32
          %dma_start3A_344 = tpu.memref_slice %arg4[%mul3A_338, %dma_start3A_343] : memref<262144x128xf32, #tpu.memory_space<hbm>> -> memref<256x128xf32, #tpu.memory_space<hbm>>
          %dma_start3A_345 = tpu.memref_slice %run_scoped3A_9[%rem3A_336] : memref<2x!tpu.dma_semaphore, #tpu.memory_space<semaphore_mem>> -> memref<1x!tpu.dma_semaphore, #tpu.memory_space<semaphore_mem>>
          %dma_start3A_346 = tpu.memref_squeeze %dma_start3A_345 : memref<1x!tpu.dma_semaphore, #tpu.memory_space<semaphore_mem>> -> memref<!tpu.dma_semaphore, #tpu.memory_space<semaphore_mem>>
          %dma_start3A_347 = arith.constant 0 : i32
          %dma_start3A_348 = tpu.memref_slice %arg4[%mul3A_338, %dma_start3A_347] : memref<262144x128xf32, #tpu.memory_space<hbm>> -> memref<256x128xf32, #tpu.memory_space<hbm>>
          %dma_start3A_349 = arith.constant 0 : i32
          %dma_start3A_350 = arith.constant 0 : i32
          %dma_start3A_351 = tpu.memref_slice %run_scoped3A_8[%rem3A_336, %dma_start3A_349, %dma_start3A_350] : memref<2x256x128xf32, #tpu.memory_space<vmem>> -> memref<1x256x128xf32, #tpu.memory_space<vmem>>
          %dma_start3A_352 = tpu.memref_squeeze %dma_start3A_351 : memref<1x256x128xf32, #tpu.memory_space<vmem>> -> memref<256x128xf32, #tpu.memory_space<vmem>>
          tpu.enqueue_dma source(%dma_start3A_352 : memref<256x128xf32, #tpu.memory_space<vmem>>) target(%dma_start3A_348 : memref<256x128xf32, #tpu.memory_space<hbm>>) target_semaphore(%dma_start3A_346 : memref<!tpu.dma_semaphore, #tpu.memory_space<semaphore_mem>>)
          "tpu.trace_stop"() : () -> ()
        } else {
        }
        %and3A_288 = arith.constant true
        %and3A_289 = arith.andi %or3A_284, %and3A_288 : i1
        %add3A_290 = arith.constant 1 : i32
        %add3A_291 = arith.addi %scan3A_124, %add3A_290 : i32
        %select_n3A_292 = arith.select %and3A_289, %add3A_291, %scan3A_124 : i32
        %ne3A_293 = arith.cmpi ne, %add3A_131, %add3A_140 : i32
        %or3A_294 = arith.constant false
        %or3A_295 = arith.ori %or3A_294, %ne3A_293 : i1
        %not3A_296 = arith.constant true
        %not3A_297 = arith.xori %eq3A_128, %not3A_296 : i1
        %and3A_298 = arith.andi %or3A_295, %not3A_297 : i1
        %convert_element_type3A_299 = arith.extui %and3A_298 : i1 to i32
        %cond3A_300 = arith.constant 0 : i32
        %cond3A_301 = arith.cmpi ne, %convert_element_type3A_299, %cond3A_300 : i32
        scf.if %cond3A_301 {
        } else {
        }
        %and3A_302 = arith.constant false
        %and3A_303 = arith.andi %and3A_298, %and3A_302 : i1
        %ne3A_304 = arith.cmpi ne, %add3A_131, %add3A_140 : i32
        %or3A_305 = arith.constant false
        %or3A_306 = arith.ori %or3A_305, %ne3A_304 : i1
        %or3A_307 = arith.constant false
        %or3A_308 = arith.ori %or3A_306, %or3A_307 : i1
        %not3A_309 = arith.constant true
        %not3A_310 = arith.xori %eq3A_128, %not3A_309 : i1
        %and3A_311 = arith.andi %or3A_308, %not3A_310 : i1
        %convert_element_type3A_312 = arith.extui %and3A_311 : i1 to i32
        %cond3A_313 = arith.constant 0 : i32
        %cond3A_314 = arith.cmpi ne, %convert_element_type3A_312, %cond3A_313 : i32
        scf.if %cond3A_314 {
          "tpu.trace_start"() <{level = 10 : i32, message = "ep_wait_out"}> : () -> ()
          %rem3A_335 = arith.constant 2 : i32
          %rem3A_336 = arith.remui %scan3A_125, %rem3A_335 : i32
          %mul3A_337 = arith.constant 256 : i32
          %mul3A_338 = arith.muli %mul3A_337, %add3A_140 : i32
          %dma_wait3A_339 = arith.constant 0 : i32
          %dma_wait3A_340 = arith.constant 0 : i32
          %dma_wait3A_341 = tpu.memref_slice %run_scoped3A_8[%rem3A_336, %dma_wait3A_339, %dma_wait3A_340] : memref<2x256x128xf32, #tpu.memory_space<vmem>> -> memref<1x256x128xf32, #tpu.memory_space<vmem>>
          %dma_wait3A_342 = tpu.memref_squeeze %dma_wait3A_341 : memref<1x256x128xf32, #tpu.memory_space<vmem>> -> memref<256x128xf32, #tpu.memory_space<vmem>>
          %dma_wait3A_343 = arith.constant 0 : i32
          %dma_wait3A_344 = tpu.memref_slice %arg4[%mul3A_338, %dma_wait3A_343] : memref<262144x128xf32, #tpu.memory_space<hbm>> -> memref<256x128xf32, #tpu.memory_space<hbm>>
          %dma_wait3A_345 = tpu.memref_slice %run_scoped3A_9[%rem3A_336] : memref<2x!tpu.dma_semaphore, #tpu.memory_space<semaphore_mem>> -> memref<1x!tpu.dma_semaphore, #tpu.memory_space<semaphore_mem>>
          %dma_wait3A_346 = tpu.memref_squeeze %dma_wait3A_345 : memref<1x!tpu.dma_semaphore, #tpu.memory_space<semaphore_mem>> -> memref<!tpu.dma_semaphore, #tpu.memory_space<semaphore_mem>>
          %dma_wait3A_347 = arith.constant 0 : i32
          %dma_wait3A_348 = tpu.memref_slice %arg4[%mul3A_338, %dma_wait3A_347] : memref<262144x128xf32, #tpu.memory_space<hbm>> -> memref<256x128xf32, #tpu.memory_space<hbm>>
          %dma_wait3A_349 = arith.constant 0 : i32
          %dma_wait3A_350 = arith.constant 0 : i32
          %dma_wait3A_351 = tpu.memref_slice %run_scoped3A_8[%rem3A_336, %dma_wait3A_349, %dma_wait3A_350] : memref<2x256x128xf32, #tpu.memory_space<vmem>> -> memref<1x256x128xf32, #tpu.memory_space<vmem>>
          %dma_wait3A_352 = tpu.memref_squeeze %dma_wait3A_351 : memref<1x256x128xf32, #tpu.memory_space<vmem>> -> memref<256x128xf32, #tpu.memory_space<vmem>>
          tpu.wait_dma2 semaphore(%dma_wait3A_346 : memref<!tpu.dma_semaphore, #tpu.memory_space<semaphore_mem>>) src(%dma_wait3A_352 : memref<256x128xf32, #tpu.memory_space<vmem>>) dst(%dma_wait3A_348 : memref<256x128xf32, #tpu.memory_space<hbm>>)
          "tpu.trace_stop"() : () -> ()
        } else {
        }
        %and3A_315 = arith.constant true
        %and3A_316 = arith.andi %and3A_311, %and3A_315 : i1
        %add3A_317 = arith.constant 1 : i32
        %add3A_318 = arith.addi %scan3A_125, %add3A_317 : i32
        %select_n3A_319 = arith.select %and3A_316, %add3A_318, %scan3A_125 : i32
        %ne3A_320 = arith.cmpi ne, %add3A_131, %add3A_149 : i32
        %or3A_321 = arith.constant false
        %or3A_322 = arith.ori %or3A_321, %ne3A_320 : i1
        %or3A_323 = arith.ori %or3A_322, %eq3A_130 : i1
        %add3A_324 = arith.constant 1 : i32
        %add3A_325 = arith.addi %scan3A_123, %add3A_324 : i32
        %select_n3A_326 = arith.select %or3A_323, %add3A_325, %scan3A_123 : i32
        %add3A_327 = arith.constant 1 : i32
        %add3A_328 = arith.addi %scan3A_126, %add3A_327 : i32
        %select_n3A_329 = arith.constant true
        %select_n3A_330 = arith.select %select_n3A_329, %add3A_328, %scan3A_126 : i32
        %eq3A_331 = arith.constant 32 : i32
        %eq3A_332 = arith.cmpi eq, %select_n3A_330, %eq3A_331 : i32
        %select_n3A_333 = arith.constant 0 : i32
        %select_n3A_334 = arith.select %eq3A_332, %select_n3A_333, %select_n3A_330 : i32
        scf.yield %select_n3A_167, %select_n3A_326, %select_n3A_292, %select_n3A_319, %select_n3A_334 : i32, i32, i32, i32, i32
      }
      %scan3A_68 = arith.constant 32 : i32
      %sub3A = arith.constant 1 : i32
      %sub3A_69 = arith.subi %scan3A_67#4, %sub3A : i32
      %select_n3A_70 = arith.constant true
      %select_n3A_71 = arith.select %select_n3A_70, %sub3A_69, %scan3A_67#4 : i32
      %eq3A_72 = arith.constant -1 : i32
      %eq3A_73 = arith.cmpi eq, %select_n3A_71, %eq3A_72 : i32
      %select_n3A_74 = arith.constant 31 : i32
      %select_n3A_75 = arith.select %eq3A_73, %select_n3A_74, %select_n3A_71 : i32
      %add3A_76 = arith.addi %select_n3A_75, %mul3A_6 : i32
      %sub3A_77 = arith.constant 1 : i32
      %sub3A_78 = arith.subi %select_n3A_75, %sub3A_77 : i32
      %select_n3A_79 = arith.constant true
      %select_n3A_80 = arith.select %select_n3A_79, %sub3A_78, %select_n3A_75 : i32
      %eq3A_81 = arith.constant -1 : i32
      %eq3A_82 = arith.cmpi eq, %select_n3A_80, %eq3A_81 : i32
      %select_n3A_83 = arith.constant 31 : i32
      %select_n3A_84 = arith.select %eq3A_82, %select_n3A_83, %select_n3A_80 : i32
      %add3A_85 = arith.addi %select_n3A_84, %mul3A_6 : i32
      %add3A_86 = arith.constant 1 : i32
      %add3A_87 = arith.addi %select_n3A_75, %add3A_86 : i32
      %select_n3A_88 = arith.constant true
      %select_n3A_89 = arith.select %select_n3A_88, %add3A_87, %select_n3A_75 : i32
      %eq3A_90 = arith.constant 32 : i32
      %eq3A_91 = arith.cmpi eq, %select_n3A_89, %eq3A_90 : i32
      %select_n3A_92 = arith.constant 0 : i32
      %select_n3A_93 = arith.select %eq3A_91, %select_n3A_92, %select_n3A_89 : i32
      %add3A_94 = arith.addi %select_n3A_93, %mul3A_6 : i32
      %add3A_95 = arith.constant 1 : i32
      %add3A_96 = arith.addi %select_n3A_93, %add3A_95 : i32
      %select_n3A_97 = arith.constant true
      %select_n3A_98 = arith.select %select_n3A_97, %add3A_96, %select_n3A_93 : i32
      %eq3A_99 = arith.constant 32 : i32
      %eq3A_100 = arith.cmpi eq, %select_n3A_98, %eq3A_99 : i32
      %select_n3A_101 = arith.constant 0 : i32
      %select_n3A_102 = arith.select %eq3A_100, %select_n3A_101, %select_n3A_98 : i32
      %add3A_103 = arith.addi %select_n3A_102, %mul3A_6 : i32
      "tpu.trace_start"() <{level = 10 : i32, message = "ep_finalize"}> : () -> ()
      %rem3A_104 = arith.constant 2 : i32
      %rem3A_105 = arith.remui %scan3A_67#3, %rem3A_104 : i32
      %mul3A_106 = arith.constant 256 : i32
      %mul3A_107 = arith.muli %mul3A_106, %add3A_76 : i32
      %dma_wait3A = arith.constant 0 : i32
      %dma_wait3A_108 = arith.constant 0 : i32
      %dma_wait3A_109 = tpu.memref_slice %run_scoped3A_8[%rem3A_105, %dma_wait3A, %dma_wait3A_108] : memref<2x256x128xf32, #tpu.memory_space<vmem>> -> memref<1x256x128xf32, #tpu.memory_space<vmem>>
      %dma_wait3A_110 = tpu.memref_squeeze %dma_wait3A_109 : memref<1x256x128xf32, #tpu.memory_space<vmem>> -> memref<256x128xf32, #tpu.memory_space<vmem>>
      %dma_wait3A_111 = arith.constant 0 : i32
      %dma_wait3A_112 = tpu.memref_slice %arg4[%mul3A_107, %dma_wait3A_111] : memref<262144x128xf32, #tpu.memory_space<hbm>> -> memref<256x128xf32, #tpu.memory_space<hbm>>
      %dma_wait3A_113 = tpu.memref_slice %run_scoped3A_9[%rem3A_105] : memref<2x!tpu.dma_semaphore, #tpu.memory_space<semaphore_mem>> -> memref<1x!tpu.dma_semaphore, #tpu.memory_space<semaphore_mem>>
      %dma_wait3A_114 = tpu.memref_squeeze %dma_wait3A_113 : memref<1x!tpu.dma_semaphore, #tpu.memory_space<semaphore_mem>> -> memref<!tpu.dma_semaphore, #tpu.memory_space<semaphore_mem>>
      %dma_wait3A_115 = arith.constant 0 : i32
      %dma_wait3A_116 = tpu.memref_slice %arg4[%mul3A_107, %dma_wait3A_115] : memref<262144x128xf32, #tpu.memory_space<hbm>> -> memref<256x128xf32, #tpu.memory_space<hbm>>
      %dma_wait3A_117 = arith.constant 0 : i32
      %dma_wait3A_118 = arith.constant 0 : i32
      %dma_wait3A_119 = tpu.memref_slice %run_scoped3A_8[%rem3A_105, %dma_wait3A_117, %dma_wait3A_118] : memref<2x256x128xf32, #tpu.memory_space<vmem>> -> memref<1x256x128xf32, #tpu.memory_space<vmem>>
      %dma_wait3A_120 = tpu.memref_squeeze %dma_wait3A_119 : memref<1x256x128xf32, #tpu.memory_space<vmem>> -> memref<256x128xf32, #tpu.memory_space<vmem>>
      tpu.wait_dma2 semaphore(%dma_wait3A_114 : memref<!tpu.dma_semaphore, #tpu.memory_space<semaphore_mem>>) src(%dma_wait3A_120 : memref<256x128xf32, #tpu.memory_space<vmem>>) dst(%dma_wait3A_116 : memref<256x128xf32, #tpu.memory_space<hbm>>)
      "tpu.trace_stop"() : () -> ()
      tpu.yield
    }) : () -> ()
    return
  }
}

#map = affine_map<(d0, d1) -> (0, 0)>
module attributes {stable_mosaic.version = 14 : i64} {
  func.func @gather_kernel(%arg0: i32, %arg1: i32, %arg2: memref<16384x128xf32, #tpu.memory_space<hbm>>, %arg3: memref<1x262144xi32, #tpu.memory_space<hbm>>, %arg4: memref<262144x128xf32, #tpu.memory_space<hbm>>, %arg5: memref<!tpu.dma_semaphore, #tpu.memory_space<semaphore_mem>>) attributes {dimension_semantics = [#tpu.dimension_semantics<core_parallel>, #tpu.dimension_semantics<subcore_parallel>], iteration_bounds = array<i64: 2, 16>, scalar_prefetch = 0 : i64, scratch_operands = 1 : i64, tpu.core_type = #tpu.core_type<sc_vector_subcore>, window_params = [{transform_indices = #map}, {transform_indices = #map}, {transform_indices = #map}]} {
    %mul3A = arith.constant 1 : i32
    %mul3A_0 = arith.muli %arg1, %mul3A : i32
    %add3A = arith.constant 0 : i32
    %add3A_1 = arith.addi %add3A, %mul3A_0 : i32
    %mul3A_2 = arith.constant 16 : i32
    %mul3A_3 = arith.muli %arg0, %mul3A_2 : i32
    %add3A_4 = arith.addi %add3A_1, %mul3A_3 : i32
    %mul3A_5 = arith.constant 32 : i32
    %mul3A_6 = arith.muli %add3A_4, %mul3A_5 : i32
    "tpu.region"() ({
      %run_scoped3A = memref.alloca() : memref<2x1x256xi32, #tpu.memory_space<vmem>>
      %run_scoped3A_7 = tpu.sem_alloc : memref<2x!tpu.dma_semaphore, #tpu.memory_space<semaphore_mem>>
      %run_scoped3A_8 = memref.alloca() : memref<2x256x128xf32, #tpu.memory_space<vmem>>
      %run_scoped3A_9 = tpu.sem_alloc : memref<2x!tpu.dma_semaphore, #tpu.memory_space<semaphore_mem>>
      %add3A_10 = arith.constant 0 : i32
      %add3A_11 = arith.addi %add3A_10, %mul3A_6 : i32
      %select_n3A = arith.constant true
      %select_n3A_12 = arith.constant 0 : i32
      %select_n3A_13 = arith.constant -1 : i32
      %select_n3A_14 = arith.select %select_n3A, %select_n3A_13, %select_n3A_12 : i32
      %eq3A = arith.constant -1 : i32
      %eq3A_15 = arith.cmpi eq, %select_n3A_14, %eq3A : i32
      %select_n3A_16 = arith.constant 31 : i32
      %select_n3A_17 = arith.select %eq3A_15, %select_n3A_16, %select_n3A_14 : i32
      %add3A_18 = arith.addi %select_n3A_17, %mul3A_6 : i32
      %select_n3A_19 = arith.constant true
      %select_n3A_20 = arith.constant 0 : i32
      %select_n3A_21 = arith.constant 1 : i32
      %select_n3A_22 = arith.select %select_n3A_19, %select_n3A_21, %select_n3A_20 : i32
      %eq3A_23 = arith.constant 32 : i32
      %eq3A_24 = arith.cmpi eq, %select_n3A_22, %eq3A_23 : i32
      %select_n3A_25 = arith.constant 0 : i32
      %select_n3A_26 = arith.select %eq3A_24, %select_n3A_25, %select_n3A_22 : i32
      %add3A_27 = arith.addi %select_n3A_26, %mul3A_6 : i32
      %add3A_28 = arith.constant 1 : i32
      %add3A_29 = arith.addi %select_n3A_26, %add3A_28 : i32
      %select_n3A_30 = arith.constant true
      %select_n3A_31 = arith.select %select_n3A_30, %add3A_29, %select_n3A_26 : i32
      %eq3A_32 = arith.constant 32 : i32
      %eq3A_33 = arith.cmpi eq, %select_n3A_31, %eq3A_32 : i32
      %select_n3A_34 = arith.constant 0 : i32
      %select_n3A_35 = arith.select %eq3A_33, %select_n3A_34, %select_n3A_31 : i32
      %add3A_36 = arith.addi %select_n3A_35, %mul3A_6 : i32
      "tpu.trace_start"() <{level = 10 : i32, message = "ep_initialize_0"}> : () -> ()
      %rem3A = arith.constant 0 : i32
      %rem3A_37 = arith.constant 2 : i32
      %rem3A_38 = arith.remui %rem3A, %rem3A_37 : i32
      %mul3A_39 = arith.constant 256 : i32
      %mul3A_40 = arith.muli %mul3A_39, %add3A_11 : i32
      %dma_start3A = arith.constant 0 : i32
      %dma_start3A_41 = arith.constant 0 : i32
      %dma_start3A_42 = tpu.memref_slice %run_scoped3A[%rem3A_38, %dma_start3A, %dma_start3A_41] : memref<2x1x256xi32, #tpu.memory_space<vmem>> -> memref<1x1x256xi32, #tpu.memory_space<vmem>>
      %dma_start3A_43 = tpu.memref_squeeze %dma_start3A_42 : memref<1x1x256xi32, #tpu.memory_space<vmem>> -> memref<1x256xi32, #tpu.memory_space<vmem>>
      %dma_start3A_44 = arith.constant 0 : i32
      %dma_start3A_45 = tpu.memref_slice %arg3[%dma_start3A_44, %mul3A_40] : memref<1x262144xi32, #tpu.memory_space<hbm>> -> memref<1x256xi32, #tpu.memory_space<hbm>>
      %dma_start3A_46 = tpu.memref_slice %run_scoped3A_7[%rem3A_38] : memref<2x!tpu.dma_semaphore, #tpu.memory_space<semaphore_mem>> -> memref<1x!tpu.dma_semaphore, #tpu.memory_space<semaphore_mem>>
      %dma_start3A_47 = tpu.memref_squeeze %dma_start3A_46 : memref<1x!tpu.dma_semaphore, #tpu.memory_space<semaphore_mem>> -> memref<!tpu.dma_semaphore, #tpu.memory_space<semaphore_mem>>
      %dma_start3A_48 = arith.constant 0 : i32
      %dma_start3A_49 = arith.constant 0 : i32
      %dma_start3A_50 = tpu.memref_slice %run_scoped3A[%rem3A_38, %dma_start3A_48, %dma_start3A_49] : memref<2x1x256xi32, #tpu.memory_space<vmem>> -> memref<1x1x256xi32, #tpu.memory_space<vmem>>
      %dma_start3A_51 = tpu.memref_squeeze %dma_start3A_50 : memref<1x1x256xi32, #tpu.memory_space<vmem>> -> memref<1x256xi32, #tpu.memory_space<vmem>>
      %dma_start3A_52 = arith.constant 0 : i32
      %dma_start3A_53 = tpu.memref_slice %arg3[%dma_start3A_52, %mul3A_40] : memref<1x262144xi32, #tpu.memory_space<hbm>> -> memref<1x256xi32, #tpu.memory_space<hbm>>
      tpu.enqueue_dma source(%dma_start3A_53 : memref<1x256xi32, #tpu.memory_space<hbm>>) target(%dma_start3A_51 : memref<1x256xi32, #tpu.memory_space<vmem>>) target_semaphore(%dma_start3A_47 : memref<!tpu.dma_semaphore, #tpu.memory_space<semaphore_mem>>)
      %add3A_54 = arith.constant 0 : i32
      %add3A_55 = arith.constant 1 : i32
      %add3A_56 = arith.addi %add3A_54, %add3A_55 : i32
      %select_n3A_57 = arith.constant true
      %select_n3A_58 = arith.constant 0 : i32
      %select_n3A_59 = arith.select %select_n3A_57, %add3A_56, %select_n3A_58 : i32
      "tpu.trace_stop"() : () -> ()
      %scan3A = arith.constant 0 : i32
      %scan3A_60 = arith.constant 0 : i32
      %scan3A_61 = arith.constant 0 : i32
      %scan3A_62 = arith.constant 0 : i32
      %scan3A_63 = arith.constant 0 : i32
      %scan3A_64 = arith.constant 32 : i32
      %scan3A_65 = arith.addi %scan3A_63, %scan3A_64 : i32
      %scan3A_66 = arith.constant 1 : i32
      %scan3A_67:5 = scf.for %scan3A_121 = %scan3A_63 to %scan3A_65 step %scan3A_66 iter_args(%scan3A_122 = %select_n3A_59, %scan3A_123 = %scan3A, %scan3A_124 = %scan3A_60, %scan3A_125 = %scan3A_61, %scan3A_126 = %scan3A_62) -> (i32, i32, i32, i32, i32)  : i32 {
        %eq3A_127 = arith.constant 0 : i32
        %eq3A_128 = arith.cmpi eq, %scan3A_121, %eq3A_127 : i32
        %eq3A_129 = arith.constant 31 : i32
        %eq3A_130 = arith.cmpi eq, %scan3A_121, %eq3A_129 : i32
        %add3A_131 = arith.addi %scan3A_126, %mul3A_6 : i32
        %sub3A_132 = arith.constant 1 : i32
        %sub3A_133 = arith.subi %scan3A_126, %sub3A_132 : i32
        %select_n3A_134 = arith.constant true
        %select_n3A_135 = arith.select %select_n3A_134, %sub3A_133, %scan3A_126 : i32
        %eq3A_136 = arith.constant -1 : i32
        %eq3A_137 = arith.cmpi eq, %select_n3A_135, %eq3A_136 : i32
        %select_n3A_138 = arith.constant 31 : i32
        %select_n3A_139 = arith.select %eq3A_137, %select_n3A_138, %select_n3A_135 : i32
        %add3A_140 = arith.addi %select_n3A_139, %mul3A_6 : i32
        %add3A_141 = arith.constant 1 : i32
        %add3A_142 = arith.addi %scan3A_126, %add3A_141 : i32
        %select_n3A_143 = arith.constant true
        %select_n3A_144 = arith.select %select_n3A_143, %add3A_142, %scan3A_126 : i32
        %eq3A_145 = arith.constant 32 : i32
        %eq3A_146 = arith.cmpi eq, %select_n3A_144, %eq3A_145 : i32
        %select_n3A_147 = arith.constant 0 : i32
        %select_n3A_148 = arith.select %eq3A_146, %select_n3A_147, %select_n3A_144 : i32
        %add3A_149 = arith.addi %select_n3A_148, %mul3A_6 : i32
        %add3A_150 = arith.constant 1 : i32
        %add3A_151 = arith.addi %select_n3A_148, %add3A_150 : i32
        %select_n3A_152 = arith.constant true
        %select_n3A_153 = arith.select %select_n3A_152, %add3A_151, %select_n3A_148 : i32
        %eq3A_154 = arith.constant 32 : i32
        %eq3A_155 = arith.cmpi eq, %select_n3A_153, %eq3A_154 : i32
        %select_n3A_156 = arith.constant 0 : i32
        %select_n3A_157 = arith.select %eq3A_155, %select_n3A_156, %select_n3A_153 : i32
        %add3A_158 = arith.addi %select_n3A_157, %mul3A_6 : i32
        %ne3A = arith.cmpi ne, %add3A_131, %add3A_149 : i32
        %or3A = arith.constant false
        %or3A_159 = arith.ori %or3A, %ne3A : i1
        %ge3A = arith.constant 31 : i32
        %ge3A_160 = arith.cmpi sge, %scan3A_121, %ge3A : i32
        %not3A = arith.constant true
        %not3A_161 = arith.xori %ge3A_160, %not3A : i1
        %and3A = arith.andi %or3A_159, %not3A_161 : i1
        %convert_element_type3A = arith.extui %and3A : i1 to i32
        %cond3A = arith.constant 0 : i32
        %cond3A_162 = arith.cmpi ne, %convert_element_type3A, %cond3A : i32
        scf.if %cond3A_162 {
          "tpu.trace_start"() <{level = 10 : i32, message = "ep_copy_in"}> : () -> ()
          %rem3A_335 = arith.constant 2 : i32
          %rem3A_336 = arith.remui %scan3A_122, %rem3A_335 : i32
          %mul3A_337 = arith.constant 256 : i32
          %mul3A_338 = arith.muli %mul3A_337, %add3A_149 : i32
          %dma_start3A_339 = arith.constant 0 : i32
          %dma_start3A_340 = arith.constant 0 : i32
          %dma_start3A_341 = tpu.memref_slice %run_scoped3A[%rem3A_336, %dma_start3A_339, %dma_start3A_340] : memref<2x1x256xi32, #tpu.memory_space<vmem>> -> memref<1x1x256xi32, #tpu.memory_space<vmem>>
          %dma_start3A_342 = tpu.memref_squeeze %dma_start3A_341 : memref<1x1x256xi32, #tpu.memory_space<vmem>> -> memref<1x256xi32, #tpu.memory_space<vmem>>
          %dma_start3A_343 = arith.constant 0 : i32
          %dma_start3A_344 = tpu.memref_slice %arg3[%dma_start3A_343, %mul3A_338] : memref<1x262144xi32, #tpu.memory_space<hbm>> -> memref<1x256xi32, #tpu.memory_space<hbm>>
          %dma_start3A_345 = tpu.memref_slice %run_scoped3A_7[%rem3A_336] : memref<2x!tpu.dma_semaphore, #tpu.memory_space<semaphore_mem>> -> memref<1x!tpu.dma_semaphore, #tpu.memory_space<semaphore_mem>>
          %dma_start3A_346 = tpu.memref_squeeze %dma_start3A_345 : memref<1x!tpu.dma_semaphore, #tpu.memory_space<semaphore_mem>> -> memref<!tpu.dma_semaphore, #tpu.memory_space<semaphore_mem>>
          %dma_start3A_347 = arith.constant 0 : i32
          %dma_start3A_348 = arith.constant 0 : i32
          %dma_start3A_349 = tpu.memref_slice %run_scoped3A[%rem3A_336, %dma_start3A_347, %dma_start3A_348] : memref<2x1x256xi32, #tpu.memory_space<vmem>> -> memref<1x1x256xi32, #tpu.memory_space<vmem>>
          %dma_start3A_350 = tpu.memref_squeeze %dma_start3A_349 : memref<1x1x256xi32, #tpu.memory_space<vmem>> -> memref<1x256xi32, #tpu.memory_space<vmem>>
          %dma_start3A_351 = arith.constant 0 : i32
          %dma_start3A_352 = tpu.memref_slice %arg3[%dma_start3A_351, %mul3A_338] : memref<1x262144xi32, #tpu.memory_space<hbm>> -> memref<1x256xi32, #tpu.memory_space<hbm>>
          tpu.enqueue_dma source(%dma_start3A_352 : memref<1x256xi32, #tpu.memory_space<hbm>>) target(%dma_start3A_350 : memref<1x256xi32, #tpu.memory_space<vmem>>) target_semaphore(%dma_start3A_346 : memref<!tpu.dma_semaphore, #tpu.memory_space<semaphore_mem>>)
          "tpu.trace_stop"() : () -> ()
        } else {
        }
        %and3A_163 = arith.constant true
        %and3A_164 = arith.andi %and3A, %and3A_163 : i1
        %add3A_165 = arith.constant 1 : i32
        %add3A_166 = arith.addi %scan3A_122, %add3A_165 : i32
        %select_n3A_167 = arith.select %and3A_164, %add3A_166, %scan3A_122 : i32
        %ne3A_168 = arith.cmpi ne, %add3A_131, %add3A_149 : i32
        %or3A_169 = arith.constant false
        %or3A_170 = arith.ori %or3A_169, %ne3A_168 : i1
        %or3A_171 = arith.constant false
        %or3A_172 = arith.ori %or3A_170, %or3A_171 : i1
        %ge3A_173 = arith.constant 31 : i32
        %ge3A_174 = arith.cmpi sge, %scan3A_121, %ge3A_173 : i32
        %not3A_175 = arith.constant true
        %not3A_176 = arith.xori %ge3A_174, %not3A_175 : i1
        %and3A_177 = arith.andi %or3A_172, %not3A_176 : i1
        %ne3A_178 = arith.cmpi ne, %add3A_131, %add3A_140 : i32
        %or3A_179 = arith.constant false
        %or3A_180 = arith.ori %or3A_179, %ne3A_178 : i1
        %or3A_181 = arith.ori %or3A_180, %eq3A_128 : i1
        %convert_element_type3A_182 = arith.extui %or3A_181 : i1 to i32
        %cond3A_183 = arith.constant 0 : i32
        %cond3A_184 = arith.cmpi ne, %convert_element_type3A_182, %cond3A_183 : i32
        scf.if %cond3A_184 {
          "tpu.trace_start"() <{level = 10 : i32, message = "ep_wait_in"}> : () -> ()
          %mul3A_335 = arith.constant 256 : i32
          %mul3A_336 = arith.muli %mul3A_335, %add3A_131 : i32
          %rem3A_337 = arith.constant 2 : i32
          %rem3A_338 = arith.remui %scan3A_123, %rem3A_337 : i32
          %dma_wait3A_339 = arith.constant 0 : i32
          %dma_wait3A_340 = arith.constant 0 : i32
          %dma_wait3A_341 = tpu.memref_slice %run_scoped3A[%rem3A_338, %dma_wait3A_339, %dma_wait3A_340] : memref<2x1x256xi32, #tpu.memory_space<vmem>> -> memref<1x1x256xi32, #tpu.memory_space<vmem>>
          %dma_wait3A_342 = tpu.memref_squeeze %dma_wait3A_341 : memref<1x1x256xi32, #tpu.memory_space<vmem>> -> memref<1x256xi32, #tpu.memory_space<vmem>>
          %dma_wait3A_343 = arith.constant 0 : i32
          %dma_wait3A_344 = tpu.memref_slice %arg3[%dma_wait3A_343, %mul3A_336] : memref<1x262144xi32, #tpu.memory_space<hbm>> -> memref<1x256xi32, #tpu.memory_space<hbm>>
          %dma_wait3A_345 = tpu.memref_slice %run_scoped3A_7[%rem3A_338] : memref<2x!tpu.dma_semaphore, #tpu.memory_space<semaphore_mem>> -> memref<1x!tpu.dma_semaphore, #tpu.memory_space<semaphore_mem>>
          %dma_wait3A_346 = tpu.memref_squeeze %dma_wait3A_345 : memref<1x!tpu.dma_semaphore, #tpu.memory_space<semaphore_mem>> -> memref<!tpu.dma_semaphore, #tpu.memory_space<semaphore_mem>>
          %dma_wait3A_347 = arith.constant 0 : i32
          %dma_wait3A_348 = arith.constant 0 : i32
          %dma_wait3A_349 = tpu.memref_slice %run_scoped3A[%rem3A_338, %dma_wait3A_347, %dma_wait3A_348] : memref<2x1x256xi32, #tpu.memory_space<vmem>> -> memref<1x1x256xi32, #tpu.memory_space<vmem>>
          %dma_wait3A_350 = tpu.memref_squeeze %dma_wait3A_349 : memref<1x1x256xi32, #tpu.memory_space<vmem>> -> memref<1x256xi32, #tpu.memory_space<vmem>>
          %dma_wait3A_351 = arith.constant 0 : i32
          %dma_wait3A_352 = tpu.memref_slice %arg3[%dma_wait3A_351, %mul3A_336] : memref<1x262144xi32, #tpu.memory_space<hbm>> -> memref<1x256xi32, #tpu.memory_space<hbm>>
          tpu.wait_dma2 semaphore(%dma_wait3A_346 : memref<!tpu.dma_semaphore, #tpu.memory_space<semaphore_mem>>) src(%dma_wait3A_352 : memref<1x256xi32, #tpu.memory_space<hbm>>) dst(%dma_wait3A_350 : memref<1x256xi32, #tpu.memory_space<vmem>>)
          "tpu.trace_stop"() : () -> ()
        } else {
        }
        %ne3A_185 = arith.cmpi ne, %add3A_131, %add3A_140 : i32
        %or3A_186 = arith.constant false
        %or3A_187 = arith.ori %or3A_186, %ne3A_185 : i1
        %or3A_188 = arith.constant false
        %or3A_189 = arith.ori %or3A_187, %or3A_188 : i1
        %or3A_190 = arith.ori %or3A_189, %eq3A_128 : i1
        %convert_element_type3A_191 = arith.extui %or3A_190 : i1 to i32
        %cond3A_192 = arith.constant 0 : i32
        %cond3A_193 = arith.cmpi ne, %convert_element_type3A_191, %cond3A_192 : i32
        scf.if %cond3A_193 {
        } else {
        }
        %rem3A_194 = arith.constant 2 : i32
        %rem3A_195 = arith.remui %scan3A_123, %rem3A_194 : i32
        %rem3A_196 = arith.constant 2 : i32
        %rem3A_197 = arith.remui %scan3A_124, %rem3A_196 : i32
        %dma_start3A_198 = arith.constant 0 : i32
        "tpu.trace_start"() <{level = 10 : i32, message = "ep_run_kernel"}> : () -> ()
        %dma_start3A_199 = arith.constant 0 : i32
        %dma_start3A_200 = arith.constant 0 : i32
        %dma_start3A_201 = tpu.memref_slice %run_scoped3A_8[%rem3A_197, %dma_start3A_199, %dma_start3A_200] : memref<2x256x128xf32, #tpu.memory_space<vmem>> -> memref<1x256x128xf32, #tpu.memory_space<vmem>>
        %dma_start3A_202 = tpu.memref_squeeze %dma_start3A_201 : memref<1x256x128xf32, #tpu.memory_space<vmem>> -> memref<256x128xf32, #tpu.memory_space<vmem>>
        %dma_start3A_203 = arith.constant 0 : i32
        %dma_start3A_204 = arith.constant 0 : i32
        %dma_start3A_205 = tpu.memref_slice %dma_start3A_202[%dma_start3A_203, %dma_start3A_204] : memref<256x128xf32, #tpu.memory_space<vmem>> -> memref<128x128xf32, #tpu.memory_space<vmem>>
        %dma_start3A_206 = arith.constant 0 : i32
        %dma_start3A_207 = arith.constant 0 : i32
        %dma_start3A_208 = tpu.memref_slice %run_scoped3A[%rem3A_195, %dma_start3A_206, %dma_start3A_207] : memref<2x1x256xi32, #tpu.memory_space<vmem>> -> memref<1x1x256xi32, #tpu.memory_space<vmem>>
        %dma_start3A_209 = tpu.memref_squeeze %dma_start3A_208 : memref<1x1x256xi32, #tpu.memory_space<vmem>> -> memref<1x256xi32, #tpu.memory_space<vmem>>
        %dma_start3A_210 = arith.constant 0 : i32
        %dma_start3A_211 = tpu.memref_slice %dma_start3A_209[%dma_start3A_198, %dma_start3A_210] : memref<1x256xi32, #tpu.memory_space<vmem>> -> memref<1x128xi32, #tpu.memory_space<vmem>>
        %dma_start3A_212 = tpu.memref_squeeze %dma_start3A_211 : memref<1x128xi32, #tpu.memory_space<vmem>> -> memref<128xi32, #tpu.memory_space<vmem>>
        %dma_start3A_213 = arith.constant 0 : i32
        %dma_start3A_214 = arith.constant 0 : i32
        %dma_start3A_215 = tpu.memref_slice %arg2[%dma_start3A_213, %dma_start3A_214] : memref<16384x128xf32, #tpu.memory_space<hbm>> -> memref<16384x128xf32, #tpu.memory_space<hbm>>
        tpu.enqueue_indirect_dma source(%dma_start3A_215 : memref<16384x128xf32, #tpu.memory_space<hbm>>) target(%dma_start3A_205 : memref<128x128xf32, #tpu.memory_space<vmem>>) offsets(%dma_start3A_212 : memref<128xi32, #tpu.memory_space<vmem>>) semaphore(%arg5 : memref<!tpu.dma_semaphore, #tpu.memory_space<semaphore_mem>>)
        %dma_start3A_216 = arith.constant 0 : i32
        %dma_start3A_217 = arith.constant 0 : i32
        %dma_start3A_218 = arith.constant 0 : i32
        %dma_start3A_219 = tpu.memref_slice %run_scoped3A_8[%rem3A_197, %dma_start3A_217, %dma_start3A_218] : memref<2x256x128xf32, #tpu.memory_space<vmem>> -> memref<1x256x128xf32, #tpu.memory_space<vmem>>
        %dma_start3A_220 = tpu.memref_squeeze %dma_start3A_219 : memref<1x256x128xf32, #tpu.memory_space<vmem>> -> memref<256x128xf32, #tpu.memory_space<vmem>>
        %dma_start3A_221 = arith.constant 128 : i32
        %dma_start3A_222 = arith.constant 0 : i32
        %dma_start3A_223 = tpu.memref_slice %dma_start3A_220[%dma_start3A_221, %dma_start3A_222] : memref<256x128xf32, #tpu.memory_space<vmem>> -> memref<128x128xf32, #tpu.memory_space<vmem>>
        %dma_start3A_224 = arith.constant 0 : i32
        %dma_start3A_225 = arith.constant 0 : i32
        %dma_start3A_226 = tpu.memref_slice %run_scoped3A[%rem3A_195, %dma_start3A_224, %dma_start3A_225] : memref<2x1x256xi32, #tpu.memory_space<vmem>> -> memref<1x1x256xi32, #tpu.memory_space<vmem>>
        %dma_start3A_227 = tpu.memref_squeeze %dma_start3A_226 : memref<1x1x256xi32, #tpu.memory_space<vmem>> -> memref<1x256xi32, #tpu.memory_space<vmem>>
        %dma_start3A_228 = arith.constant 128 : i32
        %dma_start3A_229 = tpu.memref_slice %dma_start3A_227[%dma_start3A_216, %dma_start3A_228] : memref<1x256xi32, #tpu.memory_space<vmem>> -> memref<1x128xi32, #tpu.memory_space<vmem>>
        %dma_start3A_230 = tpu.memref_squeeze %dma_start3A_229 : memref<1x128xi32, #tpu.memory_space<vmem>> -> memref<128xi32, #tpu.memory_space<vmem>>
        %dma_start3A_231 = arith.constant 0 : i32
        %dma_start3A_232 = arith.constant 0 : i32
        %dma_start3A_233 = tpu.memref_slice %arg2[%dma_start3A_231, %dma_start3A_232] : memref<16384x128xf32, #tpu.memory_space<hbm>> -> memref<16384x128xf32, #tpu.memory_space<hbm>>
        tpu.enqueue_indirect_dma source(%dma_start3A_233 : memref<16384x128xf32, #tpu.memory_space<hbm>>) target(%dma_start3A_223 : memref<128x128xf32, #tpu.memory_space<vmem>>) offsets(%dma_start3A_230 : memref<128xi32, #tpu.memory_space<vmem>>) semaphore(%arg5 : memref<!tpu.dma_semaphore, #tpu.memory_space<semaphore_mem>>)
        %dma_wait3A_234 = arith.constant 0 : i32
        %dma_wait3A_235 = arith.constant 0 : i32
        %dma_wait3A_236 = arith.constant 0 : i32
        %dma_wait3A_237 = tpu.memref_slice %run_scoped3A_8[%rem3A_197, %dma_wait3A_235, %dma_wait3A_236] : memref<2x256x128xf32, #tpu.memory_space<vmem>> -> memref<1x256x128xf32, #tpu.memory_space<vmem>>
        %dma_wait3A_238 = tpu.memref_squeeze %dma_wait3A_237 : memref<1x256x128xf32, #tpu.memory_space<vmem>> -> memref<256x128xf32, #tpu.memory_space<vmem>>
        %dma_wait3A_239 = arith.constant 0 : i32
        %dma_wait3A_240 = arith.constant 0 : i32
        %dma_wait3A_241 = tpu.memref_slice %dma_wait3A_238[%dma_wait3A_239, %dma_wait3A_240] : memref<256x128xf32, #tpu.memory_space<vmem>> -> memref<128x128xf32, #tpu.memory_space<vmem>>
        %dma_wait3A_242 = arith.constant 0 : i32
        %dma_wait3A_243 = arith.constant 0 : i32
        %dma_wait3A_244 = tpu.memref_slice %run_scoped3A[%rem3A_195, %dma_wait3A_242, %dma_wait3A_243] : memref<2x1x256xi32, #tpu.memory_space<vmem>> -> memref<1x1x256xi32, #tpu.memory_space<vmem>>
        %dma_wait3A_245 = tpu.memref_squeeze %dma_wait3A_244 : memref<1x1x256xi32, #tpu.memory_space<vmem>> -> memref<1x256xi32, #tpu.memory_space<vmem>>
        %dma_wait3A_246 = arith.constant 0 : i32
        %dma_wait3A_247 = tpu.memref_slice %dma_wait3A_245[%dma_wait3A_234, %dma_wait3A_246] : memref<1x256xi32, #tpu.memory_space<vmem>> -> memref<1x128xi32, #tpu.memory_space<vmem>>
        %dma_wait3A_248 = tpu.memref_squeeze %dma_wait3A_247 : memref<1x128xi32, #tpu.memory_space<vmem>> -> memref<128xi32, #tpu.memory_space<vmem>>
        %dma_wait3A_249 = arith.constant 0 : i32
        %dma_wait3A_250 = arith.constant 0 : i32
        %dma_wait3A_251 = tpu.memref_slice %arg2[%dma_wait3A_249, %dma_wait3A_250] : memref<16384x128xf32, #tpu.memory_space<hbm>> -> memref<16384x128xf32, #tpu.memory_space<hbm>>
        tpu.wait_indirect_dma semaphore(%arg5 : memref<!tpu.dma_semaphore, #tpu.memory_space<semaphore_mem>>) src(%dma_wait3A_251 : memref<16384x128xf32, #tpu.memory_space<hbm>>) dst(%dma_wait3A_241 : memref<128x128xf32, #tpu.memory_space<vmem>>)
        %dma_wait3A_252 = arith.constant 0 : i32
        %dma_wait3A_253 = arith.constant 0 : i32
        %dma_wait3A_254 = arith.constant 0 : i32
        %dma_wait3A_255 = tpu.memref_slice %run_scoped3A_8[%rem3A_197, %dma_wait3A_253, %dma_wait3A_254] : memref<2x256x128xf32, #tpu.memory_space<vmem>> -> memref<1x256x128xf32, #tpu.memory_space<vmem>>
        %dma_wait3A_256 = tpu.memref_squeeze %dma_wait3A_255 : memref<1x256x128xf32, #tpu.memory_space<vmem>> -> memref<256x128xf32, #tpu.memory_space<vmem>>
        %dma_wait3A_257 = arith.constant 128 : i32
        %dma_wait3A_258 = arith.constant 0 : i32
        %dma_wait3A_259 = tpu.memref_slice %dma_wait3A_256[%dma_wait3A_257, %dma_wait3A_258] : memref<256x128xf32, #tpu.memory_space<vmem>> -> memref<128x128xf32, #tpu.memory_space<vmem>>
        %dma_wait3A_260 = arith.constant 0 : i32
        %dma_wait3A_261 = arith.constant 0 : i32
        %dma_wait3A_262 = tpu.memref_slice %run_scoped3A[%rem3A_195, %dma_wait3A_260, %dma_wait3A_261] : memref<2x1x256xi32, #tpu.memory_space<vmem>> -> memref<1x1x256xi32, #tpu.memory_space<vmem>>
        %dma_wait3A_263 = tpu.memref_squeeze %dma_wait3A_262 : memref<1x1x256xi32, #tpu.memory_space<vmem>> -> memref<1x256xi32, #tpu.memory_space<vmem>>
        %dma_wait3A_264 = arith.constant 128 : i32
        %dma_wait3A_265 = tpu.memref_slice %dma_wait3A_263[%dma_wait3A_252, %dma_wait3A_264] : memref<1x256xi32, #tpu.memory_space<vmem>> -> memref<1x128xi32, #tpu.memory_space<vmem>>
        %dma_wait3A_266 = tpu.memref_squeeze %dma_wait3A_265 : memref<1x128xi32, #tpu.memory_space<vmem>> -> memref<128xi32, #tpu.memory_space<vmem>>
        %dma_wait3A_267 = arith.constant 0 : i32
        %dma_wait3A_268 = arith.constant 0 : i32
        %dma_wait3A_269 = tpu.memref_slice %arg2[%dma_wait3A_267, %dma_wait3A_268] : memref<16384x128xf32, #tpu.memory_space<hbm>> -> memref<16384x128xf32, #tpu.memory_space<hbm>>
        tpu.wait_indirect_dma semaphore(%arg5 : memref<!tpu.dma_semaphore, #tpu.memory_space<semaphore_mem>>) src(%dma_wait3A_269 : memref<16384x128xf32, #tpu.memory_space<hbm>>) dst(%dma_wait3A_259 : memref<128x128xf32, #tpu.memory_space<vmem>>)
        "tpu.trace_stop"() : () -> ()
        %ne3A_270 = arith.cmpi ne, %add3A_131, %add3A_149 : i32
        %or3A_271 = arith.constant false
        %or3A_272 = arith.ori %or3A_271, %ne3A_270 : i1
        %or3A_273 = arith.ori %or3A_272, %eq3A_130 : i1
        %convert_element_type3A_274 = arith.extui %or3A_273 : i1 to i32
        %cond3A_275 = arith.constant 0 : i32
        %cond3A_276 = arith.cmpi ne, %convert_element_type3A_274, %cond3A_275 : i32
        scf.if %cond3A_276 {
        } else {
        }
        %and3A_277 = arith.constant false
        %and3A_278 = arith.andi %or3A_273, %and3A_277 : i1
        %ne3A_279 = arith.cmpi ne, %add3A_131, %add3A_149 : i32
        %or3A_280 = arith.constant false
        %or3A_281 = arith.ori %or3A_280, %ne3A_279 : i1
        %or3A_282 = arith.constant false
        %or3A_283 = arith.ori %or3A_281, %or3A_282 : i1
        %or3A_284 = arith.ori %or3A_283, %eq3A_130 : i1
        %convert_element_type3A_285 = arith.extui %or3A_284 : i1 to i32
        %cond3A_286 = arith.constant 0 : i32
        %cond3A_287 = arith.cmpi ne, %convert_element_type3A_285, %cond3A_286 : i32
        scf.if %cond3A_287 {
          "tpu.trace_start"() <{level = 10 : i32, message = "ep_copy_out"}> : () -> ()
          %rem3A_335 = arith.constant 2 : i32
          %rem3A_336 = arith.remui %scan3A_124, %rem3A_335 : i32
          %mul3A_337 = arith.constant 256 : i32
          %mul3A_338 = arith.muli %mul3A_337, %add3A_131 : i32
          %dma_start3A_339 = arith.constant 0 : i32
          %dma_start3A_340 = arith.constant 0 : i32
          %dma_start3A_341 = tpu.memref_slice %run_scoped3A_8[%rem3A_336, %dma_start3A_339, %dma_start3A_340] : memref<2x256x128xf32, #tpu.memory_space<vmem>> -> memref<1x256x128xf32, #tpu.memory_space<vmem>>
          %dma_start3A_342 = tpu.memref_squeeze %dma_start3A_341 : memref<1x256x128xf32, #tpu.memory_space<vmem>> -> memref<256x128xf32, #tpu.memory_space<vmem>>
          %dma_start3A_343 = arith.constant 0 : i32
          %dma_start3A_344 = tpu.memref_slice %arg4[%mul3A_338, %dma_start3A_343] : memref<262144x128xf32, #tpu.memory_space<hbm>> -> memref<256x128xf32, #tpu.memory_space<hbm>>
          %dma_start3A_345 = tpu.memref_slice %run_scoped3A_9[%rem3A_336] : memref<2x!tpu.dma_semaphore, #tpu.memory_space<semaphore_mem>> -> memref<1x!tpu.dma_semaphore, #tpu.memory_space<semaphore_mem>>
          %dma_start3A_346 = tpu.memref_squeeze %dma_start3A_345 : memref<1x!tpu.dma_semaphore, #tpu.memory_space<semaphore_mem>> -> memref<!tpu.dma_semaphore, #tpu.memory_space<semaphore_mem>>
          %dma_start3A_347 = arith.constant 0 : i32
          %dma_start3A_348 = tpu.memref_slice %arg4[%mul3A_338, %dma_start3A_347] : memref<262144x128xf32, #tpu.memory_space<hbm>> -> memref<256x128xf32, #tpu.memory_space<hbm>>
          %dma_start3A_349 = arith.constant 0 : i32
          %dma_start3A_350 = arith.constant 0 : i32
          %dma_start3A_351 = tpu.memref_slice %run_scoped3A_8[%rem3A_336, %dma_start3A_349, %dma_start3A_350] : memref<2x256x128xf32, #tpu.memory_space<vmem>> -> memref<1x256x128xf32, #tpu.memory_space<vmem>>
          %dma_start3A_352 = tpu.memref_squeeze %dma_start3A_351 : memref<1x256x128xf32, #tpu.memory_space<vmem>> -> memref<256x128xf32, #tpu.memory_space<vmem>>
          tpu.enqueue_dma source(%dma_start3A_352 : memref<256x128xf32, #tpu.memory_space<vmem>>) target(%dma_start3A_348 : memref<256x128xf32, #tpu.memory_space<hbm>>) target_semaphore(%dma_start3A_346 : memref<!tpu.dma_semaphore, #tpu.memory_space<semaphore_mem>>)
          "tpu.trace_stop"() : () -> ()
        } else {
        }
        %and3A_288 = arith.constant true
        %and3A_289 = arith.andi %or3A_284, %and3A_288 : i1
        %add3A_290 = arith.constant 1 : i32
        %add3A_291 = arith.addi %scan3A_124, %add3A_290 : i32
        %select_n3A_292 = arith.select %and3A_289, %add3A_291, %scan3A_124 : i32
        %ne3A_293 = arith.cmpi ne, %add3A_131, %add3A_140 : i32
        %or3A_294 = arith.constant false
        %or3A_295 = arith.ori %or3A_294, %ne3A_293 : i1
        %not3A_296 = arith.constant true
        %not3A_297 = arith.xori %eq3A_128, %not3A_296 : i1
        %and3A_298 = arith.andi %or3A_295, %not3A_297 : i1
        %convert_element_type3A_299 = arith.extui %and3A_298 : i1 to i32
        %cond3A_300 = arith.constant 0 : i32
        %cond3A_301 = arith.cmpi ne, %convert_element_type3A_299, %cond3A_300 : i32
        scf.if %cond3A_301 {
        } else {
        }
        %and3A_302 = arith.constant false
        %and3A_303 = arith.andi %and3A_298, %and3A_302 : i1
        %ne3A_304 = arith.cmpi ne, %add3A_131, %add3A_140 : i32
        %or3A_305 = arith.constant false
        %or3A_306 = arith.ori %or3A_305, %ne3A_304 : i1
        %or3A_307 = arith.constant false
        %or3A_308 = arith.ori %or3A_306, %or3A_307 : i1
        %not3A_309 = arith.constant true
        %not3A_310 = arith.xori %eq3A_128, %not3A_309 : i1
        %and3A_311 = arith.andi %or3A_308, %not3A_310 : i1
        %convert_element_type3A_312 = arith.extui %and3A_311 : i1 to i32
        %cond3A_313 = arith.constant 0 : i32
        %cond3A_314 = arith.cmpi ne, %convert_element_type3A_312, %cond3A_313 : i32
        scf.if %cond3A_314 {
          "tpu.trace_start"() <{level = 10 : i32, message = "ep_wait_out"}> : () -> ()
          %rem3A_335 = arith.constant 2 : i32
          %rem3A_336 = arith.remui %scan3A_125, %rem3A_335 : i32
          %mul3A_337 = arith.constant 256 : i32
          %mul3A_338 = arith.muli %mul3A_337, %add3A_140 : i32
          %dma_wait3A_339 = arith.constant 0 : i32
          %dma_wait3A_340 = arith.constant 0 : i32
          %dma_wait3A_341 = tpu.memref_slice %run_scoped3A_8[%rem3A_336, %dma_wait3A_339, %dma_wait3A_340] : memref<2x256x128xf32, #tpu.memory_space<vmem>> -> memref<1x256x128xf32, #tpu.memory_space<vmem>>
          %dma_wait3A_342 = tpu.memref_squeeze %dma_wait3A_341 : memref<1x256x128xf32, #tpu.memory_space<vmem>> -> memref<256x128xf32, #tpu.memory_space<vmem>>
          %dma_wait3A_343 = arith.constant 0 : i32
          %dma_wait3A_344 = tpu.memref_slice %arg4[%mul3A_338, %dma_wait3A_343] : memref<262144x128xf32, #tpu.memory_space<hbm>> -> memref<256x128xf32, #tpu.memory_space<hbm>>
          %dma_wait3A_345 = tpu.memref_slice %run_scoped3A_9[%rem3A_336] : memref<2x!tpu.dma_semaphore, #tpu.memory_space<semaphore_mem>> -> memref<1x!tpu.dma_semaphore, #tpu.memory_space<semaphore_mem>>
          %dma_wait3A_346 = tpu.memref_squeeze %dma_wait3A_345 : memref<1x!tpu.dma_semaphore, #tpu.memory_space<semaphore_mem>> -> memref<!tpu.dma_semaphore, #tpu.memory_space<semaphore_mem>>
          %dma_wait3A_347 = arith.constant 0 : i32
          %dma_wait3A_348 = tpu.memref_slice %arg4[%mul3A_338, %dma_wait3A_347] : memref<262144x128xf32, #tpu.memory_space<hbm>> -> memref<256x128xf32, #tpu.memory_space<hbm>>
          %dma_wait3A_349 = arith.constant 0 : i32
          %dma_wait3A_350 = arith.constant 0 : i32
          %dma_wait3A_351 = tpu.memref_slice %run_scoped3A_8[%rem3A_336, %dma_wait3A_349, %dma_wait3A_350] : memref<2x256x128xf32, #tpu.memory_space<vmem>> -> memref<1x256x128xf32, #tpu.memory_space<vmem>>
          %dma_wait3A_352 = tpu.memref_squeeze %dma_wait3A_351 : memref<1x256x128xf32, #tpu.memory_space<vmem>> -> memref<256x128xf32, #tpu.memory_space<vmem>>
          tpu.wait_dma2 semaphore(%dma_wait3A_346 : memref<!tpu.dma_semaphore, #tpu.memory_space<semaphore_mem>>) src(%dma_wait3A_352 : memref<256x128xf32, #tpu.memory_space<vmem>>) dst(%dma_wait3A_348 : memref<256x128xf32, #tpu.memory_space<hbm>>)
          "tpu.trace_stop"() : () -> ()
        } else {
        }
        %and3A_315 = arith.constant true
        %and3A_316 = arith.andi %and3A_311, %and3A_315 : i1
        %add3A_317 = arith.constant 1 : i32
        %add3A_318 = arith.addi %scan3A_125, %add3A_317 : i32
        %select_n3A_319 = arith.select %and3A_316, %add3A_318, %scan3A_125 : i32
        %ne3A_320 = arith.cmpi ne, %add3A_131, %add3A_149 : i32
        %or3A_321 = arith.constant false
        %or3A_322 = arith.ori %or3A_321, %ne3A_320 : i1
        %or3A_323 = arith.ori %or3A_322, %eq3A_130 : i1
        %add3A_324 = arith.constant 1 : i32
        %add3A_325 = arith.addi %scan3A_123, %add3A_324 : i32
        %select_n3A_326 = arith.select %or3A_323, %add3A_325, %scan3A_123 : i32
        %add3A_327 = arith.constant 1 : i32
        %add3A_328 = arith.addi %scan3A_126, %add3A_327 : i32
        %select_n3A_329 = arith.constant true
        %select_n3A_330 = arith.select %select_n3A_329, %add3A_328, %scan3A_126 : i32
        %eq3A_331 = arith.constant 32 : i32
        %eq3A_332 = arith.cmpi eq, %select_n3A_330, %eq3A_331 : i32
        %select_n3A_333 = arith.constant 0 : i32
        %select_n3A_334 = arith.select %eq3A_332, %select_n3A_333, %select_n3A_330 : i32
        scf.yield %select_n3A_167, %select_n3A_326, %select_n3A_292, %select_n3A_319, %select_n3A_334 : i32, i32, i32, i32, i32
      }
      %scan3A_68 = arith.constant 32 : i32
      %sub3A = arith.constant 1 : i32
      %sub3A_69 = arith.subi %scan3A_67#4, %sub3A : i32
      %select_n3A_70 = arith.constant true
      %select_n3A_71 = arith.select %select_n3A_70, %sub3A_69, %scan3A_67#4 : i32
      %eq3A_72 = arith.constant -1 : i32
      %eq3A_73 = arith.cmpi eq, %select_n3A_71, %eq3A_72 : i32
      %select_n3A_74 = arith.constant 31 : i32
      %select_n3A_75 = arith.select %eq3A_73, %select_n3A_74, %select_n3A_71 : i32
      %add3A_76 = arith.addi %select_n3A_75, %mul3A_6 : i32
      %sub3A_77 = arith.constant 1 : i32
      %sub3A_78 = arith.subi %select_n3A_75, %sub3A_77 : i32
      %select_n3A_79 = arith.constant true
      %select_n3A_80 = arith.select %select_n3A_79, %sub3A_78, %select_n3A_75 : i32
      %eq3A_81 = arith.constant -1 : i32
      %eq3A_82 = arith.cmpi eq, %select_n3A_80, %eq3A_81 : i32
      %select_n3A_83 = arith.constant 31 : i32
      %select_n3A_84 = arith.select %eq3A_82, %select_n3A_83, %select_n3A_80 : i32
      %add3A_85 = arith.addi %select_n3A_84, %mul3A_6 : i32
      %add3A_86 = arith.constant 1 : i32
      %add3A_87 = arith.addi %select_n3A_75, %add3A_86 : i32
      %select_n3A_88 = arith.constant true
      %select_n3A_89 = arith.select %select_n3A_88, %add3A_87, %select_n3A_75 : i32
      %eq3A_90 = arith.constant 32 : i32
      %eq3A_91 = arith.cmpi eq, %select_n3A_89, %eq3A_90 : i32
      %select_n3A_92 = arith.constant 0 : i32
      %select_n3A_93 = arith.select %eq3A_91, %select_n3A_92, %select_n3A_89 : i32
      %add3A_94 = arith.addi %select_n3A_93, %mul3A_6 : i32
      %add3A_95 = arith.constant 1 : i32
      %add3A_96 = arith.addi %select_n3A_93, %add3A_95 : i32
      %select_n3A_97 = arith.constant true
      %select_n3A_98 = arith.select %select_n3A_97, %add3A_96, %select_n3A_93 : i32
      %eq3A_99 = arith.constant 32 : i32
      %eq3A_100 = arith.cmpi eq, %select_n3A_98, %eq3A_99 : i32
      %select_n3A_101 = arith.constant 0 : i32
      %select_n3A_102 = arith.select %eq3A_100, %select_n3A_101, %select_n3A_98 : i32
      %add3A_103 = arith.addi %select_n3A_102, %mul3A_6 : i32
      "tpu.trace_start"() <{level = 10 : i32, message = "ep_finalize"}> : () -> ()
      %rem3A_104 = arith.constant 2 : i32
      %rem3A_105 = arith.remui %scan3A_67#3, %rem3A_104 : i32
      %mul3A_106 = arith.constant 256 : i32
      %mul3A_107 = arith.muli %mul3A_106, %add3A_76 : i32
      %dma_wait3A = arith.constant 0 : i32
      %dma_wait3A_108 = arith.constant 0 : i32
      %dma_wait3A_109 = tpu.memref_slice %run_scoped3A_8[%rem3A_105, %dma_wait3A, %dma_wait3A_108] : memref<2x256x128xf32, #tpu.memory_space<vmem>> -> memref<1x256x128xf32, #tpu.memory_space<vmem>>
      %dma_wait3A_110 = tpu.memref_squeeze %dma_wait3A_109 : memref<1x256x128xf32, #tpu.memory_space<vmem>> -> memref<256x128xf32, #tpu.memory_space<vmem>>
      %dma_wait3A_111 = arith.constant 0 : i32
      %dma_wait3A_112 = tpu.memref_slice %arg4[%mul3A_107, %dma_wait3A_111] : memref<262144x128xf32, #tpu.memory_space<hbm>> -> memref<256x128xf32, #tpu.memory_space<hbm>>
      %dma_wait3A_113 = tpu.memref_slice %run_scoped3A_9[%rem3A_105] : memref<2x!tpu.dma_semaphore, #tpu.memory_space<semaphore_mem>> -> memref<1x!tpu.dma_semaphore, #tpu.memory_space<semaphore_mem>>
      %dma_wait3A_114 = tpu.memref_squeeze %dma_wait3A_113 : memref<1x!tpu.dma_semaphore, #tpu.memory_space<semaphore_mem>> -> memref<!tpu.dma_semaphore, #tpu.memory_space<semaphore_mem>>
      %dma_wait3A_115 = arith.constant 0 : i32
      %dma_wait3A_116 = tpu.memref_slice %arg4[%mul3A_107, %dma_wait3A_115] : memref<262144x128xf32, #tpu.memory_space<hbm>> -> memref<256x128xf32, #tpu.memory_space<hbm>>
      %dma_wait3A_117 = arith.constant 0 : i32
      %dma_wait3A_118 = arith.constant 0 : i32
      %dma_wait3A_119 = tpu.memref_slice %run_scoped3A_8[%rem3A_105, %dma_wait3A_117, %dma_wait3A_118] : memref<2x256x128xf32, #tpu.memory_space<vmem>> -> memref<1x256x128xf32, #tpu.memory_space<vmem>>
      %dma_wait3A_120 = tpu.memref_squeeze %dma_wait3A_119 : memref<1x256x128xf32, #tpu.memory_space<vmem>> -> memref<256x128xf32, #tpu.memory_space<vmem>>
      tpu.wait_dma2 semaphore(%dma_wait3A_114 : memref<!tpu.dma_semaphore, #tpu.memory_space<semaphore_mem>>) src(%dma_wait3A_120 : memref<256x128xf32, #tpu.memory_space<vmem>>) dst(%dma_wait3A_116 : memref<256x128xf32, #tpu.memory_space<hbm>>)
      "tpu.trace_stop"() : () -> ()
      tpu.yield
    }) : () -> ()
    return
  }
}

#map = affine_map<(d0, d1) -> (0, 0)>
module attributes {stable_mosaic.version = 14 : i64} {
  func.func @gather_kernel(%arg0: i32, %arg1: i32, %arg2: memref<16384x128xf32, #tpu.memory_space<hbm>>, %arg3: memref<1x262144xi32, #tpu.memory_space<hbm>>, %arg4: memref<262144x128xf32, #tpu.memory_space<hbm>>, %arg5: memref<!tpu.dma_semaphore, #tpu.memory_space<semaphore_mem>>) attributes {dimension_semantics = [#tpu.dimension_semantics<core_parallel>, #tpu.dimension_semantics<subcore_parallel>], iteration_bounds = array<i64: 2, 16>, scalar_prefetch = 0 : i64, scratch_operands = 1 : i64, tpu.core_type = #tpu.core_type<sc_vector_subcore>, window_params = [{transform_indices = #map}, {transform_indices = #map}, {transform_indices = #map}]} {
    %mul3A = arith.constant 1 : i32
    %mul3A_0 = arith.muli %arg1, %mul3A : i32
    %add3A = arith.constant 0 : i32
    %add3A_1 = arith.addi %add3A, %mul3A_0 : i32
    %mul3A_2 = arith.constant 16 : i32
    %mul3A_3 = arith.muli %arg0, %mul3A_2 : i32
    %add3A_4 = arith.addi %add3A_1, %mul3A_3 : i32
    %mul3A_5 = arith.constant 32 : i32
    %mul3A_6 = arith.muli %add3A_4, %mul3A_5 : i32
    "tpu.region"() ({
      %run_scoped3A = memref.alloca() : memref<2x1x256xi32, #tpu.memory_space<vmem>>
      %run_scoped3A_7 = tpu.sem_alloc : memref<2x!tpu.dma_semaphore, #tpu.memory_space<semaphore_mem>>
      %run_scoped3A_8 = memref.alloca() : memref<2x256x128xf32, #tpu.memory_space<vmem>>
      %run_scoped3A_9 = tpu.sem_alloc : memref<2x!tpu.dma_semaphore, #tpu.memory_space<semaphore_mem>>
      %add3A_10 = arith.constant 0 : i32
      %add3A_11 = arith.addi %add3A_10, %mul3A_6 : i32
      %select_n3A = arith.constant true
      %select_n3A_12 = arith.constant 0 : i32
      %select_n3A_13 = arith.constant -1 : i32
      %select_n3A_14 = arith.select %select_n3A, %select_n3A_13, %select_n3A_12 : i32
      %eq3A = arith.constant -1 : i32
      %eq3A_15 = arith.cmpi eq, %select_n3A_14, %eq3A : i32
      %select_n3A_16 = arith.constant 31 : i32
      %select_n3A_17 = arith.select %eq3A_15, %select_n3A_16, %select_n3A_14 : i32
      %add3A_18 = arith.addi %select_n3A_17, %mul3A_6 : i32
      %select_n3A_19 = arith.constant true
      %select_n3A_20 = arith.constant 0 : i32
      %select_n3A_21 = arith.constant 1 : i32
      %select_n3A_22 = arith.select %select_n3A_19, %select_n3A_21, %select_n3A_20 : i32
      %eq3A_23 = arith.constant 32 : i32
      %eq3A_24 = arith.cmpi eq, %select_n3A_22, %eq3A_23 : i32
      %select_n3A_25 = arith.constant 0 : i32
      %select_n3A_26 = arith.select %eq3A_24, %select_n3A_25, %select_n3A_22 : i32
      %add3A_27 = arith.addi %select_n3A_26, %mul3A_6 : i32
      %add3A_28 = arith.constant 1 : i32
      %add3A_29 = arith.addi %select_n3A_26, %add3A_28 : i32
      %select_n3A_30 = arith.constant true
      %select_n3A_31 = arith.select %select_n3A_30, %add3A_29, %select_n3A_26 : i32
      %eq3A_32 = arith.constant 32 : i32
      %eq3A_33 = arith.cmpi eq, %select_n3A_31, %eq3A_32 : i32
      %select_n3A_34 = arith.constant 0 : i32
      %select_n3A_35 = arith.select %eq3A_33, %select_n3A_34, %select_n3A_31 : i32
      %add3A_36 = arith.addi %select_n3A_35, %mul3A_6 : i32
      "tpu.trace_start"() <{level = 10 : i32, message = "ep_initialize_0"}> : () -> ()
      %rem3A = arith.constant 0 : i32
      %rem3A_37 = arith.constant 2 : i32
      %rem3A_38 = arith.remui %rem3A, %rem3A_37 : i32
      %mul3A_39 = arith.constant 256 : i32
      %mul3A_40 = arith.muli %mul3A_39, %add3A_11 : i32
      %dma_start3A = arith.constant 0 : i32
      %dma_start3A_41 = arith.constant 0 : i32
      %dma_start3A_42 = tpu.memref_slice %run_scoped3A[%rem3A_38, %dma_start3A, %dma_start3A_41] : memref<2x1x256xi32, #tpu.memory_space<vmem>> -> memref<1x1x256xi32, #tpu.memory_space<vmem>>
      %dma_start3A_43 = tpu.memref_squeeze %dma_start3A_42 : memref<1x1x256xi32, #tpu.memory_space<vmem>> -> memref<1x256xi32, #tpu.memory_space<vmem>>
      %dma_start3A_44 = arith.constant 0 : i32
      %dma_start3A_45 = tpu.memref_slice %arg3[%dma_start3A_44, %mul3A_40] : memref<1x262144xi32, #tpu.memory_space<hbm>> -> memref<1x256xi32, #tpu.memory_space<hbm>>
      %dma_start3A_46 = tpu.memref_slice %run_scoped3A_7[%rem3A_38] : memref<2x!tpu.dma_semaphore, #tpu.memory_space<semaphore_mem>> -> memref<1x!tpu.dma_semaphore, #tpu.memory_space<semaphore_mem>>
      %dma_start3A_47 = tpu.memref_squeeze %dma_start3A_46 : memref<1x!tpu.dma_semaphore, #tpu.memory_space<semaphore_mem>> -> memref<!tpu.dma_semaphore, #tpu.memory_space<semaphore_mem>>
      %dma_start3A_48 = arith.constant 0 : i32
      %dma_start3A_49 = arith.constant 0 : i32
      %dma_start3A_50 = tpu.memref_slice %run_scoped3A[%rem3A_38, %dma_start3A_48, %dma_start3A_49] : memref<2x1x256xi32, #tpu.memory_space<vmem>> -> memref<1x1x256xi32, #tpu.memory_space<vmem>>
      %dma_start3A_51 = tpu.memref_squeeze %dma_start3A_50 : memref<1x1x256xi32, #tpu.memory_space<vmem>> -> memref<1x256xi32, #tpu.memory_space<vmem>>
      %dma_start3A_52 = arith.constant 0 : i32
      %dma_start3A_53 = tpu.memref_slice %arg3[%dma_start3A_52, %mul3A_40] : memref<1x262144xi32, #tpu.memory_space<hbm>> -> memref<1x256xi32, #tpu.memory_space<hbm>>
      tpu.enqueue_dma source(%dma_start3A_53 : memref<1x256xi32, #tpu.memory_space<hbm>>) target(%dma_start3A_51 : memref<1x256xi32, #tpu.memory_space<vmem>>) target_semaphore(%dma_start3A_47 : memref<!tpu.dma_semaphore, #tpu.memory_space<semaphore_mem>>)
      %add3A_54 = arith.constant 0 : i32
      %add3A_55 = arith.constant 1 : i32
      %add3A_56 = arith.addi %add3A_54, %add3A_55 : i32
      %select_n3A_57 = arith.constant true
      %select_n3A_58 = arith.constant 0 : i32
      %select_n3A_59 = arith.select %select_n3A_57, %add3A_56, %select_n3A_58 : i32
      "tpu.trace_stop"() : () -> ()
      %scan3A = arith.constant 0 : i32
      %scan3A_60 = arith.constant 0 : i32
      %scan3A_61 = arith.constant 0 : i32
      %scan3A_62 = arith.constant 0 : i32
      %scan3A_63 = arith.constant 0 : i32
      %scan3A_64 = arith.constant 32 : i32
      %scan3A_65 = arith.addi %scan3A_63, %scan3A_64 : i32
      %scan3A_66 = arith.constant 1 : i32
      %scan3A_67:5 = scf.for %scan3A_121 = %scan3A_63 to %scan3A_65 step %scan3A_66 iter_args(%scan3A_122 = %select_n3A_59, %scan3A_123 = %scan3A, %scan3A_124 = %scan3A_60, %scan3A_125 = %scan3A_61, %scan3A_126 = %scan3A_62) -> (i32, i32, i32, i32, i32)  : i32 {
        %eq3A_127 = arith.constant 0 : i32
        %eq3A_128 = arith.cmpi eq, %scan3A_121, %eq3A_127 : i32
        %eq3A_129 = arith.constant 31 : i32
        %eq3A_130 = arith.cmpi eq, %scan3A_121, %eq3A_129 : i32
        %add3A_131 = arith.addi %scan3A_126, %mul3A_6 : i32
        %sub3A_132 = arith.constant 1 : i32
        %sub3A_133 = arith.subi %scan3A_126, %sub3A_132 : i32
        %select_n3A_134 = arith.constant true
        %select_n3A_135 = arith.select %select_n3A_134, %sub3A_133, %scan3A_126 : i32
        %eq3A_136 = arith.constant -1 : i32
        %eq3A_137 = arith.cmpi eq, %select_n3A_135, %eq3A_136 : i32
        %select_n3A_138 = arith.constant 31 : i32
        %select_n3A_139 = arith.select %eq3A_137, %select_n3A_138, %select_n3A_135 : i32
        %add3A_140 = arith.addi %select_n3A_139, %mul3A_6 : i32
        %add3A_141 = arith.constant 1 : i32
        %add3A_142 = arith.addi %scan3A_126, %add3A_141 : i32
        %select_n3A_143 = arith.constant true
        %select_n3A_144 = arith.select %select_n3A_143, %add3A_142, %scan3A_126 : i32
        %eq3A_145 = arith.constant 32 : i32
        %eq3A_146 = arith.cmpi eq, %select_n3A_144, %eq3A_145 : i32
        %select_n3A_147 = arith.constant 0 : i32
        %select_n3A_148 = arith.select %eq3A_146, %select_n3A_147, %select_n3A_144 : i32
        %add3A_149 = arith.addi %select_n3A_148, %mul3A_6 : i32
        %add3A_150 = arith.constant 1 : i32
        %add3A_151 = arith.addi %select_n3A_148, %add3A_150 : i32
        %select_n3A_152 = arith.constant true
        %select_n3A_153 = arith.select %select_n3A_152, %add3A_151, %select_n3A_148 : i32
        %eq3A_154 = arith.constant 32 : i32
        %eq3A_155 = arith.cmpi eq, %select_n3A_153, %eq3A_154 : i32
        %select_n3A_156 = arith.constant 0 : i32
        %select_n3A_157 = arith.select %eq3A_155, %select_n3A_156, %select_n3A_153 : i32
        %add3A_158 = arith.addi %select_n3A_157, %mul3A_6 : i32
        %ne3A = arith.cmpi ne, %add3A_131, %add3A_149 : i32
        %or3A = arith.constant false
        %or3A_159 = arith.ori %or3A, %ne3A : i1
        %ge3A = arith.constant 31 : i32
        %ge3A_160 = arith.cmpi sge, %scan3A_121, %ge3A : i32
        %not3A = arith.constant true
        %not3A_161 = arith.xori %ge3A_160, %not3A : i1
        %and3A = arith.andi %or3A_159, %not3A_161 : i1
        %convert_element_type3A = arith.extui %and3A : i1 to i32
        %cond3A = arith.constant 0 : i32
        %cond3A_162 = arith.cmpi ne, %convert_element_type3A, %cond3A : i32
        scf.if %cond3A_162 {
          "tpu.trace_start"() <{level = 10 : i32, message = "ep_copy_in"}> : () -> ()
          %rem3A_335 = arith.constant 2 : i32
          %rem3A_336 = arith.remui %scan3A_122, %rem3A_335 : i32
          %mul3A_337 = arith.constant 256 : i32
          %mul3A_338 = arith.muli %mul3A_337, %add3A_149 : i32
          %dma_start3A_339 = arith.constant 0 : i32
          %dma_start3A_340 = arith.constant 0 : i32
          %dma_start3A_341 = tpu.memref_slice %run_scoped3A[%rem3A_336, %dma_start3A_339, %dma_start3A_340] : memref<2x1x256xi32, #tpu.memory_space<vmem>> -> memref<1x1x256xi32, #tpu.memory_space<vmem>>
          %dma_start3A_342 = tpu.memref_squeeze %dma_start3A_341 : memref<1x1x256xi32, #tpu.memory_space<vmem>> -> memref<1x256xi32, #tpu.memory_space<vmem>>
          %dma_start3A_343 = arith.constant 0 : i32
          %dma_start3A_344 = tpu.memref_slice %arg3[%dma_start3A_343, %mul3A_338] : memref<1x262144xi32, #tpu.memory_space<hbm>> -> memref<1x256xi32, #tpu.memory_space<hbm>>
          %dma_start3A_345 = tpu.memref_slice %run_scoped3A_7[%rem3A_336] : memref<2x!tpu.dma_semaphore, #tpu.memory_space<semaphore_mem>> -> memref<1x!tpu.dma_semaphore, #tpu.memory_space<semaphore_mem>>
          %dma_start3A_346 = tpu.memref_squeeze %dma_start3A_345 : memref<1x!tpu.dma_semaphore, #tpu.memory_space<semaphore_mem>> -> memref<!tpu.dma_semaphore, #tpu.memory_space<semaphore_mem>>
          %dma_start3A_347 = arith.constant 0 : i32
          %dma_start3A_348 = arith.constant 0 : i32
          %dma_start3A_349 = tpu.memref_slice %run_scoped3A[%rem3A_336, %dma_start3A_347, %dma_start3A_348] : memref<2x1x256xi32, #tpu.memory_space<vmem>> -> memref<1x1x256xi32, #tpu.memory_space<vmem>>
          %dma_start3A_350 = tpu.memref_squeeze %dma_start3A_349 : memref<1x1x256xi32, #tpu.memory_space<vmem>> -> memref<1x256xi32, #tpu.memory_space<vmem>>
          %dma_start3A_351 = arith.constant 0 : i32
          %dma_start3A_352 = tpu.memref_slice %arg3[%dma_start3A_351, %mul3A_338] : memref<1x262144xi32, #tpu.memory_space<hbm>> -> memref<1x256xi32, #tpu.memory_space<hbm>>
          tpu.enqueue_dma source(%dma_start3A_352 : memref<1x256xi32, #tpu.memory_space<hbm>>) target(%dma_start3A_350 : memref<1x256xi32, #tpu.memory_space<vmem>>) target_semaphore(%dma_start3A_346 : memref<!tpu.dma_semaphore, #tpu.memory_space<semaphore_mem>>)
          "tpu.trace_stop"() : () -> ()
        } else {
        }
        %and3A_163 = arith.constant true
        %and3A_164 = arith.andi %and3A, %and3A_163 : i1
        %add3A_165 = arith.constant 1 : i32
        %add3A_166 = arith.addi %scan3A_122, %add3A_165 : i32
        %select_n3A_167 = arith.select %and3A_164, %add3A_166, %scan3A_122 : i32
        %ne3A_168 = arith.cmpi ne, %add3A_131, %add3A_149 : i32
        %or3A_169 = arith.constant false
        %or3A_170 = arith.ori %or3A_169, %ne3A_168 : i1
        %or3A_171 = arith.constant false
        %or3A_172 = arith.ori %or3A_170, %or3A_171 : i1
        %ge3A_173 = arith.constant 31 : i32
        %ge3A_174 = arith.cmpi sge, %scan3A_121, %ge3A_173 : i32
        %not3A_175 = arith.constant true
        %not3A_176 = arith.xori %ge3A_174, %not3A_175 : i1
        %and3A_177 = arith.andi %or3A_172, %not3A_176 : i1
        %ne3A_178 = arith.cmpi ne, %add3A_131, %add3A_140 : i32
        %or3A_179 = arith.constant false
        %or3A_180 = arith.ori %or3A_179, %ne3A_178 : i1
        %or3A_181 = arith.ori %or3A_180, %eq3A_128 : i1
        %convert_element_type3A_182 = arith.extui %or3A_181 : i1 to i32
        %cond3A_183 = arith.constant 0 : i32
        %cond3A_184 = arith.cmpi ne, %convert_element_type3A_182, %cond3A_183 : i32
        scf.if %cond3A_184 {
          "tpu.trace_start"() <{level = 10 : i32, message = "ep_wait_in"}> : () -> ()
          %mul3A_335 = arith.constant 256 : i32
          %mul3A_336 = arith.muli %mul3A_335, %add3A_131 : i32
          %rem3A_337 = arith.constant 2 : i32
          %rem3A_338 = arith.remui %scan3A_123, %rem3A_337 : i32
          %dma_wait3A_339 = arith.constant 0 : i32
          %dma_wait3A_340 = arith.constant 0 : i32
          %dma_wait3A_341 = tpu.memref_slice %run_scoped3A[%rem3A_338, %dma_wait3A_339, %dma_wait3A_340] : memref<2x1x256xi32, #tpu.memory_space<vmem>> -> memref<1x1x256xi32, #tpu.memory_space<vmem>>
          %dma_wait3A_342 = tpu.memref_squeeze %dma_wait3A_341 : memref<1x1x256xi32, #tpu.memory_space<vmem>> -> memref<1x256xi32, #tpu.memory_space<vmem>>
          %dma_wait3A_343 = arith.constant 0 : i32
          %dma_wait3A_344 = tpu.memref_slice %arg3[%dma_wait3A_343, %mul3A_336] : memref<1x262144xi32, #tpu.memory_space<hbm>> -> memref<1x256xi32, #tpu.memory_space<hbm>>
          %dma_wait3A_345 = tpu.memref_slice %run_scoped3A_7[%rem3A_338] : memref<2x!tpu.dma_semaphore, #tpu.memory_space<semaphore_mem>> -> memref<1x!tpu.dma_semaphore, #tpu.memory_space<semaphore_mem>>
          %dma_wait3A_346 = tpu.memref_squeeze %dma_wait3A_345 : memref<1x!tpu.dma_semaphore, #tpu.memory_space<semaphore_mem>> -> memref<!tpu.dma_semaphore, #tpu.memory_space<semaphore_mem>>
          %dma_wait3A_347 = arith.constant 0 : i32
          %dma_wait3A_348 = arith.constant 0 : i32
          %dma_wait3A_349 = tpu.memref_slice %run_scoped3A[%rem3A_338, %dma_wait3A_347, %dma_wait3A_348] : memref<2x1x256xi32, #tpu.memory_space<vmem>> -> memref<1x1x256xi32, #tpu.memory_space<vmem>>
          %dma_wait3A_350 = tpu.memref_squeeze %dma_wait3A_349 : memref<1x1x256xi32, #tpu.memory_space<vmem>> -> memref<1x256xi32, #tpu.memory_space<vmem>>
          %dma_wait3A_351 = arith.constant 0 : i32
          %dma_wait3A_352 = tpu.memref_slice %arg3[%dma_wait3A_351, %mul3A_336] : memref<1x262144xi32, #tpu.memory_space<hbm>> -> memref<1x256xi32, #tpu.memory_space<hbm>>
          tpu.wait_dma2 semaphore(%dma_wait3A_346 : memref<!tpu.dma_semaphore, #tpu.memory_space<semaphore_mem>>) src(%dma_wait3A_352 : memref<1x256xi32, #tpu.memory_space<hbm>>) dst(%dma_wait3A_350 : memref<1x256xi32, #tpu.memory_space<vmem>>)
          "tpu.trace_stop"() : () -> ()
        } else {
        }
        %ne3A_185 = arith.cmpi ne, %add3A_131, %add3A_140 : i32
        %or3A_186 = arith.constant false
        %or3A_187 = arith.ori %or3A_186, %ne3A_185 : i1
        %or3A_188 = arith.constant false
        %or3A_189 = arith.ori %or3A_187, %or3A_188 : i1
        %or3A_190 = arith.ori %or3A_189, %eq3A_128 : i1
        %convert_element_type3A_191 = arith.extui %or3A_190 : i1 to i32
        %cond3A_192 = arith.constant 0 : i32
        %cond3A_193 = arith.cmpi ne, %convert_element_type3A_191, %cond3A_192 : i32
        scf.if %cond3A_193 {
        } else {
        }
        %rem3A_194 = arith.constant 2 : i32
        %rem3A_195 = arith.remui %scan3A_123, %rem3A_194 : i32
        %rem3A_196 = arith.constant 2 : i32
        %rem3A_197 = arith.remui %scan3A_124, %rem3A_196 : i32
        %dma_start3A_198 = arith.constant 0 : i32
        "tpu.trace_start"() <{level = 10 : i32, message = "ep_run_kernel"}> : () -> ()
        %dma_start3A_199 = arith.constant 0 : i32
        %dma_start3A_200 = arith.constant 0 : i32
        %dma_start3A_201 = tpu.memref_slice %run_scoped3A_8[%rem3A_197, %dma_start3A_199, %dma_start3A_200] : memref<2x256x128xf32, #tpu.memory_space<vmem>> -> memref<1x256x128xf32, #tpu.memory_space<vmem>>
        %dma_start3A_202 = tpu.memref_squeeze %dma_start3A_201 : memref<1x256x128xf32, #tpu.memory_space<vmem>> -> memref<256x128xf32, #tpu.memory_space<vmem>>
        %dma_start3A_203 = arith.constant 0 : i32
        %dma_start3A_204 = arith.constant 0 : i32
        %dma_start3A_205 = tpu.memref_slice %dma_start3A_202[%dma_start3A_203, %dma_start3A_204] : memref<256x128xf32, #tpu.memory_space<vmem>> -> memref<128x128xf32, #tpu.memory_space<vmem>>
        %dma_start3A_206 = arith.constant 0 : i32
        %dma_start3A_207 = arith.constant 0 : i32
        %dma_start3A_208 = tpu.memref_slice %run_scoped3A[%rem3A_195, %dma_start3A_206, %dma_start3A_207] : memref<2x1x256xi32, #tpu.memory_space<vmem>> -> memref<1x1x256xi32, #tpu.memory_space<vmem>>
        %dma_start3A_209 = tpu.memref_squeeze %dma_start3A_208 : memref<1x1x256xi32, #tpu.memory_space<vmem>> -> memref<1x256xi32, #tpu.memory_space<vmem>>
        %dma_start3A_210 = arith.constant 0 : i32
        %dma_start3A_211 = tpu.memref_slice %dma_start3A_209[%dma_start3A_198, %dma_start3A_210] : memref<1x256xi32, #tpu.memory_space<vmem>> -> memref<1x128xi32, #tpu.memory_space<vmem>>
        %dma_start3A_212 = tpu.memref_squeeze %dma_start3A_211 : memref<1x128xi32, #tpu.memory_space<vmem>> -> memref<128xi32, #tpu.memory_space<vmem>>
        %dma_start3A_213 = arith.constant 0 : i32
        %dma_start3A_214 = arith.constant 0 : i32
        %dma_start3A_215 = tpu.memref_slice %arg2[%dma_start3A_213, %dma_start3A_214] : memref<16384x128xf32, #tpu.memory_space<hbm>> -> memref<16384x128xf32, #tpu.memory_space<hbm>>
        tpu.enqueue_indirect_dma source(%dma_start3A_215 : memref<16384x128xf32, #tpu.memory_space<hbm>>) target(%dma_start3A_205 : memref<128x128xf32, #tpu.memory_space<vmem>>) offsets(%dma_start3A_212 : memref<128xi32, #tpu.memory_space<vmem>>) semaphore(%arg5 : memref<!tpu.dma_semaphore, #tpu.memory_space<semaphore_mem>>)
        %dma_start3A_216 = arith.constant 0 : i32
        %dma_start3A_217 = arith.constant 0 : i32
        %dma_start3A_218 = arith.constant 0 : i32
        %dma_start3A_219 = tpu.memref_slice %run_scoped3A_8[%rem3A_197, %dma_start3A_217, %dma_start3A_218] : memref<2x256x128xf32, #tpu.memory_space<vmem>> -> memref<1x256x128xf32, #tpu.memory_space<vmem>>
        %dma_start3A_220 = tpu.memref_squeeze %dma_start3A_219 : memref<1x256x128xf32, #tpu.memory_space<vmem>> -> memref<256x128xf32, #tpu.memory_space<vmem>>
        %dma_start3A_221 = arith.constant 128 : i32
        %dma_start3A_222 = arith.constant 0 : i32
        %dma_start3A_223 = tpu.memref_slice %dma_start3A_220[%dma_start3A_221, %dma_start3A_222] : memref<256x128xf32, #tpu.memory_space<vmem>> -> memref<128x128xf32, #tpu.memory_space<vmem>>
        %dma_start3A_224 = arith.constant 0 : i32
        %dma_start3A_225 = arith.constant 0 : i32
        %dma_start3A_226 = tpu.memref_slice %run_scoped3A[%rem3A_195, %dma_start3A_224, %dma_start3A_225] : memref<2x1x256xi32, #tpu.memory_space<vmem>> -> memref<1x1x256xi32, #tpu.memory_space<vmem>>
        %dma_start3A_227 = tpu.memref_squeeze %dma_start3A_226 : memref<1x1x256xi32, #tpu.memory_space<vmem>> -> memref<1x256xi32, #tpu.memory_space<vmem>>
        %dma_start3A_228 = arith.constant 128 : i32
        %dma_start3A_229 = tpu.memref_slice %dma_start3A_227[%dma_start3A_216, %dma_start3A_228] : memref<1x256xi32, #tpu.memory_space<vmem>> -> memref<1x128xi32, #tpu.memory_space<vmem>>
        %dma_start3A_230 = tpu.memref_squeeze %dma_start3A_229 : memref<1x128xi32, #tpu.memory_space<vmem>> -> memref<128xi32, #tpu.memory_space<vmem>>
        %dma_start3A_231 = arith.constant 0 : i32
        %dma_start3A_232 = arith.constant 0 : i32
        %dma_start3A_233 = tpu.memref_slice %arg2[%dma_start3A_231, %dma_start3A_232] : memref<16384x128xf32, #tpu.memory_space<hbm>> -> memref<16384x128xf32, #tpu.memory_space<hbm>>
        tpu.enqueue_indirect_dma source(%dma_start3A_233 : memref<16384x128xf32, #tpu.memory_space<hbm>>) target(%dma_start3A_223 : memref<128x128xf32, #tpu.memory_space<vmem>>) offsets(%dma_start3A_230 : memref<128xi32, #tpu.memory_space<vmem>>) semaphore(%arg5 : memref<!tpu.dma_semaphore, #tpu.memory_space<semaphore_mem>>)
        %dma_wait3A_234 = arith.constant 0 : i32
        %dma_wait3A_235 = arith.constant 0 : i32
        %dma_wait3A_236 = arith.constant 0 : i32
        %dma_wait3A_237 = tpu.memref_slice %run_scoped3A_8[%rem3A_197, %dma_wait3A_235, %dma_wait3A_236] : memref<2x256x128xf32, #tpu.memory_space<vmem>> -> memref<1x256x128xf32, #tpu.memory_space<vmem>>
        %dma_wait3A_238 = tpu.memref_squeeze %dma_wait3A_237 : memref<1x256x128xf32, #tpu.memory_space<vmem>> -> memref<256x128xf32, #tpu.memory_space<vmem>>
        %dma_wait3A_239 = arith.constant 0 : i32
        %dma_wait3A_240 = arith.constant 0 : i32
        %dma_wait3A_241 = tpu.memref_slice %dma_wait3A_238[%dma_wait3A_239, %dma_wait3A_240] : memref<256x128xf32, #tpu.memory_space<vmem>> -> memref<128x128xf32, #tpu.memory_space<vmem>>
        %dma_wait3A_242 = arith.constant 0 : i32
        %dma_wait3A_243 = arith.constant 0 : i32
        %dma_wait3A_244 = tpu.memref_slice %run_scoped3A[%rem3A_195, %dma_wait3A_242, %dma_wait3A_243] : memref<2x1x256xi32, #tpu.memory_space<vmem>> -> memref<1x1x256xi32, #tpu.memory_space<vmem>>
        %dma_wait3A_245 = tpu.memref_squeeze %dma_wait3A_244 : memref<1x1x256xi32, #tpu.memory_space<vmem>> -> memref<1x256xi32, #tpu.memory_space<vmem>>
        %dma_wait3A_246 = arith.constant 0 : i32
        %dma_wait3A_247 = tpu.memref_slice %dma_wait3A_245[%dma_wait3A_234, %dma_wait3A_246] : memref<1x256xi32, #tpu.memory_space<vmem>> -> memref<1x128xi32, #tpu.memory_space<vmem>>
        %dma_wait3A_248 = tpu.memref_squeeze %dma_wait3A_247 : memref<1x128xi32, #tpu.memory_space<vmem>> -> memref<128xi32, #tpu.memory_space<vmem>>
        %dma_wait3A_249 = arith.constant 0 : i32
        %dma_wait3A_250 = arith.constant 0 : i32
        %dma_wait3A_251 = tpu.memref_slice %arg2[%dma_wait3A_249, %dma_wait3A_250] : memref<16384x128xf32, #tpu.memory_space<hbm>> -> memref<16384x128xf32, #tpu.memory_space<hbm>>
        tpu.wait_indirect_dma semaphore(%arg5 : memref<!tpu.dma_semaphore, #tpu.memory_space<semaphore_mem>>) src(%dma_wait3A_251 : memref<16384x128xf32, #tpu.memory_space<hbm>>) dst(%dma_wait3A_241 : memref<128x128xf32, #tpu.memory_space<vmem>>)
        %dma_wait3A_252 = arith.constant 0 : i32
        %dma_wait3A_253 = arith.constant 0 : i32
        %dma_wait3A_254 = arith.constant 0 : i32
        %dma_wait3A_255 = tpu.memref_slice %run_scoped3A_8[%rem3A_197, %dma_wait3A_253, %dma_wait3A_254] : memref<2x256x128xf32, #tpu.memory_space<vmem>> -> memref<1x256x128xf32, #tpu.memory_space<vmem>>
        %dma_wait3A_256 = tpu.memref_squeeze %dma_wait3A_255 : memref<1x256x128xf32, #tpu.memory_space<vmem>> -> memref<256x128xf32, #tpu.memory_space<vmem>>
        %dma_wait3A_257 = arith.constant 128 : i32
        %dma_wait3A_258 = arith.constant 0 : i32
        %dma_wait3A_259 = tpu.memref_slice %dma_wait3A_256[%dma_wait3A_257, %dma_wait3A_258] : memref<256x128xf32, #tpu.memory_space<vmem>> -> memref<128x128xf32, #tpu.memory_space<vmem>>
        %dma_wait3A_260 = arith.constant 0 : i32
        %dma_wait3A_261 = arith.constant 0 : i32
        %dma_wait3A_262 = tpu.memref_slice %run_scoped3A[%rem3A_195, %dma_wait3A_260, %dma_wait3A_261] : memref<2x1x256xi32, #tpu.memory_space<vmem>> -> memref<1x1x256xi32, #tpu.memory_space<vmem>>
        %dma_wait3A_263 = tpu.memref_squeeze %dma_wait3A_262 : memref<1x1x256xi32, #tpu.memory_space<vmem>> -> memref<1x256xi32, #tpu.memory_space<vmem>>
        %dma_wait3A_264 = arith.constant 128 : i32
        %dma_wait3A_265 = tpu.memref_slice %dma_wait3A_263[%dma_wait3A_252, %dma_wait3A_264] : memref<1x256xi32, #tpu.memory_space<vmem>> -> memref<1x128xi32, #tpu.memory_space<vmem>>
        %dma_wait3A_266 = tpu.memref_squeeze %dma_wait3A_265 : memref<1x128xi32, #tpu.memory_space<vmem>> -> memref<128xi32, #tpu.memory_space<vmem>>
        %dma_wait3A_267 = arith.constant 0 : i32
        %dma_wait3A_268 = arith.constant 0 : i32
        %dma_wait3A_269 = tpu.memref_slice %arg2[%dma_wait3A_267, %dma_wait3A_268] : memref<16384x128xf32, #tpu.memory_space<hbm>> -> memref<16384x128xf32, #tpu.memory_space<hbm>>
        tpu.wait_indirect_dma semaphore(%arg5 : memref<!tpu.dma_semaphore, #tpu.memory_space<semaphore_mem>>) src(%dma_wait3A_269 : memref<16384x128xf32, #tpu.memory_space<hbm>>) dst(%dma_wait3A_259 : memref<128x128xf32, #tpu.memory_space<vmem>>)
        "tpu.trace_stop"() : () -> ()
        %ne3A_270 = arith.cmpi ne, %add3A_131, %add3A_149 : i32
        %or3A_271 = arith.constant false
        %or3A_272 = arith.ori %or3A_271, %ne3A_270 : i1
        %or3A_273 = arith.ori %or3A_272, %eq3A_130 : i1
        %convert_element_type3A_274 = arith.extui %or3A_273 : i1 to i32
        %cond3A_275 = arith.constant 0 : i32
        %cond3A_276 = arith.cmpi ne, %convert_element_type3A_274, %cond3A_275 : i32
        scf.if %cond3A_276 {
        } else {
        }
        %and3A_277 = arith.constant false
        %and3A_278 = arith.andi %or3A_273, %and3A_277 : i1
        %ne3A_279 = arith.cmpi ne, %add3A_131, %add3A_149 : i32
        %or3A_280 = arith.constant false
        %or3A_281 = arith.ori %or3A_280, %ne3A_279 : i1
        %or3A_282 = arith.constant false
        %or3A_283 = arith.ori %or3A_281, %or3A_282 : i1
        %or3A_284 = arith.ori %or3A_283, %eq3A_130 : i1
        %convert_element_type3A_285 = arith.extui %or3A_284 : i1 to i32
        %cond3A_286 = arith.constant 0 : i32
        %cond3A_287 = arith.cmpi ne, %convert_element_type3A_285, %cond3A_286 : i32
        scf.if %cond3A_287 {
          "tpu.trace_start"() <{level = 10 : i32, message = "ep_copy_out"}> : () -> ()
          %rem3A_335 = arith.constant 2 : i32
          %rem3A_336 = arith.remui %scan3A_124, %rem3A_335 : i32
          %mul3A_337 = arith.constant 256 : i32
          %mul3A_338 = arith.muli %mul3A_337, %add3A_131 : i32
          %dma_start3A_339 = arith.constant 0 : i32
          %dma_start3A_340 = arith.constant 0 : i32
          %dma_start3A_341 = tpu.memref_slice %run_scoped3A_8[%rem3A_336, %dma_start3A_339, %dma_start3A_340] : memref<2x256x128xf32, #tpu.memory_space<vmem>> -> memref<1x256x128xf32, #tpu.memory_space<vmem>>
          %dma_start3A_342 = tpu.memref_squeeze %dma_start3A_341 : memref<1x256x128xf32, #tpu.memory_space<vmem>> -> memref<256x128xf32, #tpu.memory_space<vmem>>
          %dma_start3A_343 = arith.constant 0 : i32
          %dma_start3A_344 = tpu.memref_slice %arg4[%mul3A_338, %dma_start3A_343] : memref<262144x128xf32, #tpu.memory_space<hbm>> -> memref<256x128xf32, #tpu.memory_space<hbm>>
          %dma_start3A_345 = tpu.memref_slice %run_scoped3A_9[%rem3A_336] : memref<2x!tpu.dma_semaphore, #tpu.memory_space<semaphore_mem>> -> memref<1x!tpu.dma_semaphore, #tpu.memory_space<semaphore_mem>>
          %dma_start3A_346 = tpu.memref_squeeze %dma_start3A_345 : memref<1x!tpu.dma_semaphore, #tpu.memory_space<semaphore_mem>> -> memref<!tpu.dma_semaphore, #tpu.memory_space<semaphore_mem>>
          %dma_start3A_347 = arith.constant 0 : i32
          %dma_start3A_348 = tpu.memref_slice %arg4[%mul3A_338, %dma_start3A_347] : memref<262144x128xf32, #tpu.memory_space<hbm>> -> memref<256x128xf32, #tpu.memory_space<hbm>>
          %dma_start3A_349 = arith.constant 0 : i32
          %dma_start3A_350 = arith.constant 0 : i32
          %dma_start3A_351 = tpu.memref_slice %run_scoped3A_8[%rem3A_336, %dma_start3A_349, %dma_start3A_350] : memref<2x256x128xf32, #tpu.memory_space<vmem>> -> memref<1x256x128xf32, #tpu.memory_space<vmem>>
          %dma_start3A_352 = tpu.memref_squeeze %dma_start3A_351 : memref<1x256x128xf32, #tpu.memory_space<vmem>> -> memref<256x128xf32, #tpu.memory_space<vmem>>
          tpu.enqueue_dma source(%dma_start3A_352 : memref<256x128xf32, #tpu.memory_space<vmem>>) target(%dma_start3A_348 : memref<256x128xf32, #tpu.memory_space<hbm>>) target_semaphore(%dma_start3A_346 : memref<!tpu.dma_semaphore, #tpu.memory_space<semaphore_mem>>)
          "tpu.trace_stop"() : () -> ()
        } else {
        }
        %and3A_288 = arith.constant true
        %and3A_289 = arith.andi %or3A_284, %and3A_288 : i1
        %add3A_290 = arith.constant 1 : i32
        %add3A_291 = arith.addi %scan3A_124, %add3A_290 : i32
        %select_n3A_292 = arith.select %and3A_289, %add3A_291, %scan3A_124 : i32
        %ne3A_293 = arith.cmpi ne, %add3A_131, %add3A_140 : i32
        %or3A_294 = arith.constant false
        %or3A_295 = arith.ori %or3A_294, %ne3A_293 : i1
        %not3A_296 = arith.constant true
        %not3A_297 = arith.xori %eq3A_128, %not3A_296 : i1
        %and3A_298 = arith.andi %or3A_295, %not3A_297 : i1
        %convert_element_type3A_299 = arith.extui %and3A_298 : i1 to i32
        %cond3A_300 = arith.constant 0 : i32
        %cond3A_301 = arith.cmpi ne, %convert_element_type3A_299, %cond3A_300 : i32
        scf.if %cond3A_301 {
        } else {
        }
        %and3A_302 = arith.constant false
        %and3A_303 = arith.andi %and3A_298, %and3A_302 : i1
        %ne3A_304 = arith.cmpi ne, %add3A_131, %add3A_140 : i32
        %or3A_305 = arith.constant false
        %or3A_306 = arith.ori %or3A_305, %ne3A_304 : i1
        %or3A_307 = arith.constant false
        %or3A_308 = arith.ori %or3A_306, %or3A_307 : i1
        %not3A_309 = arith.constant true
        %not3A_310 = arith.xori %eq3A_128, %not3A_309 : i1
        %and3A_311 = arith.andi %or3A_308, %not3A_310 : i1
        %convert_element_type3A_312 = arith.extui %and3A_311 : i1 to i32
        %cond3A_313 = arith.constant 0 : i32
        %cond3A_314 = arith.cmpi ne, %convert_element_type3A_312, %cond3A_313 : i32
        scf.if %cond3A_314 {
          "tpu.trace_start"() <{level = 10 : i32, message = "ep_wait_out"}> : () -> ()
          %rem3A_335 = arith.constant 2 : i32
          %rem3A_336 = arith.remui %scan3A_125, %rem3A_335 : i32
          %mul3A_337 = arith.constant 256 : i32
          %mul3A_338 = arith.muli %mul3A_337, %add3A_140 : i32
          %dma_wait3A_339 = arith.constant 0 : i32
          %dma_wait3A_340 = arith.constant 0 : i32
          %dma_wait3A_341 = tpu.memref_slice %run_scoped3A_8[%rem3A_336, %dma_wait3A_339, %dma_wait3A_340] : memref<2x256x128xf32, #tpu.memory_space<vmem>> -> memref<1x256x128xf32, #tpu.memory_space<vmem>>
          %dma_wait3A_342 = tpu.memref_squeeze %dma_wait3A_341 : memref<1x256x128xf32, #tpu.memory_space<vmem>> -> memref<256x128xf32, #tpu.memory_space<vmem>>
          %dma_wait3A_343 = arith.constant 0 : i32
          %dma_wait3A_344 = tpu.memref_slice %arg4[%mul3A_338, %dma_wait3A_343] : memref<262144x128xf32, #tpu.memory_space<hbm>> -> memref<256x128xf32, #tpu.memory_space<hbm>>
          %dma_wait3A_345 = tpu.memref_slice %run_scoped3A_9[%rem3A_336] : memref<2x!tpu.dma_semaphore, #tpu.memory_space<semaphore_mem>> -> memref<1x!tpu.dma_semaphore, #tpu.memory_space<semaphore_mem>>
          %dma_wait3A_346 = tpu.memref_squeeze %dma_wait3A_345 : memref<1x!tpu.dma_semaphore, #tpu.memory_space<semaphore_mem>> -> memref<!tpu.dma_semaphore, #tpu.memory_space<semaphore_mem>>
          %dma_wait3A_347 = arith.constant 0 : i32
          %dma_wait3A_348 = tpu.memref_slice %arg4[%mul3A_338, %dma_wait3A_347] : memref<262144x128xf32, #tpu.memory_space<hbm>> -> memref<256x128xf32, #tpu.memory_space<hbm>>
          %dma_wait3A_349 = arith.constant 0 : i32
          %dma_wait3A_350 = arith.constant 0 : i32
          %dma_wait3A_351 = tpu.memref_slice %run_scoped3A_8[%rem3A_336, %dma_wait3A_349, %dma_wait3A_350] : memref<2x256x128xf32, #tpu.memory_space<vmem>> -> memref<1x256x128xf32, #tpu.memory_space<vmem>>
          %dma_wait3A_352 = tpu.memref_squeeze %dma_wait3A_351 : memref<1x256x128xf32, #tpu.memory_space<vmem>> -> memref<256x128xf32, #tpu.memory_space<vmem>>
          tpu.wait_dma2 semaphore(%dma_wait3A_346 : memref<!tpu.dma_semaphore, #tpu.memory_space<semaphore_mem>>) src(%dma_wait3A_352 : memref<256x128xf32, #tpu.memory_space<vmem>>) dst(%dma_wait3A_348 : memref<256x128xf32, #tpu.memory_space<hbm>>)
          "tpu.trace_stop"() : () -> ()
        } else {
        }
        %and3A_315 = arith.constant true
        %and3A_316 = arith.andi %and3A_311, %and3A_315 : i1
        %add3A_317 = arith.constant 1 : i32
        %add3A_318 = arith.addi %scan3A_125, %add3A_317 : i32
        %select_n3A_319 = arith.select %and3A_316, %add3A_318, %scan3A_125 : i32
        %ne3A_320 = arith.cmpi ne, %add3A_131, %add3A_149 : i32
        %or3A_321 = arith.constant false
        %or3A_322 = arith.ori %or3A_321, %ne3A_320 : i1
        %or3A_323 = arith.ori %or3A_322, %eq3A_130 : i1
        %add3A_324 = arith.constant 1 : i32
        %add3A_325 = arith.addi %scan3A_123, %add3A_324 : i32
        %select_n3A_326 = arith.select %or3A_323, %add3A_325, %scan3A_123 : i32
        %add3A_327 = arith.constant 1 : i32
        %add3A_328 = arith.addi %scan3A_126, %add3A_327 : i32
        %select_n3A_329 = arith.constant true
        %select_n3A_330 = arith.select %select_n3A_329, %add3A_328, %scan3A_126 : i32
        %eq3A_331 = arith.constant 32 : i32
        %eq3A_332 = arith.cmpi eq, %select_n3A_330, %eq3A_331 : i32
        %select_n3A_333 = arith.constant 0 : i32
        %select_n3A_334 = arith.select %eq3A_332, %select_n3A_333, %select_n3A_330 : i32
        scf.yield %select_n3A_167, %select_n3A_326, %select_n3A_292, %select_n3A_319, %select_n3A_334 : i32, i32, i32, i32, i32
      }
      %scan3A_68 = arith.constant 32 : i32
      %sub3A = arith.constant 1 : i32
      %sub3A_69 = arith.subi %scan3A_67#4, %sub3A : i32
      %select_n3A_70 = arith.constant true
      %select_n3A_71 = arith.select %select_n3A_70, %sub3A_69, %scan3A_67#4 : i32
      %eq3A_72 = arith.constant -1 : i32
      %eq3A_73 = arith.cmpi eq, %select_n3A_71, %eq3A_72 : i32
      %select_n3A_74 = arith.constant 31 : i32
      %select_n3A_75 = arith.select %eq3A_73, %select_n3A_74, %select_n3A_71 : i32
      %add3A_76 = arith.addi %select_n3A_75, %mul3A_6 : i32
      %sub3A_77 = arith.constant 1 : i32
      %sub3A_78 = arith.subi %select_n3A_75, %sub3A_77 : i32
      %select_n3A_79 = arith.constant true
      %select_n3A_80 = arith.select %select_n3A_79, %sub3A_78, %select_n3A_75 : i32
      %eq3A_81 = arith.constant -1 : i32
      %eq3A_82 = arith.cmpi eq, %select_n3A_80, %eq3A_81 : i32
      %select_n3A_83 = arith.constant 31 : i32
      %select_n3A_84 = arith.select %eq3A_82, %select_n3A_83, %select_n3A_80 : i32
      %add3A_85 = arith.addi %select_n3A_84, %mul3A_6 : i32
      %add3A_86 = arith.constant 1 : i32
      %add3A_87 = arith.addi %select_n3A_75, %add3A_86 : i32
      %select_n3A_88 = arith.constant true
      %select_n3A_89 = arith.select %select_n3A_88, %add3A_87, %select_n3A_75 : i32
      %eq3A_90 = arith.constant 32 : i32
      %eq3A_91 = arith.cmpi eq, %select_n3A_89, %eq3A_90 : i32
      %select_n3A_92 = arith.constant 0 : i32
      %select_n3A_93 = arith.select %eq3A_91, %select_n3A_92, %select_n3A_89 : i32
      %add3A_94 = arith.addi %select_n3A_93, %mul3A_6 : i32
      %add3A_95 = arith.constant 1 : i32
      %add3A_96 = arith.addi %select_n3A_93, %add3A_95 : i32
      %select_n3A_97 = arith.constant true
      %select_n3A_98 = arith.select %select_n3A_97, %add3A_96, %select_n3A_93 : i32
      %eq3A_99 = arith.constant 32 : i32
      %eq3A_100 = arith.cmpi eq, %select_n3A_98, %eq3A_99 : i32
      %select_n3A_101 = arith.constant 0 : i32
      %select_n3A_102 = arith.select %eq3A_100, %select_n3A_101, %select_n3A_98 : i32
      %add3A_103 = arith.addi %select_n3A_102, %mul3A_6 : i32
      "tpu.trace_start"() <{level = 10 : i32, message = "ep_finalize"}> : () -> ()
      %rem3A_104 = arith.constant 2 : i32
      %rem3A_105 = arith.remui %scan3A_67#3, %rem3A_104 : i32
      %mul3A_106 = arith.constant 256 : i32
      %mul3A_107 = arith.muli %mul3A_106, %add3A_76 : i32
      %dma_wait3A = arith.constant 0 : i32
      %dma_wait3A_108 = arith.constant 0 : i32
      %dma_wait3A_109 = tpu.memref_slice %run_scoped3A_8[%rem3A_105, %dma_wait3A, %dma_wait3A_108] : memref<2x256x128xf32, #tpu.memory_space<vmem>> -> memref<1x256x128xf32, #tpu.memory_space<vmem>>
      %dma_wait3A_110 = tpu.memref_squeeze %dma_wait3A_109 : memref<1x256x128xf32, #tpu.memory_space<vmem>> -> memref<256x128xf32, #tpu.memory_space<vmem>>
      %dma_wait3A_111 = arith.constant 0 : i32
      %dma_wait3A_112 = tpu.memref_slice %arg4[%mul3A_107, %dma_wait3A_111] : memref<262144x128xf32, #tpu.memory_space<hbm>> -> memref<256x128xf32, #tpu.memory_space<hbm>>
      %dma_wait3A_113 = tpu.memref_slice %run_scoped3A_9[%rem3A_105] : memref<2x!tpu.dma_semaphore, #tpu.memory_space<semaphore_mem>> -> memref<1x!tpu.dma_semaphore, #tpu.memory_space<semaphore_mem>>
      %dma_wait3A_114 = tpu.memref_squeeze %dma_wait3A_113 : memref<1x!tpu.dma_semaphore, #tpu.memory_space<semaphore_mem>> -> memref<!tpu.dma_semaphore, #tpu.memory_space<semaphore_mem>>
      %dma_wait3A_115 = arith.constant 0 : i32
      %dma_wait3A_116 = tpu.memref_slice %arg4[%mul3A_107, %dma_wait3A_115] : memref<262144x128xf32, #tpu.memory_space<hbm>> -> memref<256x128xf32, #tpu.memory_space<hbm>>
      %dma_wait3A_117 = arith.constant 0 : i32
      %dma_wait3A_118 = arith.constant 0 : i32
      %dma_wait3A_119 = tpu.memref_slice %run_scoped3A_8[%rem3A_105, %dma_wait3A_117, %dma_wait3A_118] : memref<2x256x128xf32, #tpu.memory_space<vmem>> -> memref<1x256x128xf32, #tpu.memory_space<vmem>>
      %dma_wait3A_120 = tpu.memref_squeeze %dma_wait3A_119 : memref<1x256x128xf32, #tpu.memory_space<vmem>> -> memref<256x128xf32, #tpu.memory_space<vmem>>
      tpu.wait_dma2 semaphore(%dma_wait3A_114 : memref<!tpu.dma_semaphore, #tpu.memory_space<semaphore_mem>>) src(%dma_wait3A_120 : memref<256x128xf32, #tpu.memory_space<vmem>>) dst(%dma_wait3A_116 : memref<256x128xf32, #tpu.memory_space<hbm>>)
      "tpu.trace_stop"() : () -> ()
      tpu.yield
    }) : () -> ()
    return
  }
}

module attributes {stable_mosaic.version = 14 : i64} {
  func.func @body(%arg0: i32, %arg1: memref<16x16x128xbf16, #tpu.memory_space<vmem>>, %arg2: memref<16x512x128xf32, #tpu.memory_space<vmem>>, %arg3: memref<16x16x128xf32, #tpu.memory_space<vmem>>) attributes {dimension_semantics = [#tpu.dimension_semantics<arbitrary>], iteration_bounds = array<i64: 32>, scalar_prefetch = 0 : i64, scratch_operands = 0 : i64, tpu.core_type = #tpu.core_type<tc>, window_params = [{transform_indices = @transform_0, window_bounds = array<i64: 16, 16, 128>}, {transform_indices = @transform_1, window_bounds = array<i64: 16, 512, 128>}, {transform_indices = @transform_2, window_bounds = array<i64: 16, 16, 128>}]} {
    %get3A = arith.constant 0 : index
    %get3A_0 = arith.constant 0 : index
    %get3A_1 = arith.constant 0 : index
    %get3A_2 = vector.load %arg1[%get3A, %get3A_0, %get3A_1] : memref<16x16x128xbf16, #tpu.memory_space<vmem>>, vector<1x16x128xbf16>
    %get3A_3 = vector.shape_cast %get3A_2 : vector<1x16x128xbf16> to vector<16x128xbf16>
    %get3A_4 = arith.constant 0 : index
    %get3A_5 = arith.constant 0 : index
    %get3A_6 = arith.constant 0 : index
    %get3A_7 = vector.load %arg2[%get3A_4, %get3A_5, %get3A_6] : memref<16x512x128xf32, #tpu.memory_space<vmem>>, vector<1x512x128xf32>
    %get3A_8 = vector.shape_cast %get3A_7 : vector<1x512x128xf32> to vector<512x128xf32>
    %convert_element_type3A = arith.truncf %get3A_8 : vector<512x128xf32> to vector<512x128xbf16>
    %dot_general3A = arith.constant dense<0.000000e+00> : vector<16x512xf32>
    %dot_general3A_9 = tpu.matmul %get3A_3, %convert_element_type3A, %dot_general3A {dimension_numbers = #tpu.dot_dimension_numbers<[1], [1], [0], [0], [0, 0, 1, 0], [], []>, transpose_lhs_hint = false} : vector<16x128xbf16>, vector<512x128xbf16>, vector<16x512xf32> -> vector<16x512xf32>
    %get3A_10 = arith.constant 1 : index
    %get3A_11 = arith.constant 0 : index
    %get3A_12 = arith.constant 0 : index
    %get3A_13 = vector.load %arg1[%get3A_10, %get3A_11, %get3A_12] : memref<16x16x128xbf16, #tpu.memory_space<vmem>>, vector<1x16x128xbf16>
    %get3A_14 = vector.shape_cast %get3A_13 : vector<1x16x128xbf16> to vector<16x128xbf16>
    %get3A_15 = arith.constant 1 : index
    %get3A_16 = arith.constant 0 : index
    %get3A_17 = arith.constant 0 : index
    %get3A_18 = vector.load %arg2[%get3A_15, %get3A_16, %get3A_17] : memref<16x512x128xf32, #tpu.memory_space<vmem>>, vector<1x512x128xf32>
    %get3A_19 = vector.shape_cast %get3A_18 : vector<1x512x128xf32> to vector<512x128xf32>
    %convert_element_type3A_20 = arith.truncf %get3A_19 : vector<512x128xf32> to vector<512x128xbf16>
    %dot_general3A_21 = arith.constant dense<0.000000e+00> : vector<16x512xf32>
    %dot_general3A_22 = tpu.matmul %get3A_14, %convert_element_type3A_20, %dot_general3A_21 {dimension_numbers = #tpu.dot_dimension_numbers<[1], [1], [0], [0], [0, 0, 1, 0], [], []>, transpose_lhs_hint = false} : vector<16x128xbf16>, vector<512x128xbf16>, vector<16x512xf32> -> vector<16x512xf32>
    %get3A_23 = arith.constant 2 : index
    %get3A_24 = arith.constant 0 : index
    %get3A_25 = arith.constant 0 : index
    %get3A_26 = vector.load %arg1[%get3A_23, %get3A_24, %get3A_25] : memref<16x16x128xbf16, #tpu.memory_space<vmem>>, vector<1x16x128xbf16>
    %get3A_27 = vector.shape_cast %get3A_26 : vector<1x16x128xbf16> to vector<16x128xbf16>
    %get3A_28 = arith.constant 2 : index
    %get3A_29 = arith.constant 0 : index
    %get3A_30 = arith.constant 0 : index
    %get3A_31 = vector.load %arg2[%get3A_28, %get3A_29, %get3A_30] : memref<16x512x128xf32, #tpu.memory_space<vmem>>, vector<1x512x128xf32>
    %get3A_32 = vector.shape_cast %get3A_31 : vector<1x512x128xf32> to vector<512x128xf32>
    %convert_element_type3A_33 = arith.truncf %get3A_32 : vector<512x128xf32> to vector<512x128xbf16>
    %dot_general3A_34 = arith.constant dense<0.000000e+00> : vector<16x512xf32>
    %dot_general3A_35 = tpu.matmul %get3A_27, %convert_element_type3A_33, %dot_general3A_34 {dimension_numbers = #tpu.dot_dimension_numbers<[1], [1], [0], [0], [0, 0, 1, 0], [], []>, transpose_lhs_hint = false} : vector<16x128xbf16>, vector<512x128xbf16>, vector<16x512xf32> -> vector<16x512xf32>
    %get3A_36 = arith.constant 3 : index
    %get3A_37 = arith.constant 0 : index
    %get3A_38 = arith.constant 0 : index
    %get3A_39 = vector.load %arg1[%get3A_36, %get3A_37, %get3A_38] : memref<16x16x128xbf16, #tpu.memory_space<vmem>>, vector<1x16x128xbf16>
    %get3A_40 = vector.shape_cast %get3A_39 : vector<1x16x128xbf16> to vector<16x128xbf16>
    %get3A_41 = arith.constant 3 : index
    %get3A_42 = arith.constant 0 : index
    %get3A_43 = arith.constant 0 : index
    %get3A_44 = vector.load %arg2[%get3A_41, %get3A_42, %get3A_43] : memref<16x512x128xf32, #tpu.memory_space<vmem>>, vector<1x512x128xf32>
    %get3A_45 = vector.shape_cast %get3A_44 : vector<1x512x128xf32> to vector<512x128xf32>
    %convert_element_type3A_46 = arith.truncf %get3A_45 : vector<512x128xf32> to vector<512x128xbf16>
    %dot_general3A_47 = arith.constant dense<0.000000e+00> : vector<16x512xf32>
    %dot_general3A_48 = tpu.matmul %get3A_40, %convert_element_type3A_46, %dot_general3A_47 {dimension_numbers = #tpu.dot_dimension_numbers<[1], [1], [0], [0], [0, 0, 1, 0], [], []>, transpose_lhs_hint = false} : vector<16x128xbf16>, vector<512x128xbf16>, vector<16x512xf32> -> vector<16x512xf32>
    %get3A_49 = arith.constant 4 : index
    %get3A_50 = arith.constant 0 : index
    %get3A_51 = arith.constant 0 : index
    %get3A_52 = vector.load %arg1[%get3A_49, %get3A_50, %get3A_51] : memref<16x16x128xbf16, #tpu.memory_space<vmem>>, vector<1x16x128xbf16>
    %get3A_53 = vector.shape_cast %get3A_52 : vector<1x16x128xbf16> to vector<16x128xbf16>
    %get3A_54 = arith.constant 4 : index
    %get3A_55 = arith.constant 0 : index
    %get3A_56 = arith.constant 0 : index
    %get3A_57 = vector.load %arg2[%get3A_54, %get3A_55, %get3A_56] : memref<16x512x128xf32, #tpu.memory_space<vmem>>, vector<1x512x128xf32>
    %get3A_58 = vector.shape_cast %get3A_57 : vector<1x512x128xf32> to vector<512x128xf32>
    %convert_element_type3A_59 = arith.truncf %get3A_58 : vector<512x128xf32> to vector<512x128xbf16>
    %dot_general3A_60 = arith.constant dense<0.000000e+00> : vector<16x512xf32>
    %dot_general3A_61 = tpu.matmul %get3A_53, %convert_element_type3A_59, %dot_general3A_60 {dimension_numbers = #tpu.dot_dimension_numbers<[1], [1], [0], [0], [0, 0, 1, 0], [], []>, transpose_lhs_hint = false} : vector<16x128xbf16>, vector<512x128xbf16>, vector<16x512xf32> -> vector<16x512xf32>
    %get3A_62 = arith.constant 5 : index
    %get3A_63 = arith.constant 0 : index
    %get3A_64 = arith.constant 0 : index
    %get3A_65 = vector.load %arg1[%get3A_62, %get3A_63, %get3A_64] : memref<16x16x128xbf16, #tpu.memory_space<vmem>>, vector<1x16x128xbf16>
    %get3A_66 = vector.shape_cast %get3A_65 : vector<1x16x128xbf16> to vector<16x128xbf16>
    %get3A_67 = arith.constant 5 : index
    %get3A_68 = arith.constant 0 : index
    %get3A_69 = arith.constant 0 : index
    %get3A_70 = vector.load %arg2[%get3A_67, %get3A_68, %get3A_69] : memref<16x512x128xf32, #tpu.memory_space<vmem>>, vector<1x512x128xf32>
    %get3A_71 = vector.shape_cast %get3A_70 : vector<1x512x128xf32> to vector<512x128xf32>
    %convert_element_type3A_72 = arith.truncf %get3A_71 : vector<512x128xf32> to vector<512x128xbf16>
    %dot_general3A_73 = arith.constant dense<0.000000e+00> : vector<16x512xf32>
    %dot_general3A_74 = tpu.matmul %get3A_66, %convert_element_type3A_72, %dot_general3A_73 {dimension_numbers = #tpu.dot_dimension_numbers<[1], [1], [0], [0], [0, 0, 1, 0], [], []>, transpose_lhs_hint = false} : vector<16x128xbf16>, vector<512x128xbf16>, vector<16x512xf32> -> vector<16x512xf32>
    %get3A_75 = arith.constant 6 : index
    %get3A_76 = arith.constant 0 : index
    %get3A_77 = arith.constant 0 : index
    %get3A_78 = vector.load %arg1[%get3A_75, %get3A_76, %get3A_77] : memref<16x16x128xbf16, #tpu.memory_space<vmem>>, vector<1x16x128xbf16>
    %get3A_79 = vector.shape_cast %get3A_78 : vector<1x16x128xbf16> to vector<16x128xbf16>
    %get3A_80 = arith.constant 6 : index
    %get3A_81 = arith.constant 0 : index
    %get3A_82 = arith.constant 0 : index
    %get3A_83 = vector.load %arg2[%get3A_80, %get3A_81, %get3A_82] : memref<16x512x128xf32, #tpu.memory_space<vmem>>, vector<1x512x128xf32>
    %get3A_84 = vector.shape_cast %get3A_83 : vector<1x512x128xf32> to vector<512x128xf32>
    %convert_element_type3A_85 = arith.truncf %get3A_84 : vector<512x128xf32> to vector<512x128xbf16>
    %dot_general3A_86 = arith.constant dense<0.000000e+00> : vector<16x512xf32>
    %dot_general3A_87 = tpu.matmul %get3A_79, %convert_element_type3A_85, %dot_general3A_86 {dimension_numbers = #tpu.dot_dimension_numbers<[1], [1], [0], [0], [0, 0, 1, 0], [], []>, transpose_lhs_hint = false} : vector<16x128xbf16>, vector<512x128xbf16>, vector<16x512xf32> -> vector<16x512xf32>
    %get3A_88 = arith.constant 7 : index
    %get3A_89 = arith.constant 0 : index
    %get3A_90 = arith.constant 0 : index
    %get3A_91 = vector.load %arg1[%get3A_88, %get3A_89, %get3A_90] : memref<16x16x128xbf16, #tpu.memory_space<vmem>>, vector<1x16x128xbf16>
    %get3A_92 = vector.shape_cast %get3A_91 : vector<1x16x128xbf16> to vector<16x128xbf16>
    %get3A_93 = arith.constant 7 : index
    %get3A_94 = arith.constant 0 : index
    %get3A_95 = arith.constant 0 : index
    %get3A_96 = vector.load %arg2[%get3A_93, %get3A_94, %get3A_95] : memref<16x512x128xf32, #tpu.memory_space<vmem>>, vector<1x512x128xf32>
    %get3A_97 = vector.shape_cast %get3A_96 : vector<1x512x128xf32> to vector<512x128xf32>
    %convert_element_type3A_98 = arith.truncf %get3A_97 : vector<512x128xf32> to vector<512x128xbf16>
    %dot_general3A_99 = arith.constant dense<0.000000e+00> : vector<16x512xf32>
    %dot_general3A_100 = tpu.matmul %get3A_92, %convert_element_type3A_98, %dot_general3A_99 {dimension_numbers = #tpu.dot_dimension_numbers<[1], [1], [0], [0], [0, 0, 1, 0], [], []>, transpose_lhs_hint = false} : vector<16x128xbf16>, vector<512x128xbf16>, vector<16x512xf32> -> vector<16x512xf32>
    %get3A_101 = arith.constant 8 : index
    %get3A_102 = arith.constant 0 : index
    %get3A_103 = arith.constant 0 : index
    %get3A_104 = vector.load %arg1[%get3A_101, %get3A_102, %get3A_103] : memref<16x16x128xbf16, #tpu.memory_space<vmem>>, vector<1x16x128xbf16>
    %get3A_105 = vector.shape_cast %get3A_104 : vector<1x16x128xbf16> to vector<16x128xbf16>
    %get3A_106 = arith.constant 8 : index
    %get3A_107 = arith.constant 0 : index
    %get3A_108 = arith.constant 0 : index
    %get3A_109 = vector.load %arg2[%get3A_106, %get3A_107, %get3A_108] : memref<16x512x128xf32, #tpu.memory_space<vmem>>, vector<1x512x128xf32>
    %get3A_110 = vector.shape_cast %get3A_109 : vector<1x512x128xf32> to vector<512x128xf32>
    %convert_element_type3A_111 = arith.truncf %get3A_110 : vector<512x128xf32> to vector<512x128xbf16>
    %dot_general3A_112 = arith.constant dense<0.000000e+00> : vector<16x512xf32>
    %dot_general3A_113 = tpu.matmul %get3A_105, %convert_element_type3A_111, %dot_general3A_112 {dimension_numbers = #tpu.dot_dimension_numbers<[1], [1], [0], [0], [0, 0, 1, 0], [], []>, transpose_lhs_hint = false} : vector<16x128xbf16>, vector<512x128xbf16>, vector<16x512xf32> -> vector<16x512xf32>
    %get3A_114 = arith.constant 9 : index
    %get3A_115 = arith.constant 0 : index
    %get3A_116 = arith.constant 0 : index
    %get3A_117 = vector.load %arg1[%get3A_114, %get3A_115, %get3A_116] : memref<16x16x128xbf16, #tpu.memory_space<vmem>>, vector<1x16x128xbf16>
    %get3A_118 = vector.shape_cast %get3A_117 : vector<1x16x128xbf16> to vector<16x128xbf16>
    %get3A_119 = arith.constant 9 : index
    %get3A_120 = arith.constant 0 : index
    %get3A_121 = arith.constant 0 : index
    %get3A_122 = vector.load %arg2[%get3A_119, %get3A_120, %get3A_121] : memref<16x512x128xf32, #tpu.memory_space<vmem>>, vector<1x512x128xf32>
    %get3A_123 = vector.shape_cast %get3A_122 : vector<1x512x128xf32> to vector<512x128xf32>
    %convert_element_type3A_124 = arith.truncf %get3A_123 : vector<512x128xf32> to vector<512x128xbf16>
    %dot_general3A_125 = arith.constant dense<0.000000e+00> : vector<16x512xf32>
    %dot_general3A_126 = tpu.matmul %get3A_118, %convert_element_type3A_124, %dot_general3A_125 {dimension_numbers = #tpu.dot_dimension_numbers<[1], [1], [0], [0], [0, 0, 1, 0], [], []>, transpose_lhs_hint = false} : vector<16x128xbf16>, vector<512x128xbf16>, vector<16x512xf32> -> vector<16x512xf32>
    %get3A_127 = arith.constant 10 : index
    %get3A_128 = arith.constant 0 : index
    %get3A_129 = arith.constant 0 : index
    %get3A_130 = vector.load %arg1[%get3A_127, %get3A_128, %get3A_129] : memref<16x16x128xbf16, #tpu.memory_space<vmem>>, vector<1x16x128xbf16>
    %get3A_131 = vector.shape_cast %get3A_130 : vector<1x16x128xbf16> to vector<16x128xbf16>
    %get3A_132 = arith.constant 10 : index
    %get3A_133 = arith.constant 0 : index
    %get3A_134 = arith.constant 0 : index
    %get3A_135 = vector.load %arg2[%get3A_132, %get3A_133, %get3A_134] : memref<16x512x128xf32, #tpu.memory_space<vmem>>, vector<1x512x128xf32>
    %get3A_136 = vector.shape_cast %get3A_135 : vector<1x512x128xf32> to vector<512x128xf32>
    %convert_element_type3A_137 = arith.truncf %get3A_136 : vector<512x128xf32> to vector<512x128xbf16>
    %dot_general3A_138 = arith.constant dense<0.000000e+00> : vector<16x512xf32>
    %dot_general3A_139 = tpu.matmul %get3A_131, %convert_element_type3A_137, %dot_general3A_138 {dimension_numbers = #tpu.dot_dimension_numbers<[1], [1], [0], [0], [0, 0, 1, 0], [], []>, transpose_lhs_hint = false} : vector<16x128xbf16>, vector<512x128xbf16>, vector<16x512xf32> -> vector<16x512xf32>
    %get3A_140 = arith.constant 11 : index
    %get3A_141 = arith.constant 0 : index
    %get3A_142 = arith.constant 0 : index
    %get3A_143 = vector.load %arg1[%get3A_140, %get3A_141, %get3A_142] : memref<16x16x128xbf16, #tpu.memory_space<vmem>>, vector<1x16x128xbf16>
    %get3A_144 = vector.shape_cast %get3A_143 : vector<1x16x128xbf16> to vector<16x128xbf16>
    %get3A_145 = arith.constant 11 : index
    %get3A_146 = arith.constant 0 : index
    %get3A_147 = arith.constant 0 : index
    %get3A_148 = vector.load %arg2[%get3A_145, %get3A_146, %get3A_147] : memref<16x512x128xf32, #tpu.memory_space<vmem>>, vector<1x512x128xf32>
    %get3A_149 = vector.shape_cast %get3A_148 : vector<1x512x128xf32> to vector<512x128xf32>
    %convert_element_type3A_150 = arith.truncf %get3A_149 : vector<512x128xf32> to vector<512x128xbf16>
    %dot_general3A_151 = arith.constant dense<0.000000e+00> : vector<16x512xf32>
    %dot_general3A_152 = tpu.matmul %get3A_144, %convert_element_type3A_150, %dot_general3A_151 {dimension_numbers = #tpu.dot_dimension_numbers<[1], [1], [0], [0], [0, 0, 1, 0], [], []>, transpose_lhs_hint = false} : vector<16x128xbf16>, vector<512x128xbf16>, vector<16x512xf32> -> vector<16x512xf32>
    %get3A_153 = arith.constant 12 : index
    %get3A_154 = arith.constant 0 : index
    %get3A_155 = arith.constant 0 : index
    %get3A_156 = vector.load %arg1[%get3A_153, %get3A_154, %get3A_155] : memref<16x16x128xbf16, #tpu.memory_space<vmem>>, vector<1x16x128xbf16>
    %get3A_157 = vector.shape_cast %get3A_156 : vector<1x16x128xbf16> to vector<16x128xbf16>
    %get3A_158 = arith.constant 12 : index
    %get3A_159 = arith.constant 0 : index
    %get3A_160 = arith.constant 0 : index
    %get3A_161 = vector.load %arg2[%get3A_158, %get3A_159, %get3A_160] : memref<16x512x128xf32, #tpu.memory_space<vmem>>, vector<1x512x128xf32>
    %get3A_162 = vector.shape_cast %get3A_161 : vector<1x512x128xf32> to vector<512x128xf32>
    %convert_element_type3A_163 = arith.truncf %get3A_162 : vector<512x128xf32> to vector<512x128xbf16>
    %dot_general3A_164 = arith.constant dense<0.000000e+00> : vector<16x512xf32>
    %dot_general3A_165 = tpu.matmul %get3A_157, %convert_element_type3A_163, %dot_general3A_164 {dimension_numbers = #tpu.dot_dimension_numbers<[1], [1], [0], [0], [0, 0, 1, 0], [], []>, transpose_lhs_hint = false} : vector<16x128xbf16>, vector<512x128xbf16>, vector<16x512xf32> -> vector<16x512xf32>
    %get3A_166 = arith.constant 13 : index
    %get3A_167 = arith.constant 0 : index
    %get3A_168 = arith.constant 0 : index
    %get3A_169 = vector.load %arg1[%get3A_166, %get3A_167, %get3A_168] : memref<16x16x128xbf16, #tpu.memory_space<vmem>>, vector<1x16x128xbf16>
    %get3A_170 = vector.shape_cast %get3A_169 : vector<1x16x128xbf16> to vector<16x128xbf16>
    %get3A_171 = arith.constant 13 : index
    %get3A_172 = arith.constant 0 : index
    %get3A_173 = arith.constant 0 : index
    %get3A_174 = vector.load %arg2[%get3A_171, %get3A_172, %get3A_173] : memref<16x512x128xf32, #tpu.memory_space<vmem>>, vector<1x512x128xf32>
    %get3A_175 = vector.shape_cast %get3A_174 : vector<1x512x128xf32> to vector<512x128xf32>
    %convert_element_type3A_176 = arith.truncf %get3A_175 : vector<512x128xf32> to vector<512x128xbf16>
    %dot_general3A_177 = arith.constant dense<0.000000e+00> : vector<16x512xf32>
    %dot_general3A_178 = tpu.matmul %get3A_170, %convert_element_type3A_176, %dot_general3A_177 {dimension_numbers = #tpu.dot_dimension_numbers<[1], [1], [0], [0], [0, 0, 1, 0], [], []>, transpose_lhs_hint = false} : vector<16x128xbf16>, vector<512x128xbf16>, vector<16x512xf32> -> vector<16x512xf32>
    %get3A_179 = arith.constant 14 : index
    %get3A_180 = arith.constant 0 : index
    %get3A_181 = arith.constant 0 : index
    %get3A_182 = vector.load %arg1[%get3A_179, %get3A_180, %get3A_181] : memref<16x16x128xbf16, #tpu.memory_space<vmem>>, vector<1x16x128xbf16>
    %get3A_183 = vector.shape_cast %get3A_182 : vector<1x16x128xbf16> to vector<16x128xbf16>
    %get3A_184 = arith.constant 14 : index
    %get3A_185 = arith.constant 0 : index
    %get3A_186 = arith.constant 0 : index
    %get3A_187 = vector.load %arg2[%get3A_184, %get3A_185, %get3A_186] : memref<16x512x128xf32, #tpu.memory_space<vmem>>, vector<1x512x128xf32>
    %get3A_188 = vector.shape_cast %get3A_187 : vector<1x512x128xf32> to vector<512x128xf32>
    %convert_element_type3A_189 = arith.truncf %get3A_188 : vector<512x128xf32> to vector<512x128xbf16>
    %dot_general3A_190 = arith.constant dense<0.000000e+00> : vector<16x512xf32>
    %dot_general3A_191 = tpu.matmul %get3A_183, %convert_element_type3A_189, %dot_general3A_190 {dimension_numbers = #tpu.dot_dimension_numbers<[1], [1], [0], [0], [0, 0, 1, 0], [], []>, transpose_lhs_hint = false} : vector<16x128xbf16>, vector<512x128xbf16>, vector<16x512xf32> -> vector<16x512xf32>
    %get3A_192 = arith.constant 15 : index
    %get3A_193 = arith.constant 0 : index
    %get3A_194 = arith.constant 0 : index
    %get3A_195 = vector.load %arg1[%get3A_192, %get3A_193, %get3A_194] : memref<16x16x128xbf16, #tpu.memory_space<vmem>>, vector<1x16x128xbf16>
    %get3A_196 = vector.shape_cast %get3A_195 : vector<1x16x128xbf16> to vector<16x128xbf16>
    %get3A_197 = arith.constant 15 : index
    %get3A_198 = arith.constant 0 : index
    %get3A_199 = arith.constant 0 : index
    %get3A_200 = vector.load %arg2[%get3A_197, %get3A_198, %get3A_199] : memref<16x512x128xf32, #tpu.memory_space<vmem>>, vector<1x512x128xf32>
    %get3A_201 = vector.shape_cast %get3A_200 : vector<1x512x128xf32> to vector<512x128xf32>
    %convert_element_type3A_202 = arith.truncf %get3A_201 : vector<512x128xf32> to vector<512x128xbf16>
    %dot_general3A_203 = arith.constant dense<0.000000e+00> : vector<16x512xf32>
    %dot_general3A_204 = tpu.matmul %get3A_196, %convert_element_type3A_202, %dot_general3A_203 {dimension_numbers = #tpu.dot_dimension_numbers<[1], [1], [0], [0], [0, 0, 1, 0], [], []>, transpose_lhs_hint = false} : vector<16x128xbf16>, vector<512x128xbf16>, vector<16x512xf32> -> vector<16x512xf32>
    %concatenate3A = tpu.concatenate %dot_general3A_9, %dot_general3A_22, %dot_general3A_35, %dot_general3A_48, %dot_general3A_61, %dot_general3A_74, %dot_general3A_87, %dot_general3A_100, %dot_general3A_113, %dot_general3A_126, %dot_general3A_139, %dot_general3A_152, %dot_general3A_165, %dot_general3A_178, %dot_general3A_191, %dot_general3A_204 in 0 : vector<16x512xf32>, vector<16x512xf32>, vector<16x512xf32>, vector<16x512xf32>, vector<16x512xf32>, vector<16x512xf32>, vector<16x512xf32>, vector<16x512xf32>, vector<16x512xf32>, vector<16x512xf32>, vector<16x512xf32>, vector<16x512xf32>, vector<16x512xf32>, vector<16x512xf32>, vector<16x512xf32>, vector<16x512xf32> -> vector<256x512xf32>
    %mul3A = arith.constant 0.0883883461 : f32
    %mul3A_205 = vector.broadcast %mul3A : f32 to vector<256x512xf32>
    %mul3A_206 = arith.mulf %concatenate3A, %mul3A_205 : vector<256x512xf32>
    %reduce_max3A = arith.constant dense<0xFF800000> : vector<256xf32>
    %reduce_max3A_207 = vector.multi_reduction <maximumf>, %mul3A_206, %reduce_max3A [1] : vector<256x512xf32> to vector<256xf32>
    %broadcast_in_dim3A = vector.shape_cast %reduce_max3A_207 : vector<256xf32> to vector<256x1xf32>
    %sub3A = vector.broadcast %broadcast_in_dim3A : vector<256x1xf32> to vector<256x512xf32>
    %sub3A_208 = arith.subf %mul3A_206, %sub3A : vector<256x512xf32>
    %exp3A = math.exp %sub3A_208 : vector<256x512xf32>
    %reduce_sum3A = arith.constant dense<0.000000e+00> : vector<256xf32>
    %reduce_sum3A_209 = vector.multi_reduction <add>, %exp3A, %reduce_sum3A [1] : vector<256x512xf32> to vector<256xf32>
    %broadcast_in_dim3A_210 = vector.shape_cast %reduce_sum3A_209 : vector<256xf32> to vector<256x1xf32>
    %convert_element_type3A_211 = arith.truncf %exp3A : vector<256x512xf32> to vector<256x512xbf16>
    %get3A_212 = arith.constant 0 : index
    %get3A_213 = arith.constant 0 : index
    %get3A_214 = arith.constant 0 : index
    %get3A_215 = vector.load %arg2[%get3A_212, %get3A_213, %get3A_214] : memref<16x512x128xf32, #tpu.memory_space<vmem>>, vector<1x512x128xf32>
    %get3A_216 = vector.shape_cast %get3A_215 : vector<1x512x128xf32> to vector<512x128xf32>
    %convert_element_type3A_217 = arith.truncf %get3A_216 : vector<512x128xf32> to vector<512x128xbf16>
    %slice3A = vector.extract_strided_slice %convert_element_type3A_211 {offsets = [0, 0], sizes = [16, 512], strides = [1, 1]} : vector<256x512xbf16> to vector<16x512xbf16>
    %dot_general3A_218 = arith.constant dense<0.000000e+00> : vector<16x128xf32>
    %dot_general3A_219 = tpu.matmul %slice3A, %convert_element_type3A_217, %dot_general3A_218 {dimension_numbers = #tpu.dot_dimension_numbers<[1], [0], [0], [1], [0, 0, 1, 1], [], []>, transpose_lhs_hint = false} : vector<16x512xbf16>, vector<512x128xbf16>, vector<16x128xf32> -> vector<16x128xf32>
    %slice3A_220 = vector.extract_strided_slice %broadcast_in_dim3A_210 {offsets = [0, 0], sizes = [16, 1], strides = [1, 1]} : vector<256x1xf32> to vector<16x1xf32>
    %div3A = vector.broadcast %slice3A_220 : vector<16x1xf32> to vector<16x128xf32>
    %div3A_221 = arith.divf %dot_general3A_219, %div3A : vector<16x128xf32>
    %swap3A = arith.constant 0 : index
    %swap3A_222 = arith.constant 0 : index
    %swap3A_223 = arith.constant 0 : index
    %swap3A_224 = vector.load %arg3[%swap3A, %swap3A_222, %swap3A_223] : memref<16x16x128xf32, #tpu.memory_space<vmem>>, vector<1x16x128xf32>
    %swap3A_225 = vector.shape_cast %swap3A_224 : vector<1x16x128xf32> to vector<16x128xf32>
    %swap3A_226 = vector.shape_cast %div3A_221 : vector<16x128xf32> to vector<1x16x128xf32>
    tpu.vector_store %arg3[%swap3A, %swap3A_222, %swap3A_223], %swap3A_226 {strides = array<i32>} : memref<16x16x128xf32, #tpu.memory_space<vmem>>, vector<1x16x128xf32>,
    %get3A_227 = arith.constant 1 : index
    %get3A_228 = arith.constant 0 : index
    %get3A_229 = arith.constant 0 : index
    %get3A_230 = vector.load %arg2[%get3A_227, %get3A_228, %get3A_229] : memref<16x512x128xf32, #tpu.memory_space<vmem>>, vector<1x512x128xf32>
    %get3A_231 = vector.shape_cast %get3A_230 : vector<1x512x128xf32> to vector<512x128xf32>
    %convert_element_type3A_232 = arith.truncf %get3A_231 : vector<512x128xf32> to vector<512x128xbf16>
    %slice3A_233 = vector.extract_strided_slice %convert_element_type3A_211 {offsets = [16, 0], sizes = [16, 512], strides = [1, 1]} : vector<256x512xbf16> to vector<16x512xbf16>
    %dot_general3A_234 = arith.constant dense<0.000000e+00> : vector<16x128xf32>
    %dot_general3A_235 = tpu.matmul %slice3A_233, %convert_element_type3A_232, %dot_general3A_234 {dimension_numbers = #tpu.dot_dimension_numbers<[1], [0], [0], [1], [0, 0, 1, 1], [], []>, transpose_lhs_hint = false} : vector<16x512xbf16>, vector<512x128xbf16>, vector<16x128xf32> -> vector<16x128xf32>
    %slice3A_236 = vector.extract_strided_slice %broadcast_in_dim3A_210 {offsets = [16, 0], sizes = [16, 1], strides = [1, 1]} : vector<256x1xf32> to vector<16x1xf32>
    %div3A_237 = vector.broadcast %slice3A_236 : vector<16x1xf32> to vector<16x128xf32>
    %div3A_238 = arith.divf %dot_general3A_235, %div3A_237 : vector<16x128xf32>
    %swap3A_239 = arith.constant 1 : index
    %swap3A_240 = arith.constant 0 : index
    %swap3A_241 = arith.constant 0 : index
    %swap3A_242 = vector.load %arg3[%swap3A_239, %swap3A_240, %swap3A_241] : memref<16x16x128xf32, #tpu.memory_space<vmem>>, vector<1x16x128xf32>
    %swap3A_243 = vector.shape_cast %swap3A_242 : vector<1x16x128xf32> to vector<16x128xf32>
    %swap3A_244 = vector.shape_cast %div3A_238 : vector<16x128xf32> to vector<1x16x128xf32>
    tpu.vector_store %arg3[%swap3A_239, %swap3A_240, %swap3A_241], %swap3A_244 {strides = array<i32>} : memref<16x16x128xf32, #tpu.memory_space<vmem>>, vector<1x16x128xf32>,
    %get3A_245 = arith.constant 2 : index
    %get3A_246 = arith.constant 0 : index
    %get3A_247 = arith.constant 0 : index
    %get3A_248 = vector.load %arg2[%get3A_245, %get3A_246, %get3A_247] : memref<16x512x128xf32, #tpu.memory_space<vmem>>, vector<1x512x128xf32>
    %get3A_249 = vector.shape_cast %get3A_248 : vector<1x512x128xf32> to vector<512x128xf32>
    %convert_element_type3A_250 = arith.truncf %get3A_249 : vector<512x128xf32> to vector<512x128xbf16>
    %slice3A_251 = vector.extract_strided_slice %convert_element_type3A_211 {offsets = [32, 0], sizes = [16, 512], strides = [1, 1]} : vector<256x512xbf16> to vector<16x512xbf16>
    %dot_general3A_252 = arith.constant dense<0.000000e+00> : vector<16x128xf32>
    %dot_general3A_253 = tpu.matmul %slice3A_251, %convert_element_type3A_250, %dot_general3A_252 {dimension_numbers = #tpu.dot_dimension_numbers<[1], [0], [0], [1], [0, 0, 1, 1], [], []>, transpose_lhs_hint = false} : vector<16x512xbf16>, vector<512x128xbf16>, vector<16x128xf32> -> vector<16x128xf32>
    %slice3A_254 = vector.extract_strided_slice %broadcast_in_dim3A_210 {offsets = [32, 0], sizes = [16, 1], strides = [1, 1]} : vector<256x1xf32> to vector<16x1xf32>
    %div3A_255 = vector.broadcast %slice3A_254 : vector<16x1xf32> to vector<16x128xf32>
    %div3A_256 = arith.divf %dot_general3A_253, %div3A_255 : vector<16x128xf32>
    %swap3A_257 = arith.constant 2 : index
    %swap3A_258 = arith.constant 0 : index
    %swap3A_259 = arith.constant 0 : index
    %swap3A_260 = vector.load %arg3[%swap3A_257, %swap3A_258, %swap3A_259] : memref<16x16x128xf32, #tpu.memory_space<vmem>>, vector<1x16x128xf32>
    %swap3A_261 = vector.shape_cast %swap3A_260 : vector<1x16x128xf32> to vector<16x128xf32>
    %swap3A_262 = vector.shape_cast %div3A_256 : vector<16x128xf32> to vector<1x16x128xf32>
    tpu.vector_store %arg3[%swap3A_257, %swap3A_258, %swap3A_259], %swap3A_262 {strides = array<i32>} : memref<16x16x128xf32, #tpu.memory_space<vmem>>, vector<1x16x128xf32>,
    %get3A_263 = arith.constant 3 : index
    %get3A_264 = arith.constant 0 : index
    %get3A_265 = arith.constant 0 : index
    %get3A_266 = vector.load %arg2[%get3A_263, %get3A_264, %get3A_265] : memref<16x512x128xf32, #tpu.memory_space<vmem>>, vector<1x512x128xf32>
    %get3A_267 = vector.shape_cast %get3A_266 : vector<1x512x128xf32> to vector<512x128xf32>
    %convert_element_type3A_268 = arith.truncf %get3A_267 : vector<512x128xf32> to vector<512x128xbf16>
    %slice3A_269 = vector.extract_strided_slice %convert_element_type3A_211 {offsets = [48, 0], sizes = [16, 512], strides = [1, 1]} : vector<256x512xbf16> to vector<16x512xbf16>
    %dot_general3A_270 = arith.constant dense<0.000000e+00> : vector<16x128xf32>
    %dot_general3A_271 = tpu.matmul %slice3A_269, %convert_element_type3A_268, %dot_general3A_270 {dimension_numbers = #tpu.dot_dimension_numbers<[1], [0], [0], [1], [0, 0, 1, 1], [], []>, transpose_lhs_hint = false} : vector<16x512xbf16>, vector<512x128xbf16>, vector<16x128xf32> -> vector<16x128xf32>
    %slice3A_272 = vector.extract_strided_slice %broadcast_in_dim3A_210 {offsets = [48, 0], sizes = [16, 1], strides = [1, 1]} : vector<256x1xf32> to vector<16x1xf32>
    %div3A_273 = vector.broadcast %slice3A_272 : vector<16x1xf32> to vector<16x128xf32>
    %div3A_274 = arith.divf %dot_general3A_271, %div3A_273 : vector<16x128xf32>
    %swap3A_275 = arith.constant 3 : index
    %swap3A_276 = arith.constant 0 : index
    %swap3A_277 = arith.constant 0 : index
    %swap3A_278 = vector.load %arg3[%swap3A_275, %swap3A_276, %swap3A_277] : memref<16x16x128xf32, #tpu.memory_space<vmem>>, vector<1x16x128xf32>
    %swap3A_279 = vector.shape_cast %swap3A_278 : vector<1x16x128xf32> to vector<16x128xf32>
    %swap3A_280 = vector.shape_cast %div3A_274 : vector<16x128xf32> to vector<1x16x128xf32>
    tpu.vector_store %arg3[%swap3A_275, %swap3A_276, %swap3A_277], %swap3A_280 {strides = array<i32>} : memref<16x16x128xf32, #tpu.memory_space<vmem>>, vector<1x16x128xf32>,
    %get3A_281 = arith.constant 4 : index
    %get3A_282 = arith.constant 0 : index
    %get3A_283 = arith.constant 0 : index
    %get3A_284 = vector.load %arg2[%get3A_281, %get3A_282, %get3A_283] : memref<16x512x128xf32, #tpu.memory_space<vmem>>, vector<1x512x128xf32>
    %get3A_285 = vector.shape_cast %get3A_284 : vector<1x512x128xf32> to vector<512x128xf32>
    %convert_element_type3A_286 = arith.truncf %get3A_285 : vector<512x128xf32> to vector<512x128xbf16>
    %slice3A_287 = vector.extract_strided_slice %convert_element_type3A_211 {offsets = [64, 0], sizes = [16, 512], strides = [1, 1]} : vector<256x512xbf16> to vector<16x512xbf16>
    %dot_general3A_288 = arith.constant dense<0.000000e+00> : vector<16x128xf32>
    %dot_general3A_289 = tpu.matmul %slice3A_287, %convert_element_type3A_286, %dot_general3A_288 {dimension_numbers = #tpu.dot_dimension_numbers<[1], [0], [0], [1], [0, 0, 1, 1], [], []>, transpose_lhs_hint = false} : vector<16x512xbf16>, vector<512x128xbf16>, vector<16x128xf32> -> vector<16x128xf32>
    %slice3A_290 = vector.extract_strided_slice %broadcast_in_dim3A_210 {offsets = [64, 0], sizes = [16, 1], strides = [1, 1]} : vector<256x1xf32> to vector<16x1xf32>
    %div3A_291 = vector.broadcast %slice3A_290 : vector<16x1xf32> to vector<16x128xf32>
    %div3A_292 = arith.divf %dot_general3A_289, %div3A_291 : vector<16x128xf32>
    %swap3A_293 = arith.constant 4 : index
    %swap3A_294 = arith.constant 0 : index
    %swap3A_295 = arith.constant 0 : index
    %swap3A_296 = vector.load %arg3[%swap3A_293, %swap3A_294, %swap3A_295] : memref<16x16x128xf32, #tpu.memory_space<vmem>>, vector<1x16x128xf32>
    %swap3A_297 = vector.shape_cast %swap3A_296 : vector<1x16x128xf32> to vector<16x128xf32>
    %swap3A_298 = vector.shape_cast %div3A_292 : vector<16x128xf32> to vector<1x16x128xf32>
    tpu.vector_store %arg3[%swap3A_293, %swap3A_294, %swap3A_295], %swap3A_298 {strides = array<i32>} : memref<16x16x128xf32, #tpu.memory_space<vmem>>, vector<1x16x128xf32>,
    %get3A_299 = arith.constant 5 : index
    %get3A_300 = arith.constant 0 : index
    %get3A_301 = arith.constant 0 : index
    %get3A_302 = vector.load %arg2[%get3A_299, %get3A_300, %get3A_301] : memref<16x512x128xf32, #tpu.memory_space<vmem>>, vector<1x512x128xf32>
    %get3A_303 = vector.shape_cast %get3A_302 : vector<1x512x128xf32> to vector<512x128xf32>
    %convert_element_type3A_304 = arith.truncf %get3A_303 : vector<512x128xf32> to vector<512x128xbf16>
    %slice3A_305 = vector.extract_strided_slice %convert_element_type3A_211 {offsets = [80, 0], sizes = [16, 512], strides = [1, 1]} : vector<256x512xbf16> to vector<16x512xbf16>
    %dot_general3A_306 = arith.constant dense<0.000000e+00> : vector<16x128xf32>
    %dot_general3A_307 = tpu.matmul %slice3A_305, %convert_element_type3A_304, %dot_general3A_306 {dimension_numbers = #tpu.dot_dimension_numbers<[1], [0], [0], [1], [0, 0, 1, 1], [], []>, transpose_lhs_hint = false} : vector<16x512xbf16>, vector<512x128xbf16>, vector<16x128xf32> -> vector<16x128xf32>
    %slice3A_308 = vector.extract_strided_slice %broadcast_in_dim3A_210 {offsets = [80, 0], sizes = [16, 1], strides = [1, 1]} : vector<256x1xf32> to vector<16x1xf32>
    %div3A_309 = vector.broadcast %slice3A_308 : vector<16x1xf32> to vector<16x128xf32>
    %div3A_310 = arith.divf %dot_general3A_307, %div3A_309 : vector<16x128xf32>
    %swap3A_311 = arith.constant 5 : index
    %swap3A_312 = arith.constant 0 : index
    %swap3A_313 = arith.constant 0 : index
    %swap3A_314 = vector.load %arg3[%swap3A_311, %swap3A_312, %swap3A_313] : memref<16x16x128xf32, #tpu.memory_space<vmem>>, vector<1x16x128xf32>
    %swap3A_315 = vector.shape_cast %swap3A_314 : vector<1x16x128xf32> to vector<16x128xf32>
    %swap3A_316 = vector.shape_cast %div3A_310 : vector<16x128xf32> to vector<1x16x128xf32>
    tpu.vector_store %arg3[%swap3A_311, %swap3A_312, %swap3A_313], %swap3A_316 {strides = array<i32>} : memref<16x16x128xf32, #tpu.memory_space<vmem>>, vector<1x16x128xf32>,
    %get3A_317 = arith.constant 6 : index
    %get3A_318 = arith.constant 0 : index
    %get3A_319 = arith.constant 0 : index
    %get3A_320 = vector.load %arg2[%get3A_317, %get3A_318, %get3A_319] : memref<16x512x128xf32, #tpu.memory_space<vmem>>, vector<1x512x128xf32>
    %get3A_321 = vector.shape_cast %get3A_320 : vector<1x512x128xf32> to vector<512x128xf32>
    %convert_element_type3A_322 = arith.truncf %get3A_321 : vector<512x128xf32> to vector<512x128xbf16>
    %slice3A_323 = vector.extract_strided_slice %convert_element_type3A_211 {offsets = [96, 0], sizes = [16, 512], strides = [1, 1]} : vector<256x512xbf16> to vector<16x512xbf16>
    %dot_general3A_324 = arith.constant dense<0.000000e+00> : vector<16x128xf32>
    %dot_general3A_325 = tpu.matmul %slice3A_323, %convert_element_type3A_322, %dot_general3A_324 {dimension_numbers = #tpu.dot_dimension_numbers<[1], [0], [0], [1], [0, 0, 1, 1], [], []>, transpose_lhs_hint = false} : vector<16x512xbf16>, vector<512x128xbf16>, vector<16x128xf32> -> vector<16x128xf32>
    %slice3A_326 = vector.extract_strided_slice %broadcast_in_dim3A_210 {offsets = [96, 0], sizes = [16, 1], strides = [1, 1]} : vector<256x1xf32> to vector<16x1xf32>
    %div3A_327 = vector.broadcast %slice3A_326 : vector<16x1xf32> to vector<16x128xf32>
    %div3A_328 = arith.divf %dot_general3A_325, %div3A_327 : vector<16x128xf32>
    %swap3A_329 = arith.constant 6 : index
    %swap3A_330 = arith.constant 0 : index
    %swap3A_331 = arith.constant 0 : index
    %swap3A_332 = vector.load %arg3[%swap3A_329, %swap3A_330, %swap3A_331] : memref<16x16x128xf32, #tpu.memory_space<vmem>>, vector<1x16x128xf32>
    %swap3A_333 = vector.shape_cast %swap3A_332 : vector<1x16x128xf32> to vector<16x128xf32>
    %swap3A_334 = vector.shape_cast %div3A_328 : vector<16x128xf32> to vector<1x16x128xf32>
    tpu.vector_store %arg3[%swap3A_329, %swap3A_330, %swap3A_331], %swap3A_334 {strides = array<i32>} : memref<16x16x128xf32, #tpu.memory_space<vmem>>, vector<1x16x128xf32>,
    %get3A_335 = arith.constant 7 : index
    %get3A_336 = arith.constant 0 : index
    %get3A_337 = arith.constant 0 : index
    %get3A_338 = vector.load %arg2[%get3A_335, %get3A_336, %get3A_337] : memref<16x512x128xf32, #tpu.memory_space<vmem>>, vector<1x512x128xf32>
    %get3A_339 = vector.shape_cast %get3A_338 : vector<1x512x128xf32> to vector<512x128xf32>
    %convert_element_type3A_340 = arith.truncf %get3A_339 : vector<512x128xf32> to vector<512x128xbf16>
    %slice3A_341 = vector.extract_strided_slice %convert_element_type3A_211 {offsets = [112, 0], sizes = [16, 512], strides = [1, 1]} : vector<256x512xbf16> to vector<16x512xbf16>
    %dot_general3A_342 = arith.constant dense<0.000000e+00> : vector<16x128xf32>
    %dot_general3A_343 = tpu.matmul %slice3A_341, %convert_element_type3A_340, %dot_general3A_342 {dimension_numbers = #tpu.dot_dimension_numbers<[1], [0], [0], [1], [0, 0, 1, 1], [], []>, transpose_lhs_hint = false} : vector<16x512xbf16>, vector<512x128xbf16>, vector<16x128xf32> -> vector<16x128xf32>
    %slice3A_344 = vector.extract_strided_slice %broadcast_in_dim3A_210 {offsets = [112, 0], sizes = [16, 1], strides = [1, 1]} : vector<256x1xf32> to vector<16x1xf32>
    %div3A_345 = vector.broadcast %slice3A_344 : vector<16x1xf32> to vector<16x128xf32>
    %div3A_346 = arith.divf %dot_general3A_343, %div3A_345 : vector<16x128xf32>
    %swap3A_347 = arith.constant 7 : index
    %swap3A_348 = arith.constant 0 : index
    %swap3A_349 = arith.constant 0 : index
    %swap3A_350 = vector.load %arg3[%swap3A_347, %swap3A_348, %swap3A_349] : memref<16x16x128xf32, #tpu.memory_space<vmem>>, vector<1x16x128xf32>
    %swap3A_351 = vector.shape_cast %swap3A_350 : vector<1x16x128xf32> to vector<16x128xf32>
    %swap3A_352 = vector.shape_cast %div3A_346 : vector<16x128xf32> to vector<1x16x128xf32>
    tpu.vector_store %arg3[%swap3A_347, %swap3A_348, %swap3A_349], %swap3A_352 {strides = array<i32>} : memref<16x16x128xf32, #tpu.memory_space<vmem>>, vector<1x16x128xf32>,
    %get3A_353 = arith.constant 8 : index
    %get3A_354 = arith.constant 0 : index
    %get3A_355 = arith.constant 0 : index
    %get3A_356 = vector.load %arg2[%get3A_353, %get3A_354, %get3A_355] : memref<16x512x128xf32, #tpu.memory_space<vmem>>, vector<1x512x128xf32>
    %get3A_357 = vector.shape_cast %get3A_356 : vector<1x512x128xf32> to vector<512x128xf32>
    %convert_element_type3A_358 = arith.truncf %get3A_357 : vector<512x128xf32> to vector<512x128xbf16>
    %slice3A_359 = vector.extract_strided_slice %convert_element_type3A_211 {offsets = [128, 0], sizes = [16, 512], strides = [1, 1]} : vector<256x512xbf16> to vector<16x512xbf16>
    %dot_general3A_360 = arith.constant dense<0.000000e+00> : vector<16x128xf32>
    %dot_general3A_361 = tpu.matmul %slice3A_359, %convert_element_type3A_358, %dot_general3A_360 {dimension_numbers = #tpu.dot_dimension_numbers<[1], [0], [0], [1], [0, 0, 1, 1], [], []>, transpose_lhs_hint = false} : vector<16x512xbf16>, vector<512x128xbf16>, vector<16x128xf32> -> vector<16x128xf32>
    %slice3A_362 = vector.extract_strided_slice %broadcast_in_dim3A_210 {offsets = [128, 0], sizes = [16, 1], strides = [1, 1]} : vector<256x1xf32> to vector<16x1xf32>
    %div3A_363 = vector.broadcast %slice3A_362 : vector<16x1xf32> to vector<16x128xf32>
    %div3A_364 = arith.divf %dot_general3A_361, %div3A_363 : vector<16x128xf32>
    %swap3A_365 = arith.constant 8 : index
    %swap3A_366 = arith.constant 0 : index
    %swap3A_367 = arith.constant 0 : index
    %swap3A_368 = vector.load %arg3[%swap3A_365, %swap3A_366, %swap3A_367] : memref<16x16x128xf32, #tpu.memory_space<vmem>>, vector<1x16x128xf32>
    %swap3A_369 = vector.shape_cast %swap3A_368 : vector<1x16x128xf32> to vector<16x128xf32>
    %swap3A_370 = vector.shape_cast %div3A_364 : vector<16x128xf32> to vector<1x16x128xf32>
    tpu.vector_store %arg3[%swap3A_365, %swap3A_366, %swap3A_367], %swap3A_370 {strides = array<i32>} : memref<16x16x128xf32, #tpu.memory_space<vmem>>, vector<1x16x128xf32>,
    %get3A_371 = arith.constant 9 : index
    %get3A_372 = arith.constant 0 : index
    %get3A_373 = arith.constant 0 : index
    %get3A_374 = vector.load %arg2[%get3A_371, %get3A_372, %get3A_373] : memref<16x512x128xf32, #tpu.memory_space<vmem>>, vector<1x512x128xf32>
    %get3A_375 = vector.shape_cast %get3A_374 : vector<1x512x128xf32> to vector<512x128xf32>
    %convert_element_type3A_376 = arith.truncf %get3A_375 : vector<512x128xf32> to vector<512x128xbf16>
    %slice3A_377 = vector.extract_strided_slice %convert_element_type3A_211 {offsets = [144, 0], sizes = [16, 512], strides = [1, 1]} : vector<256x512xbf16> to vector<16x512xbf16>
    %dot_general3A_378 = arith.constant dense<0.000000e+00> : vector<16x128xf32>
    %dot_general3A_379 = tpu.matmul %slice3A_377, %convert_element_type3A_376, %dot_general3A_378 {dimension_numbers = #tpu.dot_dimension_numbers<[1], [0], [0], [1], [0, 0, 1, 1], [], []>, transpose_lhs_hint = false} : vector<16x512xbf16>, vector<512x128xbf16>, vector<16x128xf32> -> vector<16x128xf32>
    %slice3A_380 = vector.extract_strided_slice %broadcast_in_dim3A_210 {offsets = [144, 0], sizes = [16, 1], strides = [1, 1]} : vector<256x1xf32> to vector<16x1xf32>
    %div3A_381 = vector.broadcast %slice3A_380 : vector<16x1xf32> to vector<16x128xf32>
    %div3A_382 = arith.divf %dot_general3A_379, %div3A_381 : vector<16x128xf32>
    %swap3A_383 = arith.constant 9 : index
    %swap3A_384 = arith.constant 0 : index
    %swap3A_385 = arith.constant 0 : index
    %swap3A_386 = vector.load %arg3[%swap3A_383, %swap3A_384, %swap3A_385] : memref<16x16x128xf32, #tpu.memory_space<vmem>>, vector<1x16x128xf32>
    %swap3A_387 = vector.shape_cast %swap3A_386 : vector<1x16x128xf32> to vector<16x128xf32>
    %swap3A_388 = vector.shape_cast %div3A_382 : vector<16x128xf32> to vector<1x16x128xf32>
    tpu.vector_store %arg3[%swap3A_383, %swap3A_384, %swap3A_385], %swap3A_388 {strides = array<i32>} : memref<16x16x128xf32, #tpu.memory_space<vmem>>, vector<1x16x128xf32>,
    %get3A_389 = arith.constant 10 : index
    %get3A_390 = arith.constant 0 : index
    %get3A_391 = arith.constant 0 : index
    %get3A_392 = vector.load %arg2[%get3A_389, %get3A_390, %get3A_391] : memref<16x512x128xf32, #tpu.memory_space<vmem>>, vector<1x512x128xf32>
    %get3A_393 = vector.shape_cast %get3A_392 : vector<1x512x128xf32> to vector<512x128xf32>
    %convert_element_type3A_394 = arith.truncf %get3A_393 : vector<512x128xf32> to vector<512x128xbf16>
    %slice3A_395 = vector.extract_strided_slice %convert_element_type3A_211 {offsets = [160, 0], sizes = [16, 512], strides = [1, 1]} : vector<256x512xbf16> to vector<16x512xbf16>
    %dot_general3A_396 = arith.constant dense<0.000000e+00> : vector<16x128xf32>
    %dot_general3A_397 = tpu.matmul %slice3A_395, %convert_element_type3A_394, %dot_general3A_396 {dimension_numbers = #tpu.dot_dimension_numbers<[1], [0], [0], [1], [0, 0, 1, 1], [], []>, transpose_lhs_hint = false} : vector<16x512xbf16>, vector<512x128xbf16>, vector<16x128xf32> -> vector<16x128xf32>
    %slice3A_398 = vector.extract_strided_slice %broadcast_in_dim3A_210 {offsets = [160, 0], sizes = [16, 1], strides = [1, 1]} : vector<256x1xf32> to vector<16x1xf32>
    %div3A_399 = vector.broadcast %slice3A_398 : vector<16x1xf32> to vector<16x128xf32>
    %div3A_400 = arith.divf %dot_general3A_397, %div3A_399 : vector<16x128xf32>
    %swap3A_401 = arith.constant 10 : index
    %swap3A_402 = arith.constant 0 : index
    %swap3A_403 = arith.constant 0 : index
    %swap3A_404 = vector.load %arg3[%swap3A_401, %swap3A_402, %swap3A_403] : memref<16x16x128xf32, #tpu.memory_space<vmem>>, vector<1x16x128xf32>
    %swap3A_405 = vector.shape_cast %swap3A_404 : vector<1x16x128xf32> to vector<16x128xf32>
    %swap3A_406 = vector.shape_cast %div3A_400 : vector<16x128xf32> to vector<1x16x128xf32>
    tpu.vector_store %arg3[%swap3A_401, %swap3A_402, %swap3A_403], %swap3A_406 {strides = array<i32>} : memref<16x16x128xf32, #tpu.memory_space<vmem>>, vector<1x16x128xf32>,
    %get3A_407 = arith.constant 11 : index
    %get3A_408 = arith.constant 0 : index
    %get3A_409 = arith.constant 0 : index
    %get3A_410 = vector.load %arg2[%get3A_407, %get3A_408, %get3A_409] : memref<16x512x128xf32, #tpu.memory_space<vmem>>, vector<1x512x128xf32>
    %get3A_411 = vector.shape_cast %get3A_410 : vector<1x512x128xf32> to vector<512x128xf32>
    %convert_element_type3A_412 = arith.truncf %get3A_411 : vector<512x128xf32> to vector<512x128xbf16>
    %slice3A_413 = vector.extract_strided_slice %convert_element_type3A_211 {offsets = [176, 0], sizes = [16, 512], strides = [1, 1]} : vector<256x512xbf16> to vector<16x512xbf16>
    %dot_general3A_414 = arith.constant dense<0.000000e+00> : vector<16x128xf32>
    %dot_general3A_415 = tpu.matmul %slice3A_413, %convert_element_type3A_412, %dot_general3A_414 {dimension_numbers = #tpu.dot_dimension_numbers<[1], [0], [0], [1], [0, 0, 1, 1], [], []>, transpose_lhs_hint = false} : vector<16x512xbf16>, vector<512x128xbf16>, vector<16x128xf32> -> vector<16x128xf32>
    %slice3A_416 = vector.extract_strided_slice %broadcast_in_dim3A_210 {offsets = [176, 0], sizes = [16, 1], strides = [1, 1]} : vector<256x1xf32> to vector<16x1xf32>
    %div3A_417 = vector.broadcast %slice3A_416 : vector<16x1xf32> to vector<16x128xf32>
    %div3A_418 = arith.divf %dot_general3A_415, %div3A_417 : vector<16x128xf32>
    %swap3A_419 = arith.constant 11 : index
    %swap3A_420 = arith.constant 0 : index
    %swap3A_421 = arith.constant 0 : index
    %swap3A_422 = vector.load %arg3[%swap3A_419, %swap3A_420, %swap3A_421] : memref<16x16x128xf32, #tpu.memory_space<vmem>>, vector<1x16x128xf32>
    %swap3A_423 = vector.shape_cast %swap3A_422 : vector<1x16x128xf32> to vector<16x128xf32>
    %swap3A_424 = vector.shape_cast %div3A_418 : vector<16x128xf32> to vector<1x16x128xf32>
    tpu.vector_store %arg3[%swap3A_419, %swap3A_420, %swap3A_421], %swap3A_424 {strides = array<i32>} : memref<16x16x128xf32, #tpu.memory_space<vmem>>, vector<1x16x128xf32>,
    %get3A_425 = arith.constant 12 : index
    %get3A_426 = arith.constant 0 : index
    %get3A_427 = arith.constant 0 : index
    %get3A_428 = vector.load %arg2[%get3A_425, %get3A_426, %get3A_427] : memref<16x512x128xf32, #tpu.memory_space<vmem>>, vector<1x512x128xf32>
    %get3A_429 = vector.shape_cast %get3A_428 : vector<1x512x128xf32> to vector<512x128xf32>
    %convert_element_type3A_430 = arith.truncf %get3A_429 : vector<512x128xf32> to vector<512x128xbf16>
    %slice3A_431 = vector.extract_strided_slice %convert_element_type3A_211 {offsets = [192, 0], sizes = [16, 512], strides = [1, 1]} : vector<256x512xbf16> to vector<16x512xbf16>
    %dot_general3A_432 = arith.constant dense<0.000000e+00> : vector<16x128xf32>
    %dot_general3A_433 = tpu.matmul %slice3A_431, %convert_element_type3A_430, %dot_general3A_432 {dimension_numbers = #tpu.dot_dimension_numbers<[1], [0], [0], [1], [0, 0, 1, 1], [], []>, transpose_lhs_hint = false} : vector<16x512xbf16>, vector<512x128xbf16>, vector<16x128xf32> -> vector<16x128xf32>
    %slice3A_434 = vector.extract_strided_slice %broadcast_in_dim3A_210 {offsets = [192, 0], sizes = [16, 1], strides = [1, 1]} : vector<256x1xf32> to vector<16x1xf32>
    %div3A_435 = vector.broadcast %slice3A_434 : vector<16x1xf32> to vector<16x128xf32>
    %div3A_436 = arith.divf %dot_general3A_433, %div3A_435 : vector<16x128xf32>
    %swap3A_437 = arith.constant 12 : index
    %swap3A_438 = arith.constant 0 : index
    %swap3A_439 = arith.constant 0 : index
    %swap3A_440 = vector.load %arg3[%swap3A_437, %swap3A_438, %swap3A_439] : memref<16x16x128xf32, #tpu.memory_space<vmem>>, vector<1x16x128xf32>
    %swap3A_441 = vector.shape_cast %swap3A_440 : vector<1x16x128xf32> to vector<16x128xf32>
    %swap3A_442 = vector.shape_cast %div3A_436 : vector<16x128xf32> to vector<1x16x128xf32>
    tpu.vector_store %arg3[%swap3A_437, %swap3A_438, %swap3A_439], %swap3A_442 {strides = array<i32>} : memref<16x16x128xf32, #tpu.memory_space<vmem>>, vector<1x16x128xf32>,
    %get3A_443 = arith.constant 13 : index
    %get3A_444 = arith.constant 0 : index
    %get3A_445 = arith.constant 0 : index
    %get3A_446 = vector.load %arg2[%get3A_443, %get3A_444, %get3A_445] : memref<16x512x128xf32, #tpu.memory_space<vmem>>, vector<1x512x128xf32>
    %get3A_447 = vector.shape_cast %get3A_446 : vector<1x512x128xf32> to vector<512x128xf32>
    %convert_element_type3A_448 = arith.truncf %get3A_447 : vector<512x128xf32> to vector<512x128xbf16>
    %slice3A_449 = vector.extract_strided_slice %convert_element_type3A_211 {offsets = [208, 0], sizes = [16, 512], strides = [1, 1]} : vector<256x512xbf16> to vector<16x512xbf16>
    %dot_general3A_450 = arith.constant dense<0.000000e+00> : vector<16x128xf32>
    %dot_general3A_451 = tpu.matmul %slice3A_449, %convert_element_type3A_448, %dot_general3A_450 {dimension_numbers = #tpu.dot_dimension_numbers<[1], [0], [0], [1], [0, 0, 1, 1], [], []>, transpose_lhs_hint = false} : vector<16x512xbf16>, vector<512x128xbf16>, vector<16x128xf32> -> vector<16x128xf32>
    %slice3A_452 = vector.extract_strided_slice %broadcast_in_dim3A_210 {offsets = [208, 0], sizes = [16, 1], strides = [1, 1]} : vector<256x1xf32> to vector<16x1xf32>
    %div3A_453 = vector.broadcast %slice3A_452 : vector<16x1xf32> to vector<16x128xf32>
    %div3A_454 = arith.divf %dot_general3A_451, %div3A_453 : vector<16x128xf32>
    %swap3A_455 = arith.constant 13 : index
    %swap3A_456 = arith.constant 0 : index
    %swap3A_457 = arith.constant 0 : index
    %swap3A_458 = vector.load %arg3[%swap3A_455, %swap3A_456, %swap3A_457] : memref<16x16x128xf32, #tpu.memory_space<vmem>>, vector<1x16x128xf32>
    %swap3A_459 = vector.shape_cast %swap3A_458 : vector<1x16x128xf32> to vector<16x128xf32>
    %swap3A_460 = vector.shape_cast %div3A_454 : vector<16x128xf32> to vector<1x16x128xf32>
    tpu.vector_store %arg3[%swap3A_455, %swap3A_456, %swap3A_457], %swap3A_460 {strides = array<i32>} : memref<16x16x128xf32, #tpu.memory_space<vmem>>, vector<1x16x128xf32>,
    %get3A_461 = arith.constant 14 : index
    %get3A_462 = arith.constant 0 : index
    %get3A_463 = arith.constant 0 : index
    %get3A_464 = vector.load %arg2[%get3A_461, %get3A_462, %get3A_463] : memref<16x512x128xf32, #tpu.memory_space<vmem>>, vector<1x512x128xf32>
    %get3A_465 = vector.shape_cast %get3A_464 : vector<1x512x128xf32> to vector<512x128xf32>
    %convert_element_type3A_466 = arith.truncf %get3A_465 : vector<512x128xf32> to vector<512x128xbf16>
    %slice3A_467 = vector.extract_strided_slice %convert_element_type3A_211 {offsets = [224, 0], sizes = [16, 512], strides = [1, 1]} : vector<256x512xbf16> to vector<16x512xbf16>
    %dot_general3A_468 = arith.constant dense<0.000000e+00> : vector<16x128xf32>
    %dot_general3A_469 = tpu.matmul %slice3A_467, %convert_element_type3A_466, %dot_general3A_468 {dimension_numbers = #tpu.dot_dimension_numbers<[1], [0], [0], [1], [0, 0, 1, 1], [], []>, transpose_lhs_hint = false} : vector<16x512xbf16>, vector<512x128xbf16>, vector<16x128xf32> -> vector<16x128xf32>
    %slice3A_470 = vector.extract_strided_slice %broadcast_in_dim3A_210 {offsets = [224, 0], sizes = [16, 1], strides = [1, 1]} : vector<256x1xf32> to vector<16x1xf32>
    %div3A_471 = vector.broadcast %slice3A_470 : vector<16x1xf32> to vector<16x128xf32>
    %div3A_472 = arith.divf %dot_general3A_469, %div3A_471 : vector<16x128xf32>
    %swap3A_473 = arith.constant 14 : index
    %swap3A_474 = arith.constant 0 : index
    %swap3A_475 = arith.constant 0 : index
    %swap3A_476 = vector.load %arg3[%swap3A_473, %swap3A_474, %swap3A_475] : memref<16x16x128xf32, #tpu.memory_space<vmem>>, vector<1x16x128xf32>
    %swap3A_477 = vector.shape_cast %swap3A_476 : vector<1x16x128xf32> to vector<16x128xf32>
    %swap3A_478 = vector.shape_cast %div3A_472 : vector<16x128xf32> to vector<1x16x128xf32>
    tpu.vector_store %arg3[%swap3A_473, %swap3A_474, %swap3A_475], %swap3A_478 {strides = array<i32>} : memref<16x16x128xf32, #tpu.memory_space<vmem>>, vector<1x16x128xf32>,
    %get3A_479 = arith.constant 15 : index
    %get3A_480 = arith.constant 0 : index
    %get3A_481 = arith.constant 0 : index
    %get3A_482 = vector.load %arg2[%get3A_479, %get3A_480, %get3A_481] : memref<16x512x128xf32, #tpu.memory_space<vmem>>, vector<1x512x128xf32>
    %get3A_483 = vector.shape_cast %get3A_482 : vector<1x512x128xf32> to vector<512x128xf32>
    %convert_element_type3A_484 = arith.truncf %get3A_483 : vector<512x128xf32> to vector<512x128xbf16>
    %slice3A_485 = vector.extract_strided_slice %convert_element_type3A_211 {offsets = [240, 0], sizes = [16, 512], strides = [1, 1]} : vector<256x512xbf16> to vector<16x512xbf16>
    %dot_general3A_486 = arith.constant dense<0.000000e+00> : vector<16x128xf32>
    %dot_general3A_487 = tpu.matmul %slice3A_485, %convert_element_type3A_484, %dot_general3A_486 {dimension_numbers = #tpu.dot_dimension_numbers<[1], [0], [0], [1], [0, 0, 1, 1], [], []>, transpose_lhs_hint = false} : vector<16x512xbf16>, vector<512x128xbf16>, vector<16x128xf32> -> vector<16x128xf32>
    %slice3A_488 = vector.extract_strided_slice %broadcast_in_dim3A_210 {offsets = [240, 0], sizes = [16, 1], strides = [1, 1]} : vector<256x1xf32> to vector<16x1xf32>
    %div3A_489 = vector.broadcast %slice3A_488 : vector<16x1xf32> to vector<16x128xf32>
    %div3A_490 = arith.divf %dot_general3A_487, %div3A_489 : vector<16x128xf32>
    %swap3A_491 = arith.constant 15 : index
    %swap3A_492 = arith.constant 0 : index
    %swap3A_493 = arith.constant 0 : index
    %swap3A_494 = vector.load %arg3[%swap3A_491, %swap3A_492, %swap3A_493] : memref<16x16x128xf32, #tpu.memory_space<vmem>>, vector<1x16x128xf32>
    %swap3A_495 = vector.shape_cast %swap3A_494 : vector<1x16x128xf32> to vector<16x128xf32>
    %swap3A_496 = vector.shape_cast %div3A_490 : vector<16x128xf32> to vector<1x16x128xf32>
    tpu.vector_store %arg3[%swap3A_491, %swap3A_492, %swap3A_493], %swap3A_496 {strides = array<i32>} : memref<16x16x128xf32, #tpu.memory_space<vmem>>, vector<1x16x128xf32>,
    return
  }
  func.func @transform_0(%arg0: i32) -> (i32, i32, i32) {
    %c0_i32 = arith.constant 0 : i32
    %c0_i32_0 = arith.constant 0 : i32
    %c0_i32_1 = arith.constant 0 : i32
    return %arg0, %c0_i32, %c0_i32_0 : i32, i32, i32
  }
  func.func @transform_1(%arg0: i32) -> (i32, i32, i32) {
    %c0_i32 = arith.constant 0 : i32
    %c0_i32_0 = arith.constant 0 : i32
    %c0_i32_1 = arith.constant 0 : i32
    return %arg0, %c0_i32, %c0_i32_0 : i32, i32, i32
  }
  func.func @transform_2(%arg0: i32) -> (i32, i32, i32) {
    %c0_i32 = arith.constant 0 : i32
    %c0_i32_0 = arith.constant 0 : i32
    %c0_i32_1 = arith.constant 0 : i32
    return %arg0, %c0_i32, %c0_i32_0 : i32, i32, i32
  }
}

</mosaic_0001>

<sc_bundles>
// kernel: kernel.10.cloned.1.call-start
scs
__scs_entry_jumppad:
0x0: {  	(pc) =	sbr.rel $0x88, $3  }
0x1: {  	(tag) =	ssettag $0x0;
	lr =	simm.s32 $0x1  }
0x2: {  	[smem:$0x3F9E] =	sst lr;
	_ =	strace $0xD0000000  }
0x3: {  	_ = 	snop  }
0x4: {  	_ = 	snop  }
0x5: {  	_ = 	snop  }
0x6: {  	_ = 	snop  }
0x7: {  	_ = 	snop  }
__scs_overlays_trampoline_lowered:
0x8: {  	[smem:$0x3FAD] =	sst s0  }
0x9: {  	[smem:$0x3FAE] =	sst s1  }
0xa: {  	[smem:$0x3FAF] =	sst s2  }
0xb: {  	[smem:$0x3FB0] =	sst s3  }
0xc: {  	[smem:$0x3FB1] =	sst s4  }
0xd: {  	[smem:$0x3FB2] =	sst s5  }
0xe: {  	[smem:$0x3FB3] =	sst s6  }
0xf: {  	[smem:$0x3FB4] =	sst s7  }
0x10: {  	[smem:$0x3FB5] =	sst s8  }
0x11: {  	[smem:$0x3FB6] =	sst s9;
	s0 =	simm.s32 @!p0 $0x0  }
0x12: {  	s1 =	sld [smem:$0x3F9C];
	s0 =	simm.s32 @p0 $0x1  }
0x13: {  	[smem:$0x3FB7] =	sst s0;
	s0 =	simm.s32 @!p1 $0x0  }
0x14: {  	s2 =	sld [smem:$0x3F9B];
	s0 =	simm.s32 @p1 $0x1  }
0x15: {  	[smem:$0x3FB8] =	sst s0;
	s0 =	simm.s32 @!p2 $0x0  }
0x16: {  	s3 =	sld [smem:$0x3FDB];
	s0 =	simm.s32 @p2 $0x1  }
0x17: {  	s4 =	simm.s32 $0x1BF5;
	[smem:$0x3FBA] =	sst s0  }
0x18: {  	s0 =	sld [smem:$0x3F9D];
	_ =	swait.ge [sflag:s4], $0x0  }
0x19: {  	s7 =	sld [smem:$0x3F9E]  }
0x1a: {  	s8 =	sadd.s32 $0xFFFFE003, lr  }
0x1b: {  	s9 =	sadd.s32 $0xFFFFFEF7, lr;
	s5 =	simm.s32 $0xFFFFFFFF;
	p2 =	slt.u32 s8, $0xFFFFF086  }
0x1c: {  	p1 =	slt.u32 s9, $0xF7A;
	s5 =	simm.s32 @!p2 $0x0  }
0x1d: {  	s5 =	simm.s32 @p1 $0x1;
	p0 =	seq.s32 s7, s2  }
0x1e: {  	s7 =	smul.u32 @!p0 $0xF7A, s2;
	p2 =	seq.s32 @!p0 s5, $0x0  }
0x1f: {  	s9 =	smul.u32 $0xF7A, s1;
	s8 =	simm.s32 @!p0 $0x1BF5;
	p2 =	por !p2, p0  }
0x20: {  	[sflag:s8] =	ssyncset.s32 @!p0 $0xFFFFF086;
	s6 =	sadd.s32 @!p0 s3, s7;
	s7 =	simm.s32 @!p0 $0x108  }
0x21: {  	s3 =	sadd.s32 s3, s9;
	s6 =	sadd.s32 @!p0 $0x88, s6;
	s7 =	simm.s32 @p2 $0x1082  }
0x22: {  	[simem:s7], [sflag:s8] =	dma.local @!p0 [hbm:s6], $0xF7A  }
0x23: {  	s9 =	sor.u32 $0xD0000000, s2;
	s6 =	simm.s32 $0x108;
	_ =	swait.ge @!p0 [sflag:s8], $0x0  }
0x24: {  	s3 =	sadd.s32 $0x88, s3;
	s6 =	simm.s32 @!p1 $0x1082;
	[sflag:s4] =	ssyncset.s32 $0xFFFFF086  }
0x25: {  	[simem:s6], [sflag:s4] =	dma.local [hbm:s3], $0xF7A  }
0x26: {  	[smem:$0x3F9E] =	sst s1;
	(tag) =	ssettag s2;
	_ =	strace s9  }
0x27: {  	s1 =	sld [smem:$0x3FAE]  }
0x28: {  	s2 =	sld [smem:$0x3FAF]  }
0x29: {  	s4 =	sld [smem:$0x3FB1]  }
0x2a: {  	p0 =	seq.s32 s5, $0x0;
	s5 =	sld [smem:$0x3FB2]  }
0x2b: {  	s6 =	sld [smem:$0x3FB3]  }
0x2c: {  	s7 =	sld [smem:$0x3FB4]  }
0x2d: {  	s3 =	simm.s32 $0x108;
	s8 =	sld [smem:$0x3FB5]  }
0x2e: {  	s3 =	simm.s32 @!p0 $0x1082;
	s9 =	sld [smem:$0x3FB6]  }
0x2f: {  	lr =	sadd.s32 s0, s3;
	s0 =	sld [smem:$0x3FAD]  }
0x30: {  	s3 =	sld [smem:$0x3FB0]  }
0x31: {  	[smem:$0x3FB9] =	sst s10  }
0x32: {  	s10 =	sld [smem:$0x3FB7];
	_ =	sdelay $0x3  }
0x33: {  	p0 =	seq.s32 s10, $0x1;
	s10 =	sld [smem:$0x3FB9];
	_ =	sdelay $0x3  }
0x34: {  	[smem:$0x3FB9] =	sst s10  }
0x35: {  	s10 =	sld [smem:$0x3FB8];
	_ =	sdelay $0x3  }
0x36: {  	p1 =	seq.s32 s10, $0x1;
	s10 =	sld [smem:$0x3FB9];
	_ =	sdelay $0x3  }
0x37: {  	[smem:$0x3FB9] =	sst s10  }
0x38: {  	s10 =	sld [smem:$0x3FBA]  }
0x39: {  	_ = 	snop;
	(pc) =	sbr.ind lr, $3  }
0x3a: {  	_ = 	snop  }
0x3b: {  	_ = 	snop  }
0x3c: {  	p2 =	seq.s32 s10, $0x1;
	s10 =	sld [smem:$0x3FB9]  }
0x3d: {  	_ =	shalt  }
0x3e: {  	_ =	shalt  }
0x3f: {  	_ =	shalt  }
0x40: {  	_ =	shalt  }
0x41: {  	_ =	shalt  }
0x42: {  	_ =	shalt  }
0x43: {  	_ =	shalt  }
0x44: {  	_ =	shalt  }
0x45: {  	_ =	shalt  }
0x46: {  	_ =	shalt  }
0x47: {  	_ =	shalt  }
0x48: {  	_ =	shalt  }
0x49: {  	_ =	shalt  }
0x4a: {  	_ =	shalt  }
0x4b: {  	_ =	shalt  }
0x4c: {  	_ =	shalt  }
0x4d: {  	_ =	shalt  }
0x4e: {  	_ =	shalt  }
0x4f: {  	_ =	shalt  }
0x50: {  	_ =	shalt  }
0x51: {  	_ =	shalt  }
0x52: {  	_ =	shalt  }
0x53: {  	_ =	shalt  }
0x54: {  	_ =	shalt  }
0x55: {  	_ =	shalt  }
0x56: {  	_ =	shalt  }
0x57: {  	_ =	shalt  }
0x58: {  	_ =	shalt  }
0x59: {  	_ =	shalt  }
0x5a: {  	_ =	shalt  }
0x5b: {  	_ =	shalt  }
0x5c: {  	_ =	shalt  }
0x5d: {  	_ =	shalt  }
0x5e: {  	_ =	shalt  }
0x5f: {  	_ =	shalt  }
0x60: {  	_ =	shalt  }
0x61: {  	_ =	shalt  }
0x62: {  	_ =	shalt  }
0x63: {  	_ =	shalt  }
0x64: {  	_ =	shalt  }
0x65: {  	_ =	shalt  }
0x66: {  	_ =	shalt  }
0x67: {  	_ =	shalt  }
0x68: {  	_ =	shalt  }
0x69: {  	_ =	shalt  }
0x6a: {  	_ =	shalt  }
0x6b: {  	_ =	shalt  }
0x6c: {  	_ =	shalt  }
0x6d: {  	_ =	shalt  }
0x6e: {  	_ =	shalt  }
0x6f: {  	_ =	shalt  }
0x70: {  	_ =	shalt  }
0x71: {  	_ =	shalt  }
0x72: {  	_ =	shalt  }
0x73: {  	_ =	shalt  }
0x74: {  	_ =	shalt  }
0x75: {  	_ =	shalt  }
0x76: {  	_ =	shalt  }
0x77: {  	_ =	shalt  }
0x78: {  	_ =	shalt  }
0x79: {  	_ =	shalt  }
0x7a: {  	_ =	shalt  }
0x7b: {  	_ =	shalt  }
0x7c: {  	_ =	shalt  }
0x7d: {  	_ =	shalt  }
0x7e: {  	_ =	shalt  }
0x7f: {  	_ =	shalt  }
0x80: {  	_ =	shalt  }
0x81: {  	_ =	shalt  }
0x82: {  	_ =	shalt  }
0x83: {  	_ =	shalt  }
0x84: {  	_ =	shalt  }
0x85: {  	_ =	shalt  }
0x86: {  	_ =	shalt  }
0x87: {  	_ =	shalt  }
.Lfunc_end0:
.L_simem_size_0:
called_computation_lowered:
.L_overlay_start_0:
0x88: {  	s2 =	sld [smem:$0x3FD9]  }
0x89: {  	s3 =	sld [smem:$0x3FFE];
	_ =	sdelay $0x1  }
0x8a: {  	s1 =	srdreg.scid  }
0x8b: {  	s0 =	sand.u32 $0x1, s1  }
0x8c: {  	s17 =	sshll.u32 s0, $0xA;
	s2 =	sadd.s32 s3, s2  }
0x8d: {  	s2 =	sadd.s32 s2, s17  }
0x8e: {  	[smem:$0x3FC5] =	sst s2  }
0x8f: {  	_ = 	snop  }
0x90: {  	s18 =	sld [smem:$0x3FC8]  }
0x91: {  	s4 =	sld [smem:$0x3FD0];
	(tm) =	ssettm $0x1  }
0x92: {  	s19 =	sld [smem:$0x3FFB];
	_ =	sdelay $0x3  }
0x93: {  	_ =	strace s19  }
0x94: {  	s2 =	sld [smem:$0x3FFC];
	_ =	sdelay $0x3  }
0x95: {  	_ =	strace s2  }
0x96: {  	s2 =	sld [smem:$0x3FFD];
	_ =	sdelay $0x3  }
0x97: {  	_ =	strace s2  }
0x98: {  	_ =	strace $0x8FFFFFFF  }
0x99: {  	s20 =	sld [smem:$0x3FDB];
	_ =	sdelay $0x1  }
0x9a: {  	s5 =	simm.s32 $_scs_section_size  }
0x9b: {  	s6 =	simm.s32 $_size__tile_overlayer_lowered;
	s7 =	simm.s32 $_tile_overlayer_lowered  }
0x9c: {  	s8 =	simm.s32 $0x1BFF;
	s21 =	sshll.u32 s7, $0x1;
	s5 =	sadd.s32 s5, s20  }
0x9d: {  	s22 =	simm.s32 $0x0;
	s6 =	sshll.u32 s6, $0x1;
	s7 =	sadd.s32 s21, s5  }
0x9e: {  	[timem:s22], [sflag:s8] =	dma.local [hbm:s7], s6  }
0x9f: {  	_ =	swait.ge [sflag:s8], s6  }
0xa0: {  	s6 =	ssub.s32 $0x0, s6;
	[sflag:s8] =	ssyncset.done $0x0  }
0xa1: {  	[sflag:s8] =	ssyncadd.s32 s6;
	_ =	sdelay $0x1  }
0xa2: {  	s23 =	simm.s32 $0x1B8B  }
0xa3: {  	_ =	swait.ge [sflag:s23], $0x1  }
0xa4: {  	[sflag:s23] =	ssyncset.done $0x0  }
0xa5: {  	[sflag:s23] =	ssyncadd.s32 $0xFFFFFFFF  }
0xa6: {  	s6 =	sld [smem:$0x0]  }
0xa7: {  	s7 =	sand.u32 $0xFFFFFFFE, s1  }
0xa8: {  	p0 =	sne.s32 s1, s7  }
0xa9: {  	s7 =	sshll.u32 @p0 s7, $0xE  }
0xaa: {  	s7 =	sadd.s32 @p0 $0x11B8D, s7;
	s8 =	sshll.u32 @p0 s6, $0x11  }
0xab: {  	s7 =	sor.u32 @p0 s8, s7  }
0xac: {  	[sflag:s7] =	ssyncadd.remote.s32 @p0 $0x1;
	_ =	sdelay $0x1  }
0xad: {  	s7 =	simm.s32 @p0 $0x1B8D  }
0xae: {  	_ =	swait.eq @p0 [sflag:s7], $0x1  }
0xaf: {  	[sflag:s7] =	ssyncadd.s32 @p0 $0xFFFFFFFF  }
0xb0: {  	s8 =	sshll.u32 @!p0 s1, $0xE  }
0xb1: {  	s8 =	sor.u32 @!p0 $0x4000, s8;
	s7 =	simm.s32 @!p0 $0x1B8D  }
0xb2: {  	s6 =	sshll.u32 @!p0 s6, $0x11;
	s8 =	sadd.s32 @!p0 $0x11B8D, s8;
	_ =	swait.eq @!p0 [sflag:s7], $0x1  }
0xb3: {  	s6 =	sor.u32 @!p0 s6, s8;
	[sflag:s7] =	ssyncadd.s32 @!p0 $0xFFFFFFFF  }
0xb4: {  	s25 =	simm.s32 $0x1B8E;
	s24 =	sld [smem:$0x3FFE];
	[sflag:s6] =	ssyncadd.remote.s32 @!p0 $0x1  }
0xb5: {  	s26 =	simm.s32 $execute0_lowered;
	[smem:$0x3FD2] =	sst s25  }
0xb6: {  	s7 =	sshll.u32 s26, $0x1;
	_ =	strace $0x80000064;
	[dreg:$0x1] =	wrdreg $0xFFFFFFFF  }
0xb7: {  	s28 =	simm.s32 $_size_execute0_lowered;
	s5 =	sadd.s32 s5, s7;
	[dreg:$0x0] =	wrdreg $0x0  }
0xb8: {  	s7 =	sshll.u32 s28, $0x1;
	[dreg:$0x2] =	wrdreg s5  }
0xb9: {  	[dreg:$0x3] =	wrdreg s7  }
0xba: {  	[dreg:$0x4] =	wrdreg $0xC0  }
0xbb: {  	_ =	task [dreg:s22], $0x5FFFF  }
0xbc: {  	[dreg:$0x1] =	wrdreg $0xFFFFFFFF  }
0xbd: {  	[dreg:$0x0] =	wrdreg $0x60  }
0xbe: {  	[dreg:$0x2] =	wrdreg s18  }
0xbf: {  	[dreg:$0x3] =	wrdreg s4  }
0xc0: {  	[dreg:$0x4] =	wrdreg s24  }
0xc1: {  	[dreg:$0x5] =	wrdreg $0x9  }
0xc2: {  	_ =	task.clear_ibuf [dreg:s22], $0x6FFFF;
	_ =	strace $0x90000064  }
0xc3: {  	s29 =	simm.s32 $0x9;
	_ =	strace $0x8000006D  }
0xc4: {  	_ =	swait.ge [sflag:s29], $0x1  }
0xc5: {  	[sflag:s29] =	ssyncadd.s32 $0xFFFFFFFF  }
0xc6: {  	_ =	strace $0x9000006D  }
0xc7: {  	_ =	sfence  }
0xc8: {  	s30 =	sld [smem:$0x0];
	_ =	sdelay $0x2  }
0xc9: {  	s31 =	sshll.u32 s1, $0xD;
	s1 =	sshrl.u32 s1, $0x2  }
0xca: {  	s4 =	sand.u32 $0x4000, s31;
	s1 =	sadd.s32 s1, s30  }
0xcb: {  	s0 =	sor.u32 s4, s0;
	s1 =	sshll.u32 s1, $0x11  }
0xcc: {  	s0 =	sor.u32 s1, s0  }
0xcd: {  	s0 =	sadd.s32 $0x8F2B, s0  }
0xce: {  	[sflag:s0] =	ssyncadd.remote.s32 $0x1  }
0xcf: {  	_ =	sfence.sel $0xFFFF  }
0xd0: {  	[dreg:$0x0] =	wrdreg $0xFFFFFFFF;
	(pc) =	sbr.abs _section_cstart, $3  }
0xd1: {  	[dreg:$0x1] =	wrdreg $0xFFFFFFFF  }
0xd2: {  	_ =	task.clear_ibuf [dreg:s22], $0x2FFFF;
	_ =	strace $0x9FFFFFFF  }
0xd3: {  	(tm) =	ssettm $0x7FFFFFFF  }
tec
execute0_lowered:
.L_overlay_start_1:
0x0: {  	(tag) =	ssettag $0x1  }
0x1: {  	s1 =	rddreg [dreg:$0x0]  }
0x2: {  	s2 =	rddreg [dreg:$0x1]  }
0x3: {  	s4 =	rddreg [dreg:$0x2]  }
0x4: {  	s0 =	rddreg [dreg:$0x3]  }
0x5: {  	s3 =	simm.s32 $0x0;
	s5 =	srdreg.scid;
	s9 =	simm.s32 $0x80  }
0x6: {  	s10 =	simm.s32 $0x5;
	s11 =	simm.s32 $0x0;
	[smem:$0x7FF] =	sst s3  }
0x7: {  	s6 =	sadd.s32 $0xC19A00, s4;
	s5 =	sand.u32 $0x1, s5;
	s4 =	stileid.u32  }
0x8: {  	_ =	strace $0x80000065;
	s7 =	ssub.s32 $0x2, s5;
	s5 =	sshll.u32 s5, $0x4  }
0x9: {  	[dreg:$0x4] =	wrdreg s6;
	s30 =	sshrl.u32 s7, $0x1;
	s8 =	sor.u32 s4, s5  }
0xa: {  	s7 =	ssub.s32 s7, s30;
	s5 =	sshll.u32 s8, $0x5;
	s31 =	sshll.u32 s8, $0xA  }
0xb: {  	s8 =	simm.s32 $0x1;
	s6 =	sadd.s32 s2, s31;
	s7 =	smax.u32 s7, $0x1  }
.LBB2_1:
0xc: {  	_ =	strace $0x80000066;
	s12 =	simm.s32 $0x1;
	p0 =	por $0x0, $0x0  }
0xd: {  	[tilespmem:s3], [sflag:$0x2] =	stream.linear.gather [hbm4b:s6+s3], $0x100, $0x200038;
	[tilespmem:$0x10200] =	vst v63  }
0xe: {  	s12 =	simm.s32 @p0 $0x0  }
0xf: {  	p5 =	por $0x1, $0x1;
	p1 =	sne.s32 s12, $0x0  }
0x10: {  	p0 =	por !p5, !p1  }
0x11: {  	s19 =	sand.u32 $0x1, s3;
	s30 =	simm.s32 $0x0;
	p3 =	por !p0, !p0  }
0x12: {  	p4 =	por $0x0, $0x0;
	s18 =	sadd.s32 $0x0, s5;
	s13 =	sadd.s32 @p3 s5, s12  }
0x13: {  	_ =	strace $0x90000066;
	s14 =	sand.u32 @p3 $0x1, s8;
	s13 =	sshll.u32 @p3 s13, $0x5  }
0x14: {  	s15 =	simm.s32 @p3 $0x0;
	_ =	strace @p3 $0x80000067;
	s13 =	sand.u32 @p3 $0x1FFFFFE0, s13  }
0x15: {  	s16 =	sshll.u32 @p3 s14, $0x8;
	s14 =	sor.u32 @p3 $0x2, s14;
	s13 =	sadd.s32 @p3 s2, s13  }
0x16: {  	[tilespmem:s16], [sflag:s14] =	stream.linear.gather @p3 [hbm4b:s13+s15], $0x100, $0x200038;
	[tilespmem:$0x10200] =	vst v63  }
0x17: {  	p6 =	por $0x1, $0x1;
	s26 =	simm.s32 $0x1;
	_ =	strace @p3 $0x90000067  }
0x18: {  	s29 =	sor.u32 $0x2, s19;
	s31 =	sshll.u32 s19, $0xF;
	_ =	strace $0x80000068  }
0x19: {  	s21 =	sor.u32 $0x200, s31;
	p5 =	por p4, p1;
	_ =	swait.ge [sflag:s29], $0x100  }
0x1a: {  	p0 =	por $0x1, $0x1;
	s23 =	sshll.u32 @p5 s18, $0xC;
	[sflag:s29] =	ssyncset.done $0x0  }
0x1b: {  	s26 =	simm.s32 @!p5 $0x0;
	s18 =	simm.s32 $0x0;
	[sflag:s29] =	ssyncadd.s32 $0xFFFFFF00  }
0x1c: {  	s17 =	sand.u32 @!p0 $0x1, s3;
	p2 =	por p0, p0;
	_ =	strace $0x90000068  }
0x1d: {  	p0 =	por $0x0, $0x0;
	s16 =	sand.u32 $0x100, s30;
	_ =	strace $0x80000069  }
0x1e: {  	[tilespmem:s21], [sflag:$0x1] =	stream.indirect.gather [hbm4b:s1+s9], $0x80, s16, s9, $0x2000b8;
	[tilespmem:$0x10200] =	vst v63  }
0x1f: {  	s22 =	sor.u32 @!p2 $0x4, s17;
	s14 =	sor.u32 $0x4200, s31;
	s16 =	sor.u32 $0x80, s16  }
0x20: {  	[tilespmem:s14], [sflag:$0x1] =	stream.indirect.gather [hbm4b:s1+s9], $0x80, s16, s9, $0x2000b8;
	[tilespmem:$0x10200] =	vst v63  }
0x21: {  	s17 =	sadd.s32 $0x1, s12;
	s13 =	simm.s32 $0x1F;
	_ =	swait.ge [sflag:s8], $0x4000  }
0x22: {  	s16 =	simm.s32 $0x1;
	s14 =	simm.s32 $0x1;
	[sflag:s8] =	ssyncset.done $0x0  }
0x23: {  	s16 =	simm.s32 @!p3 $0x0;
	p3 =	por $0x0, $0x0;
	[sflag:s8] =	ssyncadd.s32 $0xFFFFC000  }
0x24: {  	s14 =	simm.s32 @!p3 $0x0;
	p3 =	seq.s32 s17, $0x20;
	_ =	swait.ge [sflag:s8], $0x4000  }
0x25: {  	s15 =	simm.s32 $0x1E;
	s17 =	simm.s32 @p3 $0x0;
	[sflag:s8] =	ssyncset.done $0x0  }
0x26: {  	s20 =	sadd.s32 $0x1, s16;
	p1 =	sne.s32 s12, s17;
	[sflag:s8] =	ssyncadd.s32 $0xFFFFC000  }
0x27: {  	s16 =	simm.s32 $0x0;
	p3 =	por !p6, !p1;
	_ =	strace $0x90000069  }
0x28: {  	s14 =	sadd.s32 $0x0, s14;
	p3 =	por !p3, !p3;
	_ =	strace @p5 $0x8000006A  }
0x29: {  	s25 =	sand.u32 @p3 $0x1, s20;
	s24 =	sadd.s32 @p3 s5, s17;
	s28 =	rddreg [dreg:$0x4]  }
.LBB2_2:
0x2a: {  	s29 =	sshll.u32 @p3 s24, $0x5;
	s30 =	sand.u32 @p5 $0x1FFFF000, s23  }
0x2b: {  	s24 =	smov.u32 s12;
	s19 =	sor.u32 @p5 $0x4, s19;
	s12 =	sand.u32 @p3 $0x1FFFFFE0, s29  }
0x2c: {  	s29 =	simm.s32 @p5 $0x0;
	s31 =	sadd.s32 @p3 s2, s12;
	s12 =	sadd.s32 @p5 s28, s30  }
0x2d: {  	[hbm4b:s12+s29] =	stream.linear.scatter @p5 [tilespmem:s21], [sflag:s19], $0x8000, $0x200038;
	[tilespmem:$0x10200] =	vst v63  }
0x2e: {  	_ =	strace @p5 $0x9000006A  }
0x2f: {  	s16 =	sadd.s32 s26, s16;
	_ =	strace @!p2 $0x8000006B  }
0x30: {  	s23 =	smov.u32 s13;
	s13 =	smov.u32 s15;
	_ =	swait.ge @!p2 [sflag:s22], $0x8000  }
0x31: {  	s18 =	sadd.s32 s26, s18;
	s15 =	sadd.s32 $0xFFFFFFFF, s15;
	[sflag:s22] =	ssyncset.done @!p2 $0x0  }
0x32: {  	s26 =	sshll.u32 s18, $0x8;
	p4 =	sne.s32 s15, $0x0;
	[sflag:s22] =	ssyncadd.s32 @!p2 $0xFFFF8000  }
0x33: {  	p6 =	seq.s32 s23, $0x1;
	s21 =	simm.s32 @p3 $0x0;
	_ =	strace @!p2 $0x9000006B  }
0x34: {  	s22 =	sshll.u32 @p3 s25, $0x8;
	s25 =	sor.u32 @p3 $0x2, s25;
	_ =	strace @p3 $0x80000067  }
0x35: {  	[tilespmem:s22], [sflag:s25] =	stream.linear.gather @p3 [hbm4b:s31+s21], $0x100, $0x200038;
	[tilespmem:$0x10200] =	vst v63  }
0x36: {  	s24 =	sadd.s32 s5, s24;
	s29 =	sand.u32 $0x1, s18;
	_ =	strace @p3 $0x90000067  }
0x37: {  	s28 =	sand.u32 @!p0 $0x1, s14;
	s19 =	sor.u32 $0x2, s29;
	_ =	strace $0x80000068  }
0x38: {  	s12 =	smov.u32 s17;
	s17 =	sadd.s32 $0x1, s17;
	_ =	swait.ge [sflag:s19], $0x100  }
0x39: {  	p5 =	por p6, p1;
	p6 =	sne.s32 s13, $0x1;
	[sflag:s19] =	ssyncset.done $0x0  }
0x3a: {  	p2 =	por p0, p0;
	[sflag:s19] =	ssyncadd.s32 $0xFFFFFF00;
	s19 =	sand.u32 $0x1, s16  }
0x3b: {  	p0 =	seq.s32 s13, $0x20;
	_ =	strace $0x90000068;
	s30 =	sshll.u32 s19, $0xF  }
0x3c: {  	s31 =	sand.u32 $0x100, s26;
	_ =	strace $0x80000069;
	s21 =	sor.u32 $0x200, s30  }
0x3d: {  	[tilespmem:s21], [sflag:$0x1] =	stream.indirect.gather [hbm4b:s1+s9], $0x80, s31, s9, $0x2000b8;
	[tilespmem:$0x10200] =	vst v63  }
0x3e: {  	s26 =	simm.s32 $0x1;
	s25 =	sor.u32 $0x80, s31;
	s22 =	sor.u32 $0x4200, s30  }
0x3f: {  	[tilespmem:s22], [sflag:$0x1] =	stream.indirect.gather [hbm4b:s1+s9], $0x80, s25, s9, $0x2000b8;
	[tilespmem:$0x10200] =	vst v63  }
0x40: {  	s26 =	simm.s32 @!p5 $0x0;
	s25 =	simm.s32 $0x1;
	_ =	swait.ge [sflag:s8], $0x4000  }
0x41: {  	s22 =	sor.u32 @!p2 $0x4, s28;
	s25 =	simm.s32 @!p3 $0x0;
	[sflag:s8] =	ssyncset.done $0x0  }
0x42: {  	p3 =	sne.s32 s23, $0x20;
	s23 =	simm.s32 $0x1;
	[sflag:s8] =	ssyncadd.s32 $0xFFFFC000  }
0x43: {  	s23 =	simm.s32 @!p3 $0x0;
	p3 =	seq.s32 s17, $0x20;
	_ =	swait.ge [sflag:s8], $0x4000  }
.Ltmp0:
0x44: {  	s17 =	simm.s32 @p3 $0x0;
	[sflag:s8] =	ssyncset.done $0x0;
	(pc) =	sbr.rel @p4 .LBB2_2-.Ltmp0, $4  }
0x45: {  	s20 =	sadd.s32 s25, s20;
	p1 =	sne.s32 s12, s17;
	[sflag:s8] =	ssyncadd.s32 $0xFFFFC000  }
0x46: {  	s14 =	sadd.s32 s23, s14;
	p3 =	por !p6, !p1;
	_ =	strace $0x90000069  }
0x47: {  	s23 =	sshll.u32 @p5 s24, $0xC;
	p3 =	por !p3, !p3;
	_ =	strace @p5 $0x8000006A  }
0x48: {  	s25 =	sand.u32 @p3 $0x1, s20;
	s24 =	sadd.s32 @p3 s5, s17;
	s28 =	rddreg [dreg:$0x4]  }
0x49: {  	s15 =	sand.u32 @p5 $0x1FFFF000, s23  }
0x4a: {  	s17 =	sor.u32 @p5 $0x4, s19;
	s19 =	simm.s32 @p5 $0x0;
	s15 =	sadd.s32 @p5 s28, s15  }
0x4b: {  	[hbm4b:s15+s19] =	stream.linear.scatter @p5 [tilespmem:s21], [sflag:s17], $0x8000, $0x200038;
	[tilespmem:$0x10200] =	vst v63  }
0x4c: {  	_ =	strace @p5 $0x9000006A  }
0x4d: {  	_ =	strace @!p2 $0x8000006B  }
0x4e: {  	_ =	swait.ge @!p2 [sflag:s22], $0x8000  }
0x4f: {  	s20 =	sor.u32 @p3 $0x2, s25;
	[sflag:s22] =	ssyncset.done @!p2 $0x0  }
0x50: {  	s28 =	sadd.s32 s26, s18;
	s15 =	sshll.u32 @p3 s24, $0x5;
	[sflag:s22] =	ssyncadd.s32 @!p2 $0xFFFF8000  }
0x51: {  	s18 =	simm.s32 @p3 $0x0;
	s15 =	sand.u32 @p3 $0x1FFFFFE0, s15;
	_ =	strace @!p2 $0x9000006B  }
0x52: {  	s19 =	sshll.u32 @p3 s25, $0x8;
	s15 =	sadd.s32 @p3 s2, s15;
	_ =	strace @p3 $0x80000067  }
0x53: {  	[tilespmem:s19], [sflag:s20] =	stream.linear.gather @p3 [hbm4b:s15+s18], $0x100, $0x200038;
	[tilespmem:$0x10200] =	vst v63  }
0x54: {  	s29 =	sand.u32 $0x1, s28;
	_ =	strace @p3 $0x90000067  }
0x55: {  	s15 =	sor.u32 $0x2, s29;
	_ =	strace $0x80000068  }
0x56: {  	_ =	swait.ge [sflag:s15], $0x100  }
0x57: {  	s16 =	sadd.s32 s26, s16;
	[sflag:s15] =	ssyncset.done $0x0  }
0x58: {  	[sflag:s15] =	ssyncadd.s32 $0xFFFFFF00;
	s15 =	sand.u32 $0x1, s16  }
0x59: {  	s30 =	sshll.u32 s28, $0x8;
	_ =	strace $0x90000068;
	s31 =	sshll.u32 s15, $0xF  }
0x5a: {  	s16 =	sand.u32 $0x100, s30;
	_ =	strace $0x80000069;
	s18 =	sor.u32 $0x200, s31  }
0x5b: {  	[tilespmem:s18], [sflag:$0x1] =	stream.indirect.gather [hbm4b:s1+s9], $0x80, s16, s9, $0x2000b8;
	[tilespmem:$0x10200] =	vst v63  }
0x5c: {  	s17 =	sor.u32 $0x4200, s31;
	s16 =	sor.u32 $0x80, s16  }
0x5d: {  	[tilespmem:s17], [sflag:$0x1] =	stream.indirect.gather [hbm4b:s1+s9], $0x80, s16, s9, $0x2000b8;
	[tilespmem:$0x10200] =	vst v63  }
0x5e: {  	_ =	swait.ge [sflag:s8], $0x4000  }
0x5f: {  	[sflag:s8] =	ssyncset.done $0x0  }
0x60: {  	[sflag:s8] =	ssyncadd.s32 $0xFFFFC000  }
0x61: {  	_ =	swait.ge [sflag:s8], $0x4000  }
0x62: {  	[sflag:s8] =	ssyncset.done $0x0  }
0x63: {  	p6 =	seq.s32 s13, $0x1;
	[sflag:s8] =	ssyncadd.s32 $0xFFFFC000  }
0x64: {  	s12 =	sadd.s32 s5, s12;
	p1 =	por p6, p1;
	_ =	strace $0x90000069  }
0x65: {  	s12 =	sshll.u32 @p1 s12, $0xC;
	_ =	strace @p1 $0x8000006A  }
0x66: {  	s12 =	sand.u32 @p1 $0x1FFFF000, s12;
	s13 =	rddreg [dreg:$0x4]  }
0x67: {  	s15 =	sor.u32 @p1 $0x4, s15;
	s16 =	simm.s32 @p1 $0x0;
	s12 =	sadd.s32 @p1 s13, s12  }
0x68: {  	[hbm4b:s12+s16] =	stream.linear.scatter @p1 [tilespmem:s18], [sflag:s15], $0x8000, $0x200038;
	[tilespmem:$0x10200] =	vst v63  }
0x69: {  	s12 =	sand.u32 @!p0 $0x1, s14;
	p0 =	por p0, p0;
	_ =	strace @p1 $0x9000006A  }
0x6a: {  	s12 =	sor.u32 @!p0 $0x4, s12;
	_ =	strace @!p0 $0x8000006B  }
0x6b: {  	_ =	swait.ge @!p0 [sflag:s12], $0x8000  }
0x6c: {  	[sflag:s12] =	ssyncset.done @!p0 $0x0  }
0x6d: {  	s11 =	sadd.s32 $0x1, s11;
	[sflag:s12] =	ssyncadd.s32 @!p0 $0xFFFF8000  }
0x6e: {  	_ =	strace @!p0 $0x9000006B;
	p0 =	sne.s32 s11, s7  }
.Ltmp1:
0x6f: {  	_ =	strace $0x8000006C;
	(pc) =	sbr.rel @p0 .LBB2_1-.Ltmp1, $4  }
0x70: {  	_ =	swait.ge [sflag:s10], $0x8000  }
0x71: {  	[sflag:s10] =	ssyncset.done $0x0  }
0x72: {  	[sflag:s10] =	ssyncadd.s32 $0xFFFF8000  }
0x73: {  	_ =	strace $0x9000006C  }
0x74: {  	_ =	sfence.sel $0x180000  }
0x75: {  	[bflag:$0x0] =	sbarrier.arrive $0xFFFF  }
0x76: {  	p0 =	sne.s32 s4, $0x0;
	_ =	strace $0x90000065  }
0x77: {  	s0 =	sadd.s32 @!p0 $0x100000, s0;
	[bflag:$0x2] =	sbarrier.arrive $0xFFFF  }
0x78: {  	[sflag:s0] =	ssyncadd.tile.s32 @!p0 $0x1;
	_ =	shalt  }
.Lfunc_end2:
_tile_overlayer_lowered:
.L_overlay_start_2:
0x79: {  	(tag) =	ssettag $0x2  }
0x7a: {  	s0 =	rddreg [dreg:$0x0];
	s2 =	stileid.u32  }
0x7b: {  	s1 =	rddreg [dreg:$0x1];
	p0 =	sne.s32 s2, $0x0  }
0x7c: {  	s3 =	rddreg [dreg:$0x2];
	[bflag:$0x3] =	sbarrier.arrive $0xFFFF;
	s2 =	simm.s32 @!p0 $0x1C02  }
0x7d: {  	[timem:s3], [sflag:s2] =	dma.local @!p0 [hbm:s0], s1  }
0x7e: {  	s0 =	simm.s32 @!p0 $0x2  }
0x7f: {  	_ =	swait.ge @!p0 [sflag:s0], s1  }
0x80: {  	s1 =	ssub.s32 @!p0 $0x0, s1;
	[sflag:s0] =	ssyncset.done @!p0 $0x0  }
0x81: {  	[sflag:s0] =	ssyncadd.s32 @!p0 s1  }
0x82: {  	[bflag:$0x3] =	sbarrier.arrive $0xFFFF  }
0x83: {  	_ =	shalt  }

// kernel: kernel.13.cloned.1.call-start
scs
__scs_entry_jumppad:
0x0: {  	(pc) =	sbr.rel $0x88, $3  }
0x1: {  	(tag) =	ssettag $0x0;
	lr =	simm.s32 $0x1  }
0x2: {  	[smem:$0x3F9E] =	sst lr;
	_ =	strace $0xD0000000  }
0x3: {  	_ = 	snop  }
0x4: {  	_ = 	snop  }
0x5: {  	_ = 	snop  }
0x6: {  	_ = 	snop  }
0x7: {  	_ = 	snop  }
__scs_overlays_trampoline_lowered:
0x8: {  	[smem:$0x3FAD] =	sst s0  }
0x9: {  	[smem:$0x3FAE] =	sst s1  }
0xa: {  	[smem:$0x3FAF] =	sst s2  }
0xb: {  	[smem:$0x3FB0] =	sst s3  }
0xc: {  	[smem:$0x3FB1] =	sst s4  }
0xd: {  	[smem:$0x3FB2] =	sst s5  }
0xe: {  	[smem:$0x3FB3] =	sst s6  }
0xf: {  	[smem:$0x3FB4] =	sst s7  }
0x10: {  	[smem:$0x3FB5] =	sst s8  }
0x11: {  	[smem:$0x3FB6] =	sst s9;
	s0 =	simm.s32 @!p0 $0x0  }
0x12: {  	s1 =	sld [smem:$0x3F9C];
	s0 =	simm.s32 @p0 $0x1  }
0x13: {  	[smem:$0x3FB7] =	sst s0;
	s0 =	simm.s32 @!p1 $0x0  }
0x14: {  	s2 =	sld [smem:$0x3F9B];
	s0 =	simm.s32 @p1 $0x1  }
0x15: {  	[smem:$0x3FB8] =	sst s0;
	s0 =	simm.s32 @!p2 $0x0  }
0x16: {  	s3 =	sld [smem:$0x3FDB];
	s0 =	simm.s32 @p2 $0x1  }
0x17: {  	s4 =	simm.s32 $0x1BF5;
	[smem:$0x3FBA] =	sst s0  }
0x18: {  	s0 =	sld [smem:$0x3F9D];
	_ =	swait.ge [sflag:s4], $0x0  }
0x19: {  	s7 =	sld [smem:$0x3F9E]  }
0x1a: {  	s8 =	sadd.s32 $0xFFFFE003, lr  }
0x1b: {  	s9 =	sadd.s32 $0xFFFFFEF7, lr;
	s5 =	simm.s32 $0xFFFFFFFF;
	p2 =	slt.u32 s8, $0xFFFFF086  }
0x1c: {  	p1 =	slt.u32 s9, $0xF7A;
	s5 =	simm.s32 @!p2 $0x0  }
0x1d: {  	s5 =	simm.s32 @p1 $0x1;
	p0 =	seq.s32 s7, s2  }
0x1e: {  	s7 =	smul.u32 @!p0 $0xF7A, s2;
	p2 =	seq.s32 @!p0 s5, $0x0  }
0x1f: {  	s9 =	smul.u32 $0xF7A, s1;
	s8 =	simm.s32 @!p0 $0x1BF5;
	p2 =	por !p2, p0  }
0x20: {  	[sflag:s8] =	ssyncset.s32 @!p0 $0xFFFFF086;
	s6 =	sadd.s32 @!p0 s3, s7;
	s7 =	simm.s32 @!p0 $0x108  }
0x21: {  	s3 =	sadd.s32 s3, s9;
	s6 =	sadd.s32 @!p0 $0x88, s6;
	s7 =	simm.s32 @p2 $0x1082  }
0x22: {  	[simem:s7], [sflag:s8] =	dma.local @!p0 [hbm:s6], $0xF7A  }
0x23: {  	s9 =	sor.u32 $0xD0000000, s2;
	s6 =	simm.s32 $0x108;
	_ =	swait.ge @!p0 [sflag:s8], $0x0  }
0x24: {  	s3 =	sadd.s32 $0x88, s3;
	s6 =	simm.s32 @!p1 $0x1082;
	[sflag:s4] =	ssyncset.s32 $0xFFFFF086  }
0x25: {  	[simem:s6], [sflag:s4] =	dma.local [hbm:s3], $0xF7A  }
0x26: {  	[smem:$0x3F9E] =	sst s1;
	(tag) =	ssettag s2;
	_ =	strace s9  }
0x27: {  	s1 =	sld [smem:$0x3FAE]  }
0x28: {  	s2 =	sld [smem:$0x3FAF]  }
0x29: {  	s4 =	sld [smem:$0x3FB1]  }
0x2a: {  	p0 =	seq.s32 s5, $0x0;
	s5 =	sld [smem:$0x3FB2]  }
0x2b: {  	s6 =	sld [smem:$0x3FB3]  }
0x2c: {  	s7 =	sld [smem:$0x3FB4]  }
0x2d: {  	s3 =	simm.s32 $0x108;
	s8 =	sld [smem:$0x3FB5]  }
0x2e: {  	s3 =	simm.s32 @!p0 $0x1082;
	s9 =	sld [smem:$0x3FB6]  }
0x2f: {  	lr =	sadd.s32 s0, s3;
	s0 =	sld [smem:$0x3FAD]  }
0x30: {  	s3 =	sld [smem:$0x3FB0]  }
0x31: {  	[smem:$0x3FB9] =	sst s10  }
0x32: {  	s10 =	sld [smem:$0x3FB7];
	_ =	sdelay $0x3  }
0x33: {  	p0 =	seq.s32 s10, $0x1;
	s10 =	sld [smem:$0x3FB9];
	_ =	sdelay $0x3  }
0x34: {  	[smem:$0x3FB9] =	sst s10  }
0x35: {  	s10 =	sld [smem:$0x3FB8];
	_ =	sdelay $0x3  }
0x36: {  	p1 =	seq.s32 s10, $0x1;
	s10 =	sld [smem:$0x3FB9];
	_ =	sdelay $0x3  }
0x37: {  	[smem:$0x3FB9] =	sst s10  }
0x38: {  	s10 =	sld [smem:$0x3FBA]  }
0x39: {  	_ = 	snop;
	(pc) =	sbr.ind lr, $3  }
0x3a: {  	_ = 	snop  }
0x3b: {  	_ = 	snop  }
0x3c: {  	p2 =	seq.s32 s10, $0x1;
	s10 =	sld [smem:$0x3FB9]  }
0x3d: {  	_ =	shalt  }
0x3e: {  	_ =	shalt  }
0x3f: {  	_ =	shalt  }
0x40: {  	_ =	shalt  }
0x41: {  	_ =	shalt  }
0x42: {  	_ =	shalt  }
0x43: {  	_ =	shalt  }
0x44: {  	_ =	shalt  }
0x45: {  	_ =	shalt  }
0x46: {  	_ =	shalt  }
0x47: {  	_ =	shalt  }
0x48: {  	_ =	shalt  }
0x49: {  	_ =	shalt  }
0x4a: {  	_ =	shalt  }
0x4b: {  	_ =	shalt  }
0x4c: {  	_ =	shalt  }
0x4d: {  	_ =	shalt  }
0x4e: {  	_ =	shalt  }
0x4f: {  	_ =	shalt  }
0x50: {  	_ =	shalt  }
0x51: {  	_ =	shalt  }
0x52: {  	_ =	shalt  }
0x53: {  	_ =	shalt  }
0x54: {  	_ =	shalt  }
0x55: {  	_ =	shalt  }
0x56: {  	_ =	shalt  }
0x57: {  	_ =	shalt  }
0x58: {  	_ =	shalt  }
0x59: {  	_ =	shalt  }
0x5a: {  	_ =	shalt  }
0x5b: {  	_ =	shalt  }
0x5c: {  	_ =	shalt  }
0x5d: {  	_ =	shalt  }
0x5e: {  	_ =	shalt  }
0x5f: {  	_ =	shalt  }
0x60: {  	_ =	shalt  }
0x61: {  	_ =	shalt  }
0x62: {  	_ =	shalt  }
0x63: {  	_ =	shalt  }
0x64: {  	_ =	shalt  }
0x65: {  	_ =	shalt  }
0x66: {  	_ =	shalt  }
0x67: {  	_ =	shalt  }
0x68: {  	_ =	shalt  }
0x69: {  	_ =	shalt  }
0x6a: {  	_ =	shalt  }
0x6b: {  	_ =	shalt  }
0x6c: {  	_ =	shalt  }
0x6d: {  	_ =	shalt  }
0x6e: {  	_ =	shalt  }
0x6f: {  	_ =	shalt  }
0x70: {  	_ =	shalt  }
0x71: {  	_ =	shalt  }
0x72: {  	_ =	shalt  }
0x73: {  	_ =	shalt  }
0x74: {  	_ =	shalt  }
0x75: {  	_ =	shalt  }
0x76: {  	_ =	shalt  }
0x77: {  	_ =	shalt  }
0x78: {  	_ =	shalt  }
0x79: {  	_ =	shalt  }
0x7a: {  	_ =	shalt  }
0x7b: {  	_ =	shalt  }
0x7c: {  	_ =	shalt  }
0x7d: {  	_ =	shalt  }
0x7e: {  	_ =	shalt  }
0x7f: {  	_ =	shalt  }
0x80: {  	_ =	shalt  }
0x81: {  	_ =	shalt  }
0x82: {  	_ =	shalt  }
0x83: {  	_ =	shalt  }
0x84: {  	_ =	shalt  }
0x85: {  	_ =	shalt  }
0x86: {  	_ =	shalt  }
0x87: {  	_ =	shalt  }
.Lfunc_end0:
.L_simem_size_0:
called_computation.1_lowered:
.L_overlay_start_0:
0x88: {  	s2 =	sld [smem:$0x3FD9]  }
0x89: {  	s3 =	sld [smem:$0x3FFE];
	_ =	sdelay $0x1  }
0x8a: {  	s1 =	srdreg.scid  }
0x8b: {  	s0 =	sand.u32 $0x1, s1  }
0x8c: {  	s17 =	sshll.u32 s0, $0xA;
	s2 =	sadd.s32 s3, s2  }
0x8d: {  	s2 =	sadd.s32 s2, s17  }
0x8e: {  	[smem:$0x3FC5] =	sst s2  }
0x8f: {  	_ = 	snop  }
0x90: {  	s18 =	sld [smem:$0x3FC8];
	(tm) =	ssettm $0x1  }
0x91: {  	s19 =	sld [smem:$0x3FFB];
	_ =	sdelay $0x3  }
0x92: {  	_ =	strace s19  }
0x93: {  	s2 =	sld [smem:$0x3FFC];
	_ =	sdelay $0x3  }
0x94: {  	_ =	strace s2  }
0x95: {  	s2 =	sld [smem:$0x3FFD];
	_ =	sdelay $0x3  }
0x96: {  	_ =	strace s2  }
0x97: {  	_ =	strace $0x8FFFFFFF  }
0x98: {  	s20 =	sld [smem:$0x3FDB];
	_ =	sdelay $0x1  }
0x99: {  	s4 =	simm.s32 $_scs_section_size  }
0x9a: {  	s5 =	simm.s32 $_size__tile_overlayer_lowered;
	s6 =	simm.s32 $_tile_overlayer_lowered  }
0x9b: {  	s7 =	simm.s32 $0x1BFF;
	s21 =	sshll.u32 s6, $0x1;
	s4 =	sadd.s32 s4, s20  }
0x9c: {  	s22 =	simm.s32 $0x0;
	s5 =	sshll.u32 s5, $0x1;
	s6 =	sadd.s32 s21, s4  }
0x9d: {  	[timem:s22], [sflag:s7] =	dma.local [hbm:s6], s5  }
0x9e: {  	_ =	swait.ge [sflag:s7], s5  }
0x9f: {  	s5 =	ssub.s32 $0x0, s5;
	[sflag:s7] =	ssyncset.done $0x0  }
0xa0: {  	[sflag:s7] =	ssyncadd.s32 s5;
	_ =	sdelay $0x1  }
0xa1: {  	s23 =	simm.s32 $0x1B8B  }
0xa2: {  	_ =	swait.ge [sflag:s23], $0x1  }
0xa3: {  	[sflag:s23] =	ssyncset.done $0x0  }
0xa4: {  	[sflag:s23] =	ssyncadd.s32 $0xFFFFFFFF  }
0xa5: {  	s5 =	sld [smem:$0x0]  }
0xa6: {  	s6 =	sand.u32 $0xFFFFFFFE, s1  }
0xa7: {  	p0 =	sne.s32 s1, s6  }
0xa8: {  	s6 =	sshll.u32 @p0 s6, $0xE  }
0xa9: {  	s6 =	sadd.s32 @p0 $0x11B8D, s6;
	s7 =	sshll.u32 @p0 s5, $0x11  }
0xaa: {  	s6 =	sor.u32 @p0 s7, s6  }
0xab: {  	[sflag:s6] =	ssyncadd.remote.s32 @p0 $0x1;
	_ =	sdelay $0x1  }
0xac: {  	s6 =	simm.s32 @p0 $0x1B8D  }
0xad: {  	_ =	swait.eq @p0 [sflag:s6], $0x1  }
0xae: {  	[sflag:s6] =	ssyncadd.s32 @p0 $0xFFFFFFFF  }
0xaf: {  	s7 =	sshll.u32 @!p0 s1, $0xE  }
0xb0: {  	s7 =	sor.u32 @!p0 $0x4000, s7;
	s6 =	simm.s32 @!p0 $0x1B8D  }
0xb1: {  	s5 =	sshll.u32 @!p0 s5, $0x11;
	s7 =	sadd.s32 @!p0 $0x11B8D, s7;
	_ =	swait.eq @!p0 [sflag:s6], $0x1  }
0xb2: {  	s5 =	sor.u32 @!p0 s5, s7;
	[sflag:s6] =	ssyncadd.s32 @!p0 $0xFFFFFFFF  }
0xb3: {  	s25 =	simm.s32 $0x1B8E;
	s24 =	sld [smem:$0x3FFE];
	[sflag:s5] =	ssyncadd.remote.s32 @!p0 $0x1  }
0xb4: {  	s26 =	simm.s32 $execute0_lowered;
	[smem:$0x3FD2] =	sst s25  }
0xb5: {  	s6 =	sshll.u32 s26, $0x1;
	_ =	strace $0x8000005A;
	[dreg:$0x1] =	wrdreg $0xFFFFFFFF  }
0xb6: {  	s28 =	simm.s32 $_size_execute0_lowered;
	s4 =	sadd.s32 s4, s6;
	[dreg:$0x0] =	wrdreg $0x0  }
0xb7: {  	s6 =	sshll.u32 s28, $0x1;
	[dreg:$0x2] =	wrdreg s4  }
0xb8: {  	[dreg:$0x3] =	wrdreg s6  }
0xb9: {  	[dreg:$0x4] =	wrdreg $0xC0  }
0xba: {  	_ =	task [dreg:s22], $0x5FFFF  }
0xbb: {  	[dreg:$0x1] =	wrdreg $0xFFFFFFFF  }
0xbc: {  	[dreg:$0x0] =	wrdreg $0x60  }
0xbd: {  	[dreg:$0x2] =	wrdreg s18  }
0xbe: {  	[dreg:$0x3] =	wrdreg s24  }
0xbf: {  	[dreg:$0x4] =	wrdreg $0xA  }
0xc0: {  	_ =	task.clear_ibuf [dreg:s22], $0x5FFFF;
	_ =	strace $0x9000005A  }
0xc1: {  	s29 =	simm.s32 $0xA;
	_ =	strace $0x80000063  }
0xc2: {  	_ =	swait.ge [sflag:s29], $0x1  }
0xc3: {  	[sflag:s29] =	ssyncadd.s32 $0xFFFFFFFF  }
0xc4: {  	_ =	strace $0x90000063  }
0xc5: {  	_ =	sfence  }
0xc6: {  	s30 =	sld [smem:$0x0];
	_ =	sdelay $0x2  }
0xc7: {  	s31 =	sshll.u32 s1, $0xD;
	s1 =	sshrl.u32 s1, $0x2  }
0xc8: {  	s4 =	sand.u32 $0x4000, s31;
	s1 =	sadd.s32 s1, s30  }
0xc9: {  	s0 =	sor.u32 s4, s0;
	s1 =	sshll.u32 s1, $0x11  }
0xca: {  	s0 =	sor.u32 s1, s0  }
0xcb: {  	s0 =	sadd.s32 $0x8F2B, s0  }
0xcc: {  	[sflag:s0] =	ssyncadd.remote.s32 $0x1  }
0xcd: {  	_ =	sfence.sel $0xFFFF  }
0xce: {  	[dreg:$0x0] =	wrdreg $0xFFFFFFFF;
	(pc) =	sbr.abs _section_cstart, $3  }
0xcf: {  	[dreg:$0x1] =	wrdreg $0xFFFFFFFF  }
0xd0: {  	_ =	task.clear_ibuf [dreg:s22], $0x2FFFF;
	_ =	strace $0x9FFFFFFF  }
0xd1: {  	(tm) =	ssettm $0x7FFFFFFF  }
tec
execute0_lowered:
.L_overlay_start_1:
0x0: {  	(tag) =	ssettag $0x1  }
0x1: {  	s1 =	rddreg [dreg:$0x0]  }
0x2: {  	s3 =	rddreg [dreg:$0x1]  }
0x3: {  	s0 =	rddreg [dreg:$0x2];
	s2 =	simm.s32 $0x0  }
0x4: {  	s5 =	srdreg.scid;
	s9 =	simm.s32 $0x80;
	s10 =	simm.s32 $0x5  }
0x5: {  	s11 =	simm.s32 $0x0;
	[smem:$0x7FF] =	sst s2;
	s4 =	sadd.s32 $0x9A00, s3  }
0x6: {  	s6 =	sadd.s32 $0x819A00, s3;
	s5 =	sand.u32 $0x1, s5;
	s3 =	stileid.u32  }
0x7: {  	_ =	strace $0x8000005B;
	s7 =	ssub.s32 $0x2, s5;
	s5 =	sshll.u32 s5, $0x4  }
0x8: {  	[dreg:$0x3] =	wrdreg s6;
	s30 =	sshrl.u32 s7, $0x1;
	s8 =	sor.u32 s3, s5  }
0x9: {  	s7 =	ssub.s32 s7, s30;
	s5 =	sshll.u32 s8, $0x5;
	s31 =	sshll.u32 s8, $0xA  }
0xa: {  	s8 =	simm.s32 $0x1;
	s6 =	sadd.s32 s4, s31;
	s7 =	smax.u32 s7, $0x1  }
.LBB2_1:
0xb: {  	_ =	strace $0x8000005C;
	s12 =	simm.s32 $0x1;
	p0 =	por $0x0, $0x0  }
0xc: {  	[tilespmem:s2], [sflag:$0x2] =	stream.linear.gather [hbm4b:s6+s2], $0x100, $0x200038;
	[tilespmem:$0x10200] =	vst v63  }
0xd: {  	s12 =	simm.s32 @p0 $0x0  }
0xe: {  	p5 =	por $0x1, $0x1;
	p1 =	sne.s32 s12, $0x0  }
0xf: {  	p0 =	por !p5, !p1  }
0x10: {  	s19 =	sand.u32 $0x1, s2;
	s30 =	simm.s32 $0x0;
	p3 =	por !p0, !p0  }
0x11: {  	p4 =	por $0x0, $0x0;
	s18 =	sadd.s32 $0x0, s5;
	s13 =	sadd.s32 @p3 s5, s12  }
0x12: {  	_ =	strace $0x9000005C;
	s14 =	sand.u32 @p3 $0x1, s8;
	s13 =	sshll.u32 @p3 s13, $0x5  }
0x13: {  	s15 =	simm.s32 @p3 $0x0;
	_ =	strace @p3 $0x8000005D;
	s13 =	sand.u32 @p3 $0x1FFFFFE0, s13  }
0x14: {  	s16 =	sshll.u32 @p3 s14, $0x8;
	s14 =	sor.u32 @p3 $0x2, s14;
	s13 =	sadd.s32 @p3 s4, s13  }
0x15: {  	[tilespmem:s16], [sflag:s14] =	stream.linear.gather @p3 [hbm4b:s13+s15], $0x100, $0x200038;
	[tilespmem:$0x10200] =	vst v63  }
0x16: {  	p6 =	por $0x1, $0x1;
	s26 =	simm.s32 $0x1;
	_ =	strace @p3 $0x9000005D  }
0x17: {  	s29 =	sor.u32 $0x2, s19;
	s31 =	sshll.u32 s19, $0xF;
	_ =	strace $0x8000005E  }
0x18: {  	s21 =	sor.u32 $0x200, s31;
	p5 =	por p4, p1;
	_ =	swait.ge [sflag:s29], $0x100  }
0x19: {  	p0 =	por $0x1, $0x1;
	s23 =	sshll.u32 @p5 s18, $0xC;
	[sflag:s29] =	ssyncset.done $0x0  }
0x1a: {  	s26 =	simm.s32 @!p5 $0x0;
	s18 =	simm.s32 $0x0;
	[sflag:s29] =	ssyncadd.s32 $0xFFFFFF00  }
0x1b: {  	s17 =	sand.u32 @!p0 $0x1, s2;
	p2 =	por p0, p0;
	_ =	strace $0x9000005E  }
0x1c: {  	p0 =	por $0x0, $0x0;
	s16 =	sand.u32 $0x100, s30;
	_ =	strace $0x8000005F  }
0x1d: {  	[tilespmem:s21], [sflag:$0x1] =	stream.indirect.gather [hbm4b:s1+s9], $0x80, s16, s9, $0x2000b8;
	[tilespmem:$0x10200] =	vst v63  }
0x1e: {  	s22 =	sor.u32 @!p2 $0x4, s17;
	s14 =	sor.u32 $0x4200, s31;
	s16 =	sor.u32 $0x80, s16  }
0x1f: {  	[tilespmem:s14], [sflag:$0x1] =	stream.indirect.gather [hbm4b:s1+s9], $0x80, s16, s9, $0x2000b8;
	[tilespmem:$0x10200] =	vst v63  }
0x20: {  	s17 =	sadd.s32 $0x1, s12;
	s13 =	simm.s32 $0x1F;
	_ =	swait.ge [sflag:s8], $0x4000  }
0x21: {  	s16 =	simm.s32 $0x1;
	s14 =	simm.s32 $0x1;
	[sflag:s8] =	ssyncset.done $0x0  }
0x22: {  	s16 =	simm.s32 @!p3 $0x0;
	p3 =	por $0x0, $0x0;
	[sflag:s8] =	ssyncadd.s32 $0xFFFFC000  }
0x23: {  	s14 =	simm.s32 @!p3 $0x0;
	p3 =	seq.s32 s17, $0x20;
	_ =	swait.ge [sflag:s8], $0x4000  }
0x24: {  	s15 =	simm.s32 $0x1E;
	s17 =	simm.s32 @p3 $0x0;
	[sflag:s8] =	ssyncset.done $0x0  }
0x25: {  	s20 =	sadd.s32 $0x1, s16;
	p1 =	sne.s32 s12, s17;
	[sflag:s8] =	ssyncadd.s32 $0xFFFFC000  }
0x26: {  	s16 =	simm.s32 $0x0;
	p3 =	por !p6, !p1;
	_ =	strace $0x9000005F  }
0x27: {  	s14 =	sadd.s32 $0x0, s14;
	p3 =	por !p3, !p3;
	_ =	strace @p5 $0x80000060  }
0x28: {  	s25 =	sand.u32 @p3 $0x1, s20;
	s24 =	sadd.s32 @p3 s5, s17;
	s28 =	rddreg [dreg:$0x3]  }
.LBB2_2:
0x29: {  	s29 =	sshll.u32 @p3 s24, $0x5;
	s30 =	sand.u32 @p5 $0x1FFFF000, s23  }
0x2a: {  	s24 =	smov.u32 s12;
	s19 =	sor.u32 @p5 $0x4, s19;
	s12 =	sand.u32 @p3 $0x1FFFFFE0, s29  }
0x2b: {  	s29 =	simm.s32 @p5 $0x0;
	s31 =	sadd.s32 @p3 s4, s12;
	s12 =	sadd.s32 @p5 s28, s30  }
0x2c: {  	[hbm4b:s12+s29] =	stream.linear.scatter @p5 [tilespmem:s21], [sflag:s19], $0x8000, $0x200038;
	[tilespmem:$0x10200] =	vst v63  }
0x2d: {  	_ =	strace @p5 $0x90000060  }
0x2e: {  	s16 =	sadd.s32 s26, s16;
	_ =	strace @!p2 $0x80000061  }
0x2f: {  	s23 =	smov.u32 s13;
	s13 =	smov.u32 s15;
	_ =	swait.ge @!p2 [sflag:s22], $0x8000  }
0x30: {  	s18 =	sadd.s32 s26, s18;
	s15 =	sadd.s32 $0xFFFFFFFF, s15;
	[sflag:s22] =	ssyncset.done @!p2 $0x0  }
0x31: {  	s26 =	sshll.u32 s18, $0x8;
	p4 =	sne.s32 s15, $0x0;
	[sflag:s22] =	ssyncadd.s32 @!p2 $0xFFFF8000  }
0x32: {  	p6 =	seq.s32 s23, $0x1;
	s21 =	simm.s32 @p3 $0x0;
	_ =	strace @!p2 $0x90000061  }
0x33: {  	s22 =	sshll.u32 @p3 s25, $0x8;
	s25 =	sor.u32 @p3 $0x2, s25;
	_ =	strace @p3 $0x8000005D  }
0x34: {  	[tilespmem:s22], [sflag:s25] =	stream.linear.gather @p3 [hbm4b:s31+s21], $0x100, $0x200038;
	[tilespmem:$0x10200] =	vst v63  }
0x35: {  	s24 =	sadd.s32 s5, s24;
	s29 =	sand.u32 $0x1, s18;
	_ =	strace @p3 $0x9000005D  }
0x36: {  	s28 =	sand.u32 @!p0 $0x1, s14;
	s19 =	sor.u32 $0x2, s29;
	_ =	strace $0x8000005E  }
0x37: {  	s12 =	smov.u32 s17;
	s17 =	sadd.s32 $0x1, s17;
	_ =	swait.ge [sflag:s19], $0x100  }
0x38: {  	p5 =	por p6, p1;
	p6 =	sne.s32 s13, $0x1;
	[sflag:s19] =	ssyncset.done $0x0  }
0x39: {  	p2 =	por p0, p0;
	[sflag:s19] =	ssyncadd.s32 $0xFFFFFF00;
	s19 =	sand.u32 $0x1, s16  }
0x3a: {  	p0 =	seq.s32 s13, $0x20;
	_ =	strace $0x9000005E;
	s30 =	sshll.u32 s19, $0xF  }
0x3b: {  	s31 =	sand.u32 $0x100, s26;
	_ =	strace $0x8000005F;
	s21 =	sor.u32 $0x200, s30  }
0x3c: {  	[tilespmem:s21], [sflag:$0x1] =	stream.indirect.gather [hbm4b:s1+s9], $0x80, s31, s9, $0x2000b8;
	[tilespmem:$0x10200] =	vst v63  }
0x3d: {  	s26 =	simm.s32 $0x1;
	s25 =	sor.u32 $0x80, s31;
	s22 =	sor.u32 $0x4200, s30  }
0x3e: {  	[tilespmem:s22], [sflag:$0x1] =	stream.indirect.gather [hbm4b:s1+s9], $0x80, s25, s9, $0x2000b8;
	[tilespmem:$0x10200] =	vst v63  }
0x3f: {  	s26 =	simm.s32 @!p5 $0x0;
	s25 =	simm.s32 $0x1;
	_ =	swait.ge [sflag:s8], $0x4000  }
0x40: {  	s22 =	sor.u32 @!p2 $0x4, s28;
	s25 =	simm.s32 @!p3 $0x0;
	[sflag:s8] =	ssyncset.done $0x0  }
0x41: {  	p3 =	sne.s32 s23, $0x20;
	s23 =	simm.s32 $0x1;
	[sflag:s8] =	ssyncadd.s32 $0xFFFFC000  }
0x42: {  	s23 =	simm.s32 @!p3 $0x0;
	p3 =	seq.s32 s17, $0x20;
	_ =	swait.ge [sflag:s8], $0x4000  }
.Ltmp0:
0x43: {  	s17 =	simm.s32 @p3 $0x0;
	[sflag:s8] =	ssyncset.done $0x0;
	(pc) =	sbr.rel @p4 .LBB2_2-.Ltmp0, $4  }
0x44: {  	s20 =	sadd.s32 s25, s20;
	p1 =	sne.s32 s12, s17;
	[sflag:s8] =	ssyncadd.s32 $0xFFFFC000  }
0x45: {  	s14 =	sadd.s32 s23, s14;
	p3 =	por !p6, !p1;
	_ =	strace $0x9000005F  }
0x46: {  	s23 =	sshll.u32 @p5 s24, $0xC;
	p3 =	por !p3, !p3;
	_ =	strace @p5 $0x80000060  }
0x47: {  	s25 =	sand.u32 @p3 $0x1, s20;
	s24 =	sadd.s32 @p3 s5, s17;
	s28 =	rddreg [dreg:$0x3]  }
0x48: {  	s15 =	sand.u32 @p5 $0x1FFFF000, s23  }
0x49: {  	s17 =	sor.u32 @p5 $0x4, s19;
	s19 =	simm.s32 @p5 $0x0;
	s15 =	sadd.s32 @p5 s28, s15  }
0x4a: {  	[hbm4b:s15+s19] =	stream.linear.scatter @p5 [tilespmem:s21], [sflag:s17], $0x8000, $0x200038;
	[tilespmem:$0x10200] =	vst v63  }
0x4b: {  	_ =	strace @p5 $0x90000060  }
0x4c: {  	_ =	strace @!p2 $0x80000061  }
0x4d: {  	_ =	swait.ge @!p2 [sflag:s22], $0x8000  }
0x4e: {  	s20 =	sor.u32 @p3 $0x2, s25;
	[sflag:s22] =	ssyncset.done @!p2 $0x0  }
0x4f: {  	s28 =	sadd.s32 s26, s18;
	s15 =	sshll.u32 @p3 s24, $0x5;
	[sflag:s22] =	ssyncadd.s32 @!p2 $0xFFFF8000  }
0x50: {  	s18 =	simm.s32 @p3 $0x0;
	s15 =	sand.u32 @p3 $0x1FFFFFE0, s15;
	_ =	strace @!p2 $0x90000061  }
0x51: {  	s19 =	sshll.u32 @p3 s25, $0x8;
	s15 =	sadd.s32 @p3 s4, s15;
	_ =	strace @p3 $0x8000005D  }
0x52: {  	[tilespmem:s19], [sflag:s20] =	stream.linear.gather @p3 [hbm4b:s15+s18], $0x100, $0x200038;
	[tilespmem:$0x10200] =	vst v63  }
0x53: {  	s29 =	sand.u32 $0x1, s28;
	_ =	strace @p3 $0x9000005D  }
0x54: {  	s15 =	sor.u32 $0x2, s29;
	_ =	strace $0x8000005E  }
0x55: {  	_ =	swait.ge [sflag:s15], $0x100  }
0x56: {  	s16 =	sadd.s32 s26, s16;
	[sflag:s15] =	ssyncset.done $0x0  }
0x57: {  	[sflag:s15] =	ssyncadd.s32 $0xFFFFFF00;
	s15 =	sand.u32 $0x1, s16  }
0x58: {  	s30 =	sshll.u32 s28, $0x8;
	_ =	strace $0x9000005E;
	s31 =	sshll.u32 s15, $0xF  }
0x59: {  	s16 =	sand.u32 $0x100, s30;
	_ =	strace $0x8000005F;
	s18 =	sor.u32 $0x200, s31  }
0x5a: {  	[tilespmem:s18], [sflag:$0x1] =	stream.indirect.gather [hbm4b:s1+s9], $0x80, s16, s9, $0x2000b8;
	[tilespmem:$0x10200] =	vst v63  }
0x5b: {  	s17 =	sor.u32 $0x4200, s31;
	s16 =	sor.u32 $0x80, s16  }
0x5c: {  	[tilespmem:s17], [sflag:$0x1] =	stream.indirect.gather [hbm4b:s1+s9], $0x80, s16, s9, $0x2000b8;
	[tilespmem:$0x10200] =	vst v63  }
0x5d: {  	_ =	swait.ge [sflag:s8], $0x4000  }
0x5e: {  	[sflag:s8] =	ssyncset.done $0x0  }
0x5f: {  	[sflag:s8] =	ssyncadd.s32 $0xFFFFC000  }
0x60: {  	_ =	swait.ge [sflag:s8], $0x4000  }
0x61: {  	[sflag:s8] =	ssyncset.done $0x0  }
0x62: {  	p6 =	seq.s32 s13, $0x1;
	[sflag:s8] =	ssyncadd.s32 $0xFFFFC000  }
0x63: {  	s12 =	sadd.s32 s5, s12;
	p1 =	por p6, p1;
	_ =	strace $0x9000005F  }
0x64: {  	s12 =	sshll.u32 @p1 s12, $0xC;
	_ =	strace @p1 $0x80000060  }
0x65: {  	s12 =	sand.u32 @p1 $0x1FFFF000, s12;
	s13 =	rddreg [dreg:$0x3]  }
0x66: {  	s15 =	sor.u32 @p1 $0x4, s15;
	s16 =	simm.s32 @p1 $0x0;
	s12 =	sadd.s32 @p1 s13, s12  }
0x67: {  	[hbm4b:s12+s16] =	stream.linear.scatter @p1 [tilespmem:s18], [sflag:s15], $0x8000, $0x200038;
	[tilespmem:$0x10200] =	vst v63  }
0x68: {  	s12 =	sand.u32 @!p0 $0x1, s14;
	p0 =	por p0, p0;
	_ =	strace @p1 $0x90000060  }
0x69: {  	s12 =	sor.u32 @!p0 $0x4, s12;
	_ =	strace @!p0 $0x80000061  }
0x6a: {  	_ =	swait.ge @!p0 [sflag:s12], $0x8000  }
0x6b: {  	[sflag:s12] =	ssyncset.done @!p0 $0x0  }
0x6c: {  	s11 =	sadd.s32 $0x1, s11;
	[sflag:s12] =	ssyncadd.s32 @!p0 $0xFFFF8000  }
0x6d: {  	_ =	strace @!p0 $0x90000061;
	p0 =	sne.s32 s11, s7  }
.Ltmp1:
0x6e: {  	_ =	strace $0x80000062;
	(pc) =	sbr.rel @p0 .LBB2_1-.Ltmp1, $4  }
0x6f: {  	_ =	swait.ge [sflag:s10], $0x8000  }
0x70: {  	[sflag:s10] =	ssyncset.done $0x0  }
0x71: {  	[sflag:s10] =	ssyncadd.s32 $0xFFFF8000  }
0x72: {  	_ =	strace $0x90000062  }
0x73: {  	_ =	sfence.sel $0x180000  }
0x74: {  	[bflag:$0x0] =	sbarrier.arrive $0xFFFF  }
0x75: {  	p0 =	sne.s32 s3, $0x0;
	_ =	strace $0x9000005B  }
0x76: {  	s0 =	sadd.s32 @!p0 $0x100000, s0;
	[bflag:$0x2] =	sbarrier.arrive $0xFFFF  }
0x77: {  	[sflag:s0] =	ssyncadd.tile.s32 @!p0 $0x1;
	_ =	shalt  }
.Lfunc_end2:
_tile_overlayer_lowered:
.L_overlay_start_2:
0x78: {  	(tag) =	ssettag $0x2  }
0x79: {  	s0 =	rddreg [dreg:$0x0];
	s2 =	stileid.u32  }
0x7a: {  	s1 =	rddreg [dreg:$0x1];
	p0 =	sne.s32 s2, $0x0  }
0x7b: {  	s3 =	rddreg [dreg:$0x2];
	[bflag:$0x3] =	sbarrier.arrive $0xFFFF;
	s2 =	simm.s32 @!p0 $0x1C02  }
0x7c: {  	[timem:s3], [sflag:s2] =	dma.local @!p0 [hbm:s0], s1  }
0x7d: {  	s0 =	simm.s32 @!p0 $0x2  }
0x7e: {  	_ =	swait.ge @!p0 [sflag:s0], s1  }
0x7f: {  	s1 =	ssub.s32 @!p0 $0x0, s1;
	[sflag:s0] =	ssyncset.done @!p0 $0x0  }
0x80: {  	[sflag:s0] =	ssyncadd.s32 @!p0 s1  }
0x81: {  	[bflag:$0x3] =	sbarrier.arrive $0xFFFF  }
0x82: {  	_ =	shalt  }

// kernel: kernel.16.cloned.1.call-start
scs
__scs_entry_jumppad:
0x0: {  	(pc) =	sbr.rel $0x88, $3  }
0x1: {  	(tag) =	ssettag $0x0;
	lr =	simm.s32 $0x1  }
0x2: {  	[smem:$0x3F9E] =	sst lr;
	_ =	strace $0xD0000000  }
0x3: {  	_ = 	snop  }
0x4: {  	_ = 	snop  }
0x5: {  	_ = 	snop  }
0x6: {  	_ = 	snop  }
0x7: {  	_ = 	snop  }
__scs_overlays_trampoline_lowered:
0x8: {  	[smem:$0x3FAD] =	sst s0  }
0x9: {  	[smem:$0x3FAE] =	sst s1  }
0xa: {  	[smem:$0x3FAF] =	sst s2  }
0xb: {  	[smem:$0x3FB0] =	sst s3  }
0xc: {  	[smem:$0x3FB1] =	sst s4  }
0xd: {  	[smem:$0x3FB2] =	sst s5  }
0xe: {  	[smem:$0x3FB3] =	sst s6  }
0xf: {  	[smem:$0x3FB4] =	sst s7  }
0x10: {  	[smem:$0x3FB5] =	sst s8  }
0x11: {  	[smem:$0x3FB6] =	sst s9;
	s0 =	simm.s32 @!p0 $0x0  }
0x12: {  	s1 =	sld [smem:$0x3F9C];
	s0 =	simm.s32 @p0 $0x1  }
0x13: {  	[smem:$0x3FB7] =	sst s0;
	s0 =	simm.s32 @!p1 $0x0  }
0x14: {  	s2 =	sld [smem:$0x3F9B];
	s0 =	simm.s32 @p1 $0x1  }
0x15: {  	[smem:$0x3FB8] =	sst s0;
	s0 =	simm.s32 @!p2 $0x0  }
0x16: {  	s3 =	sld [smem:$0x3FDB];
	s0 =	simm.s32 @p2 $0x1  }
0x17: {  	s4 =	simm.s32 $0x1BF5;
	[smem:$0x3FBA] =	sst s0  }
0x18: {  	s0 =	sld [smem:$0x3F9D];
	_ =	swait.ge [sflag:s4], $0x0  }
0x19: {  	s7 =	sld [smem:$0x3F9E]  }
0x1a: {  	s8 =	sadd.s32 $0xFFFFE003, lr  }
0x1b: {  	s9 =	sadd.s32 $0xFFFFFEF7, lr;
	s5 =	simm.s32 $0xFFFFFFFF;
	p2 =	slt.u32 s8, $0xFFFFF086  }
0x1c: {  	p1 =	slt.u32 s9, $0xF7A;
	s5 =	simm.s32 @!p2 $0x0  }
0x1d: {  	s5 =	simm.s32 @p1 $0x1;
	p0 =	seq.s32 s7, s2  }
0x1e: {  	s7 =	smul.u32 @!p0 $0xF7A, s2;
	p2 =	seq.s32 @!p0 s5, $0x0  }
0x1f: {  	s9 =	smul.u32 $0xF7A, s1;
	s8 =	simm.s32 @!p0 $0x1BF5;
	p2 =	por !p2, p0  }
0x20: {  	[sflag:s8] =	ssyncset.s32 @!p0 $0xFFFFF086;
	s6 =	sadd.s32 @!p0 s3, s7;
	s7 =	simm.s32 @!p0 $0x108  }
0x21: {  	s3 =	sadd.s32 s3, s9;
	s6 =	sadd.s32 @!p0 $0x88, s6;
	s7 =	simm.s32 @p2 $0x1082  }
0x22: {  	[simem:s7], [sflag:s8] =	dma.local @!p0 [hbm:s6], $0xF7A  }
0x23: {  	s9 =	sor.u32 $0xD0000000, s2;
	s6 =	simm.s32 $0x108;
	_ =	swait.ge @!p0 [sflag:s8], $0x0  }
0x24: {  	s3 =	sadd.s32 $0x88, s3;
	s6 =	simm.s32 @!p1 $0x1082;
	[sflag:s4] =	ssyncset.s32 $0xFFFFF086  }
0x25: {  	[simem:s6], [sflag:s4] =	dma.local [hbm:s3], $0xF7A  }
0x26: {  	[smem:$0x3F9E] =	sst s1;
	(tag) =	ssettag s2;
	_ =	strace s9  }
0x27: {  	s1 =	sld [smem:$0x3FAE]  }
0x28: {  	s2 =	sld [smem:$0x3FAF]  }
0x29: {  	s4 =	sld [smem:$0x3FB1]  }
0x2a: {  	p0 =	seq.s32 s5, $0x0;
	s5 =	sld [smem:$0x3FB2]  }
0x2b: {  	s6 =	sld [smem:$0x3FB3]  }
0x2c: {  	s7 =	sld [smem:$0x3FB4]  }
0x2d: {  	s3 =	simm.s32 $0x108;
	s8 =	sld [smem:$0x3FB5]  }
0x2e: {  	s3 =	simm.s32 @!p0 $0x1082;
	s9 =	sld [smem:$0x3FB6]  }
0x2f: {  	lr =	sadd.s32 s0, s3;
	s0 =	sld [smem:$0x3FAD]  }
0x30: {  	s3 =	sld [smem:$0x3FB0]  }
0x31: {  	[smem:$0x3FB9] =	sst s10  }
0x32: {  	s10 =	sld [smem:$0x3FB7];
	_ =	sdelay $0x3  }
0x33: {  	p0 =	seq.s32 s10, $0x1;
	s10 =	sld [smem:$0x3FB9];
	_ =	sdelay $0x3  }
0x34: {  	[smem:$0x3FB9] =	sst s10  }
0x35: {  	s10 =	sld [smem:$0x3FB8];
	_ =	sdelay $0x3  }
0x36: {  	p1 =	seq.s32 s10, $0x1;
	s10 =	sld [smem:$0x3FB9];
	_ =	sdelay $0x3  }
0x37: {  	[smem:$0x3FB9] =	sst s10  }
0x38: {  	s10 =	sld [smem:$0x3FBA]  }
0x39: {  	_ = 	snop;
	(pc) =	sbr.ind lr, $3  }
0x3a: {  	_ = 	snop  }
0x3b: {  	_ = 	snop  }
0x3c: {  	p2 =	seq.s32 s10, $0x1;
	s10 =	sld [smem:$0x3FB9]  }
0x3d: {  	_ =	shalt  }
0x3e: {  	_ =	shalt  }
0x3f: {  	_ =	shalt  }
0x40: {  	_ =	shalt  }
0x41: {  	_ =	shalt  }
0x42: {  	_ =	shalt  }
0x43: {  	_ =	shalt  }
0x44: {  	_ =	shalt  }
0x45: {  	_ =	shalt  }
0x46: {  	_ =	shalt  }
0x47: {  	_ =	shalt  }
0x48: {  	_ =	shalt  }
0x49: {  	_ =	shalt  }
0x4a: {  	_ =	shalt  }
0x4b: {  	_ =	shalt  }
0x4c: {  	_ =	shalt  }
0x4d: {  	_ =	shalt  }
0x4e: {  	_ =	shalt  }
0x4f: {  	_ =	shalt  }
0x50: {  	_ =	shalt  }
0x51: {  	_ =	shalt  }
0x52: {  	_ =	shalt  }
0x53: {  	_ =	shalt  }
0x54: {  	_ =	shalt  }
0x55: {  	_ =	shalt  }
0x56: {  	_ =	shalt  }
0x57: {  	_ =	shalt  }
0x58: {  	_ =	shalt  }
0x59: {  	_ =	shalt  }
0x5a: {  	_ =	shalt  }
0x5b: {  	_ =	shalt  }
0x5c: {  	_ =	shalt  }
0x5d: {  	_ =	shalt  }
0x5e: {  	_ =	shalt  }
0x5f: {  	_ =	shalt  }
0x60: {  	_ =	shalt  }
0x61: {  	_ =	shalt  }
0x62: {  	_ =	shalt  }
0x63: {  	_ =	shalt  }
0x64: {  	_ =	shalt  }
0x65: {  	_ =	shalt  }
0x66: {  	_ =	shalt  }
0x67: {  	_ =	shalt  }
0x68: {  	_ =	shalt  }
0x69: {  	_ =	shalt  }
0x6a: {  	_ =	shalt  }
0x6b: {  	_ =	shalt  }
0x6c: {  	_ =	shalt  }
0x6d: {  	_ =	shalt  }
0x6e: {  	_ =	shalt  }
0x6f: {  	_ =	shalt  }
0x70: {  	_ =	shalt  }
0x71: {  	_ =	shalt  }
0x72: {  	_ =	shalt  }
0x73: {  	_ =	shalt  }
0x74: {  	_ =	shalt  }
0x75: {  	_ =	shalt  }
0x76: {  	_ =	shalt  }
0x77: {  	_ =	shalt  }
0x78: {  	_ =	shalt  }
0x79: {  	_ =	shalt  }
0x7a: {  	_ =	shalt  }
0x7b: {  	_ =	shalt  }
0x7c: {  	_ =	shalt  }
0x7d: {  	_ =	shalt  }
0x7e: {  	_ =	shalt  }
0x7f: {  	_ =	shalt  }
0x80: {  	_ =	shalt  }
0x81: {  	_ =	shalt  }
0x82: {  	_ =	shalt  }
0x83: {  	_ =	shalt  }
0x84: {  	_ =	shalt  }
0x85: {  	_ =	shalt  }
0x86: {  	_ =	shalt  }
0x87: {  	_ =	shalt  }
.Lfunc_end0:
.L_simem_size_0:
called_computation.2_lowered:
.L_overlay_start_0:
0x88: {  	s2 =	sld [smem:$0x3FD9]  }
0x89: {  	s3 =	sld [smem:$0x3FFE];
	_ =	sdelay $0x1  }
0x8a: {  	s1 =	srdreg.scid  }
0x8b: {  	s0 =	sand.u32 $0x1, s1  }
0x8c: {  	s17 =	sshll.u32 s0, $0xA;
	s2 =	sadd.s32 s3, s2  }
0x8d: {  	s2 =	sadd.s32 s2, s17  }
0x8e: {  	[smem:$0x3FC5] =	sst s2  }
0x8f: {  	_ = 	snop  }
0x90: {  	s18 =	sld [smem:$0x3FC8];
	(tm) =	ssettm $0x1  }
0x91: {  	s19 =	sld [smem:$0x3FFB];
	_ =	sdelay $0x3  }
0x92: {  	_ =	strace s19  }
0x93: {  	s2 =	sld [smem:$0x3FFC];
	_ =	sdelay $0x3  }
0x94: {  	_ =	strace s2  }
0x95: {  	s2 =	sld [smem:$0x3FFD];
	_ =	sdelay $0x3  }
0x96: {  	_ =	strace s2  }
0x97: {  	_ =	strace $0x8FFFFFFF  }
0x98: {  	s20 =	sld [smem:$0x3FDB];
	_ =	sdelay $0x1  }
0x99: {  	s4 =	simm.s32 $_scs_section_size  }
0x9a: {  	s5 =	simm.s32 $_size__tile_overlayer_lowered;
	s6 =	simm.s32 $_tile_overlayer_lowered  }
0x9b: {  	s7 =	simm.s32 $0x1BFF;
	s21 =	sshll.u32 s6, $0x1;
	s4 =	sadd.s32 s4, s20  }
0x9c: {  	s22 =	simm.s32 $0x0;
	s5 =	sshll.u32 s5, $0x1;
	s6 =	sadd.s32 s21, s4  }
0x9d: {  	[timem:s22], [sflag:s7] =	dma.local [hbm:s6], s5  }
0x9e: {  	_ =	swait.ge [sflag:s7], s5  }
0x9f: {  	s5 =	ssub.s32 $0x0, s5;
	[sflag:s7] =	ssyncset.done $0x0  }
0xa0: {  	[sflag:s7] =	ssyncadd.s32 s5;
	_ =	sdelay $0x1  }
0xa1: {  	s23 =	simm.s32 $0x1B8B  }
0xa2: {  	_ =	swait.ge [sflag:s23], $0x1  }
0xa3: {  	[sflag:s23] =	ssyncset.done $0x0  }
0xa4: {  	[sflag:s23] =	ssyncadd.s32 $0xFFFFFFFF  }
0xa5: {  	s5 =	sld [smem:$0x0]  }
0xa6: {  	s6 =	sand.u32 $0xFFFFFFFE, s1  }
0xa7: {  	p0 =	sne.s32 s1, s6  }
0xa8: {  	s6 =	sshll.u32 @p0 s6, $0xE  }
0xa9: {  	s6 =	sadd.s32 @p0 $0x11B8D, s6;
	s7 =	sshll.u32 @p0 s5, $0x11  }
0xaa: {  	s6 =	sor.u32 @p0 s7, s6  }
0xab: {  	[sflag:s6] =	ssyncadd.remote.s32 @p0 $0x1;
	_ =	sdelay $0x1  }
0xac: {  	s6 =	simm.s32 @p0 $0x1B8D  }
0xad: {  	_ =	swait.eq @p0 [sflag:s6], $0x1  }
0xae: {  	[sflag:s6] =	ssyncadd.s32 @p0 $0xFFFFFFFF  }
0xaf: {  	s7 =	sshll.u32 @!p0 s1, $0xE  }
0xb0: {  	s7 =	sor.u32 @!p0 $0x4000, s7;
	s6 =	simm.s32 @!p0 $0x1B8D  }
0xb1: {  	s5 =	sshll.u32 @!p0 s5, $0x11;
	s7 =	sadd.s32 @!p0 $0x11B8D, s7;
	_ =	swait.eq @!p0 [sflag:s6], $0x1  }
0xb2: {  	s5 =	sor.u32 @!p0 s5, s7;
	[sflag:s6] =	ssyncadd.s32 @!p0 $0xFFFFFFFF  }
0xb3: {  	s25 =	simm.s32 $0x1B8E;
	s24 =	sld [smem:$0x3FFE];
	[sflag:s5] =	ssyncadd.remote.s32 @!p0 $0x1  }
0xb4: {  	s26 =	simm.s32 $execute0_lowered;
	[smem:$0x3FD2] =	sst s25  }
0xb5: {  	s6 =	sshll.u32 s26, $0x1;
	_ =	strace $0x80000050;
	[dreg:$0x1] =	wrdreg $0xFFFFFFFF  }
0xb6: {  	s28 =	simm.s32 $_size_execute0_lowered;
	s4 =	sadd.s32 s4, s6;
	[dreg:$0x0] =	wrdreg $0x0  }
0xb7: {  	s6 =	sshll.u32 s28, $0x1;
	[dreg:$0x2] =	wrdreg s4  }
0xb8: {  	[dreg:$0x3] =	wrdreg s6  }
0xb9: {  	[dreg:$0x4] =	wrdreg $0xC0  }
0xba: {  	_ =	task [dreg:s22], $0x5FFFF  }
0xbb: {  	[dreg:$0x1] =	wrdreg $0xFFFFFFFF  }
0xbc: {  	[dreg:$0x0] =	wrdreg $0x60  }
0xbd: {  	[dreg:$0x2] =	wrdreg s18  }
0xbe: {  	[dreg:$0x3] =	wrdreg s24  }
0xbf: {  	[dreg:$0x4] =	wrdreg $0xB  }
0xc0: {  	_ =	task.clear_ibuf [dreg:s22], $0x5FFFF;
	_ =	strace $0x90000050  }
0xc1: {  	s29 =	simm.s32 $0xB;
	_ =	strace $0x80000059  }
0xc2: {  	_ =	swait.ge [sflag:s29], $0x1  }
0xc3: {  	[sflag:s29] =	ssyncadd.s32 $0xFFFFFFFF  }
0xc4: {  	_ =	strace $0x90000059  }
0xc5: {  	_ =	sfence  }
0xc6: {  	s30 =	sld [smem:$0x0];
	_ =	sdelay $0x2  }
0xc7: {  	s31 =	sshll.u32 s1, $0xD;
	s1 =	sshrl.u32 s1, $0x2  }
0xc8: {  	s4 =	sand.u32 $0x4000, s31;
	s1 =	sadd.s32 s1, s30  }
0xc9: {  	s0 =	sor.u32 s4, s0;
	s1 =	sshll.u32 s1, $0x11  }
0xca: {  	s0 =	sor.u32 s1, s0  }
0xcb: {  	s0 =	sadd.s32 $0x8F2B, s0  }
0xcc: {  	[sflag:s0] =	ssyncadd.remote.s32 $0x1  }
0xcd: {  	_ =	sfence.sel $0xFFFF  }
0xce: {  	[dreg:$0x0] =	wrdreg $0xFFFFFFFF;
	(pc) =	sbr.abs _section_cstart, $3  }
0xcf: {  	[dreg:$0x1] =	wrdreg $0xFFFFFFFF  }
0xd0: {  	_ =	task.clear_ibuf [dreg:s22], $0x2FFFF;
	_ =	strace $0x9FFFFFFF  }
0xd1: {  	(tm) =	ssettm $0x7FFFFFFF  }
tec
execute0_lowered:
.L_overlay_start_1:
0x0: {  	(tag) =	ssettag $0x1  }
0x1: {  	s1 =	rddreg [dreg:$0x0]  }
0x2: {  	s3 =	rddreg [dreg:$0x1]  }
0x3: {  	s0 =	rddreg [dreg:$0x2];
	s2 =	simm.s32 $0x0  }
0x4: {  	s5 =	srdreg.scid;
	s9 =	simm.s32 $0x80;
	s10 =	simm.s32 $0x5  }
0x5: {  	s11 =	simm.s32 $0x0;
	[smem:$0x7FF] =	sst s2;
	s4 =	sadd.s32 $0x1A00, s3  }
0x6: {  	s6 =	sadd.s32 $0x419A00, s3;
	s5 =	sand.u32 $0x1, s5;
	s3 =	stileid.u32  }
0x7: {  	_ =	strace $0x80000051;
	s7 =	ssub.s32 $0x2, s5;
	s5 =	sshll.u32 s5, $0x4  }
0x8: {  	[dreg:$0x3] =	wrdreg s6;
	s30 =	sshrl.u32 s7, $0x1;
	s8 =	sor.u32 s3, s5  }
0x9: {  	s7 =	ssub.s32 s7, s30;
	s5 =	sshll.u32 s8, $0x5;
	s31 =	sshll.u32 s8, $0xA  }
0xa: {  	s8 =	simm.s32 $0x1;
	s6 =	sadd.s32 s4, s31;
	s7 =	smax.u32 s7, $0x1  }
.LBB2_1:
0xb: {  	_ =	strace $0x80000052;
	s12 =	simm.s32 $0x1;
	p0 =	por $0x0, $0x0  }
0xc: {  	[tilespmem:s2], [sflag:$0x2] =	stream.linear.gather [hbm4b:s6+s2], $0x100, $0x200038;
	[tilespmem:$0x10200] =	vst v63  }
0xd: {  	s12 =	simm.s32 @p0 $0x0  }
0xe: {  	p5 =	por $0x1, $0x1;
	p1 =	sne.s32 s12, $0x0  }
0xf: {  	p0 =	por !p5, !p1  }
0x10: {  	s19 =	sand.u32 $0x1, s2;
	s30 =	simm.s32 $0x0;
	p3 =	por !p0, !p0  }
0x11: {  	p4 =	por $0x0, $0x0;
	s18 =	sadd.s32 $0x0, s5;
	s13 =	sadd.s32 @p3 s5, s12  }
0x12: {  	_ =	strace $0x90000052;
	s14 =	sand.u32 @p3 $0x1, s8;
	s13 =	sshll.u32 @p3 s13, $0x5  }
0x13: {  	s15 =	simm.s32 @p3 $0x0;
	_ =	strace @p3 $0x80000053;
	s13 =	sand.u32 @p3 $0x1FFFFFE0, s13  }
0x14: {  	s16 =	sshll.u32 @p3 s14, $0x8;
	s14 =	sor.u32 @p3 $0x2, s14;
	s13 =	sadd.s32 @p3 s4, s13  }
0x15: {  	[tilespmem:s16], [sflag:s14] =	stream.linear.gather @p3 [hbm4b:s13+s15], $0x100, $0x200038;
	[tilespmem:$0x10200] =	vst v63  }
0x16: {  	p6 =	por $0x1, $0x1;
	s26 =	simm.s32 $0x1;
	_ =	strace @p3 $0x90000053  }
0x17: {  	s29 =	sor.u32 $0x2, s19;
	s31 =	sshll.u32 s19, $0xF;
	_ =	strace $0x80000054  }
0x18: {  	s21 =	sor.u32 $0x200, s31;
	p5 =	por p4, p1;
	_ =	swait.ge [sflag:s29], $0x100  }
0x19: {  	p0 =	por $0x1, $0x1;
	s23 =	sshll.u32 @p5 s18, $0xC;
	[sflag:s29] =	ssyncset.done $0x0  }
0x1a: {  	s26 =	simm.s32 @!p5 $0x0;
	s18 =	simm.s32 $0x0;
	[sflag:s29] =	ssyncadd.s32 $0xFFFFFF00  }
0x1b: {  	s17 =	sand.u32 @!p0 $0x1, s2;
	p2 =	por p0, p0;
	_ =	strace $0x90000054  }
0x1c: {  	p0 =	por $0x0, $0x0;
	s16 =	sand.u32 $0x100, s30;
	_ =	strace $0x80000055  }
0x1d: {  	[tilespmem:s21], [sflag:$0x1] =	stream.indirect.gather [hbm4b:s1+s9], $0x80, s16, s9, $0x2000b8;
	[tilespmem:$0x10200] =	vst v63  }
0x1e: {  	s22 =	sor.u32 @!p2 $0x4, s17;
	s14 =	sor.u32 $0x4200, s31;
	s16 =	sor.u32 $0x80, s16  }
0x1f: {  	[tilespmem:s14], [sflag:$0x1] =	stream.indirect.gather [hbm4b:s1+s9], $0x80, s16, s9, $0x2000b8;
	[tilespmem:$0x10200] =	vst v63  }
0x20: {  	s17 =	sadd.s32 $0x1, s12;
	s13 =	simm.s32 $0x1F;
	_ =	swait.ge [sflag:s8], $0x4000  }
0x21: {  	s16 =	simm.s32 $0x1;
	s14 =	simm.s32 $0x1;
	[sflag:s8] =	ssyncset.done $0x0  }
0x22: {  	s16 =	simm.s32 @!p3 $0x0;
	p3 =	por $0x0, $0x0;
	[sflag:s8] =	ssyncadd.s32 $0xFFFFC000  }
0x23: {  	s14 =	simm.s32 @!p3 $0x0;
	p3 =	seq.s32 s17, $0x20;
	_ =	swait.ge [sflag:s8], $0x4000  }
0x24: {  	s15 =	simm.s32 $0x1E;
	s17 =	simm.s32 @p3 $0x0;
	[sflag:s8] =	ssyncset.done $0x0  }
0x25: {  	s20 =	sadd.s32 $0x1, s16;
	p1 =	sne.s32 s12, s17;
	[sflag:s8] =	ssyncadd.s32 $0xFFFFC000  }
0x26: {  	s16 =	simm.s32 $0x0;
	p3 =	por !p6, !p1;
	_ =	strace $0x90000055  }
0x27: {  	s14 =	sadd.s32 $0x0, s14;
	p3 =	por !p3, !p3;
	_ =	strace @p5 $0x80000056  }
0x28: {  	s25 =	sand.u32 @p3 $0x1, s20;
	s24 =	sadd.s32 @p3 s5, s17;
	s28 =	rddreg [dreg:$0x3]  }
.LBB2_2:
0x29: {  	s29 =	sshll.u32 @p3 s24, $0x5;
	s30 =	sand.u32 @p5 $0x1FFFF000, s23  }
0x2a: {  	s24 =	smov.u32 s12;
	s19 =	sor.u32 @p5 $0x4, s19;
	s12 =	sand.u32 @p3 $0x1FFFFFE0, s29  }
0x2b: {  	s29 =	simm.s32 @p5 $0x0;
	s31 =	sadd.s32 @p3 s4, s12;
	s12 =	sadd.s32 @p5 s28, s30  }
0x2c: {  	[hbm4b:s12+s29] =	stream.linear.scatter @p5 [tilespmem:s21], [sflag:s19], $0x8000, $0x200038;
	[tilespmem:$0x10200] =	vst v63  }
0x2d: {  	_ =	strace @p5 $0x90000056  }
0x2e: {  	s16 =	sadd.s32 s26, s16;
	_ =	strace @!p2 $0x80000057  }
0x2f: {  	s23 =	smov.u32 s13;
	s13 =	smov.u32 s15;
	_ =	swait.ge @!p2 [sflag:s22], $0x8000  }
0x30: {  	s18 =	sadd.s32 s26, s18;
	s15 =	sadd.s32 $0xFFFFFFFF, s15;
	[sflag:s22] =	ssyncset.done @!p2 $0x0  }
0x31: {  	s26 =	sshll.u32 s18, $0x8;
	p4 =	sne.s32 s15, $0x0;
	[sflag:s22] =	ssyncadd.s32 @!p2 $0xFFFF8000  }
0x32: {  	p6 =	seq.s32 s23, $0x1;
	s21 =	simm.s32 @p3 $0x0;
	_ =	strace @!p2 $0x90000057  }
0x33: {  	s22 =	sshll.u32 @p3 s25, $0x8;
	s25 =	sor.u32 @p3 $0x2, s25;
	_ =	strace @p3 $0x80000053  }
0x34: {  	[tilespmem:s22], [sflag:s25] =	stream.linear.gather @p3 [hbm4b:s31+s21], $0x100, $0x200038;
	[tilespmem:$0x10200] =	vst v63  }
0x35: {  	s24 =	sadd.s32 s5, s24;
	s29 =	sand.u32 $0x1, s18;
	_ =	strace @p3 $0x90000053  }
0x36: {  	s28 =	sand.u32 @!p0 $0x1, s14;
	s19 =	sor.u32 $0x2, s29;
	_ =	strace $0x80000054  }
0x37: {  	s12 =	smov.u32 s17;
	s17 =	sadd.s32 $0x1, s17;
	_ =	swait.ge [sflag:s19], $0x100  }
0x38: {  	p5 =	por p6, p1;
	p6 =	sne.s32 s13, $0x1;
	[sflag:s19] =	ssyncset.done $0x0  }
0x39: {  	p2 =	por p0, p0;
	[sflag:s19] =	ssyncadd.s32 $0xFFFFFF00;
	s19 =	sand.u32 $0x1, s16  }
0x3a: {  	p0 =	seq.s32 s13, $0x20;
	_ =	strace $0x90000054;
	s30 =	sshll.u32 s19, $0xF  }
0x3b: {  	s31 =	sand.u32 $0x100, s26;
	_ =	strace $0x80000055;
	s21 =	sor.u32 $0x200, s30  }
0x3c: {  	[tilespmem:s21], [sflag:$0x1] =	stream.indirect.gather [hbm4b:s1+s9], $0x80, s31, s9, $0x2000b8;
	[tilespmem:$0x10200] =	vst v63  }
0x3d: {  	s26 =	simm.s32 $0x1;
	s25 =	sor.u32 $0x80, s31;
	s22 =	sor.u32 $0x4200, s30  }
0x3e: {  	[tilespmem:s22], [sflag:$0x1] =	stream.indirect.gather [hbm4b:s1+s9], $0x80, s25, s9, $0x2000b8;
	[tilespmem:$0x10200] =	vst v63  }
0x3f: {  	s26 =	simm.s32 @!p5 $0x0;
	s25 =	simm.s32 $0x1;
	_ =	swait.ge [sflag:s8], $0x4000  }
0x40: {  	s22 =	sor.u32 @!p2 $0x4, s28;
	s25 =	simm.s32 @!p3 $0x0;
	[sflag:s8] =	ssyncset.done $0x0  }
0x41: {  	p3 =	sne.s32 s23, $0x20;
	s23 =	simm.s32 $0x1;
	[sflag:s8] =	ssyncadd.s32 $0xFFFFC000  }
0x42: {  	s23 =	simm.s32 @!p3 $0x0;
	p3 =	seq.s32 s17, $0x20;
	_ =	swait.ge [sflag:s8], $0x4000  }
.Ltmp0:
0x43: {  	s17 =	simm.s32 @p3 $0x0;
	[sflag:s8] =	ssyncset.done $0x0;
	(pc) =	sbr.rel @p4 .LBB2_2-.Ltmp0, $4  }
0x44: {  	s20 =	sadd.s32 s25, s20;
	p1 =	sne.s32 s12, s17;
	[sflag:s8] =	ssyncadd.s32 $0xFFFFC000  }
0x45: {  	s14 =	sadd.s32 s23, s14;
	p3 =	por !p6, !p1;
	_ =	strace $0x90000055  }
0x46: {  	s23 =	sshll.u32 @p5 s24, $0xC;
	p3 =	por !p3, !p3;
	_ =	strace @p5 $0x80000056  }
0x47: {  	s25 =	sand.u32 @p3 $0x1, s20;
	s24 =	sadd.s32 @p3 s5, s17;
	s28 =	rddreg [dreg:$0x3]  }
0x48: {  	s15 =	sand.u32 @p5 $0x1FFFF000, s23  }
0x49: {  	s17 =	sor.u32 @p5 $0x4, s19;
	s19 =	simm.s32 @p5 $0x0;
	s15 =	sadd.s32 @p5 s28, s15  }
0x4a: {  	[hbm4b:s15+s19] =	stream.linear.scatter @p5 [tilespmem:s21], [sflag:s17], $0x8000, $0x200038;
	[tilespmem:$0x10200] =	vst v63  }
0x4b: {  	_ =	strace @p5 $0x90000056  }
0x4c: {  	_ =	strace @!p2 $0x80000057  }
0x4d: {  	_ =	swait.ge @!p2 [sflag:s22], $0x8000  }
0x4e: {  	s20 =	sor.u32 @p3 $0x2, s25;
	[sflag:s22] =	ssyncset.done @!p2 $0x0  }
0x4f: {  	s28 =	sadd.s32 s26, s18;
	s15 =	sshll.u32 @p3 s24, $0x5;
	[sflag:s22] =	ssyncadd.s32 @!p2 $0xFFFF8000  }
0x50: {  	s18 =	simm.s32 @p3 $0x0;
	s15 =	sand.u32 @p3 $0x1FFFFFE0, s15;
	_ =	strace @!p2 $0x90000057  }
0x51: {  	s19 =	sshll.u32 @p3 s25, $0x8;
	s15 =	sadd.s32 @p3 s4, s15;
	_ =	strace @p3 $0x80000053  }
0x52: {  	[tilespmem:s19], [sflag:s20] =	stream.linear.gather @p3 [hbm4b:s15+s18], $0x100, $0x200038;
	[tilespmem:$0x10200] =	vst v63  }
0x53: {  	s29 =	sand.u32 $0x1, s28;
	_ =	strace @p3 $0x90000053  }
0x54: {  	s15 =	sor.u32 $0x2, s29;
	_ =	strace $0x80000054  }
0x55: {  	_ =	swait.ge [sflag:s15], $0x100  }
0x56: {  	s16 =	sadd.s32 s26, s16;
	[sflag:s15] =	ssyncset.done $0x0  }
0x57: {  	[sflag:s15] =	ssyncadd.s32 $0xFFFFFF00;
	s15 =	sand.u32 $0x1, s16  }
0x58: {  	s30 =	sshll.u32 s28, $0x8;
	_ =	strace $0x90000054;
	s31 =	sshll.u32 s15, $0xF  }
0x59: {  	s16 =	sand.u32 $0x100, s30;
	_ =	strace $0x80000055;
	s18 =	sor.u32 $0x200, s31  }
0x5a: {  	[tilespmem:s18], [sflag:$0x1] =	stream.indirect.gather [hbm4b:s1+s9], $0x80, s16, s9, $0x2000b8;
	[tilespmem:$0x10200] =	vst v63  }
0x5b: {  	s17 =	sor.u32 $0x4200, s31;
	s16 =	sor.u32 $0x80, s16  }
0x5c: {  	[tilespmem:s17], [sflag:$0x1] =	stream.indirect.gather [hbm4b:s1+s9], $0x80, s16, s9, $0x2000b8;
	[tilespmem:$0x10200] =	vst v63  }
0x5d: {  	_ =	swait.ge [sflag:s8], $0x4000  }
0x5e: {  	[sflag:s8] =	ssyncset.done $0x0  }
0x5f: {  	[sflag:s8] =	ssyncadd.s32 $0xFFFFC000  }
0x60: {  	_ =	swait.ge [sflag:s8], $0x4000  }
0x61: {  	[sflag:s8] =	ssyncset.done $0x0  }
0x62: {  	p6 =	seq.s32 s13, $0x1;
	[sflag:s8] =	ssyncadd.s32 $0xFFFFC000  }
0x63: {  	s12 =	sadd.s32 s5, s12;
	p1 =	por p6, p1;
	_ =	strace $0x90000055  }
0x64: {  	s12 =	sshll.u32 @p1 s12, $0xC;
	_ =	strace @p1 $0x80000056  }
0x65: {  	s12 =	sand.u32 @p1 $0x1FFFF000, s12;
	s13 =	rddreg [dreg:$0x3]  }
0x66: {  	s15 =	sor.u32 @p1 $0x4, s15;
	s16 =	simm.s32 @p1 $0x0;
	s12 =	sadd.s32 @p1 s13, s12  }
0x67: {  	[hbm4b:s12+s16] =	stream.linear.scatter @p1 [tilespmem:s18], [sflag:s15], $0x8000, $0x200038;
	[tilespmem:$0x10200] =	vst v63  }
0x68: {  	s12 =	sand.u32 @!p0 $0x1, s14;
	p0 =	por p0, p0;
	_ =	strace @p1 $0x90000056  }
0x69: {  	s12 =	sor.u32 @!p0 $0x4, s12;
	_ =	strace @!p0 $0x80000057  }
0x6a: {  	_ =	swait.ge @!p0 [sflag:s12], $0x8000  }
0x6b: {  	[sflag:s12] =	ssyncset.done @!p0 $0x0  }
0x6c: {  	s11 =	sadd.s32 $0x1, s11;
	[sflag:s12] =	ssyncadd.s32 @!p0 $0xFFFF8000  }
0x6d: {  	_ =	strace @!p0 $0x90000057;
	p0 =	sne.s32 s11, s7  }
.Ltmp1:
0x6e: {  	_ =	strace $0x80000058;
	(pc) =	sbr.rel @p0 .LBB2_1-.Ltmp1, $4  }
0x6f: {  	_ =	swait.ge [sflag:s10], $0x8000  }
0x70: {  	[sflag:s10] =	ssyncset.done $0x0  }
0x71: {  	[sflag:s10] =	ssyncadd.s32 $0xFFFF8000  }
0x72: {  	_ =	strace $0x90000058  }
0x73: {  	_ =	sfence.sel $0x180000  }
0x74: {  	[bflag:$0x0] =	sbarrier.arrive $0xFFFF  }
0x75: {  	p0 =	sne.s32 s3, $0x0;
	_ =	strace $0x90000051  }
0x76: {  	s0 =	sadd.s32 @!p0 $0x100000, s0;
	[bflag:$0x2] =	sbarrier.arrive $0xFFFF  }
0x77: {  	[sflag:s0] =	ssyncadd.tile.s32 @!p0 $0x1;
	_ =	shalt  }
.Lfunc_end2:
_tile_overlayer_lowered:
.L_overlay_start_2:
0x78: {  	(tag) =	ssettag $0x2  }
0x79: {  	s0 =	rddreg [dreg:$0x0];
	s2 =	stileid.u32  }
0x7a: {  	s1 =	rddreg [dreg:$0x1];
	p0 =	sne.s32 s2, $0x0  }
0x7b: {  	s3 =	rddreg [dreg:$0x2];
	[bflag:$0x3] =	sbarrier.arrive $0xFFFF;
	s2 =	simm.s32 @!p0 $0x1C02  }
0x7c: {  	[timem:s3], [sflag:s2] =	dma.local @!p0 [hbm:s0], s1  }
0x7d: {  	s0 =	simm.s32 @!p0 $0x2  }
0x7e: {  	_ =	swait.ge @!p0 [sflag:s0], s1  }
0x7f: {  	s1 =	ssub.s32 @!p0 $0x0, s1;
	[sflag:s0] =	ssyncset.done @!p0 $0x0  }
0x80: {  	[sflag:s0] =	ssyncadd.s32 @!p0 s1  }
0x81: {  	[bflag:$0x3] =	sbarrier.arrive $0xFFFF  }
0x82: {  	_ =	shalt  }

// kernel: kernel.19.cloned.1.call-start
scs
__scs_entry_jumppad:
0x0: {  	(pc) =	sbr.rel $0x88, $3  }
0x1: {  	(tag) =	ssettag $0x0;
	lr =	simm.s32 $0x1  }
0x2: {  	[smem:$0x3F9E] =	sst lr;
	_ =	strace $0xD0000000  }
0x3: {  	_ = 	snop  }
0x4: {  	_ = 	snop  }
0x5: {  	_ = 	snop  }
0x6: {  	_ = 	snop  }
0x7: {  	_ = 	snop  }
__scs_overlays_trampoline_lowered:
0x8: {  	[smem:$0x3FAD] =	sst s0  }
0x9: {  	[smem:$0x3FAE] =	sst s1  }
0xa: {  	[smem:$0x3FAF] =	sst s2  }
0xb: {  	[smem:$0x3FB0] =	sst s3  }
0xc: {  	[smem:$0x3FB1] =	sst s4  }
0xd: {  	[smem:$0x3FB2] =	sst s5  }
0xe: {  	[smem:$0x3FB3] =	sst s6  }
0xf: {  	[smem:$0x3FB4] =	sst s7  }
0x10: {  	[smem:$0x3FB5] =	sst s8  }
0x11: {  	[smem:$0x3FB6] =	sst s9;
	s0 =	simm.s32 @!p0 $0x0  }
0x12: {  	s1 =	sld [smem:$0x3F9C];
	s0 =	simm.s32 @p0 $0x1  }
0x13: {  	[smem:$0x3FB7] =	sst s0;
	s0 =	simm.s32 @!p1 $0x0  }
0x14: {  	s2 =	sld [smem:$0x3F9B];
	s0 =	simm.s32 @p1 $0x1  }
0x15: {  	[smem:$0x3FB8] =	sst s0;
	s0 =	simm.s32 @!p2 $0x0  }
0x16: {  	s3 =	sld [smem:$0x3FDB];
	s0 =	simm.s32 @p2 $0x1  }
0x17: {  	s4 =	simm.s32 $0x1BF5;
	[smem:$0x3FBA] =	sst s0  }
0x18: {  	s0 =	sld [smem:$0x3F9D];
	_ =	swait.ge [sflag:s4], $0x0  }
0x19: {  	s7 =	sld [smem:$0x3F9E]  }
0x1a: {  	s8 =	sadd.s32 $0xFFFFE003, lr  }
0x1b: {  	s9 =	sadd.s32 $0xFFFFFEF7, lr;
	s5 =	simm.s32 $0xFFFFFFFF;
	p2 =	slt.u32 s8, $0xFFFFF086  }
0x1c: {  	p1 =	slt.u32 s9, $0xF7A;
	s5 =	simm.s32 @!p2 $0x0  }
0x1d: {  	s5 =	simm.s32 @p1 $0x1;
	p0 =	seq.s32 s7, s2  }
0x1e: {  	s7 =	smul.u32 @!p0 $0xF7A, s2;
	p2 =	seq.s32 @!p0 s5, $0x0  }
0x1f: {  	s9 =	smul.u32 $0xF7A, s1;
	s8 =	simm.s32 @!p0 $0x1BF5;
	p2 =	por !p2, p0  }
0x20: {  	[sflag:s8] =	ssyncset.s32 @!p0 $0xFFFFF086;
	s6 =	sadd.s32 @!p0 s3, s7;
	s7 =	simm.s32 @!p0 $0x108  }
0x21: {  	s3 =	sadd.s32 s3, s9;
	s6 =	sadd.s32 @!p0 $0x88, s6;
	s7 =	simm.s32 @p2 $0x1082  }
0x22: {  	[simem:s7], [sflag:s8] =	dma.local @!p0 [hbm:s6], $0xF7A  }
0x23: {  	s9 =	sor.u32 $0xD0000000, s2;
	s6 =	simm.s32 $0x108;
	_ =	swait.ge @!p0 [sflag:s8], $0x0  }
0x24: {  	s3 =	sadd.s32 $0x88, s3;
	s6 =	simm.s32 @!p1 $0x1082;
	[sflag:s4] =	ssyncset.s32 $0xFFFFF086  }
0x25: {  	[simem:s6], [sflag:s4] =	dma.local [hbm:s3], $0xF7A  }
0x26: {  	[smem:$0x3F9E] =	sst s1;
	(tag) =	ssettag s2;
	_ =	strace s9  }
0x27: {  	s1 =	sld [smem:$0x3FAE]  }
0x28: {  	s2 =	sld [smem:$0x3FAF]  }
0x29: {  	s4 =	sld [smem:$0x3FB1]  }
0x2a: {  	p0 =	seq.s32 s5, $0x0;
	s5 =	sld [smem:$0x3FB2]  }
0x2b: {  	s6 =	sld [smem:$0x3FB3]  }
0x2c: {  	s7 =	sld [smem:$0x3FB4]  }
0x2d: {  	s3 =	simm.s32 $0x108;
	s8 =	sld [smem:$0x3FB5]  }
0x2e: {  	s3 =	simm.s32 @!p0 $0x1082;
	s9 =	sld [smem:$0x3FB6]  }
0x2f: {  	lr =	sadd.s32 s0, s3;
	s0 =	sld [smem:$0x3FAD]  }
0x30: {  	s3 =	sld [smem:$0x3FB0]  }
0x31: {  	[smem:$0x3FB9] =	sst s10  }
0x32: {  	s10 =	sld [smem:$0x3FB7];
	_ =	sdelay $0x3  }
0x33: {  	p0 =	seq.s32 s10, $0x1;
	s10 =	sld [smem:$0x3FB9];
	_ =	sdelay $0x3  }
0x34: {  	[smem:$0x3FB9] =	sst s10  }
0x35: {  	s10 =	sld [smem:$0x3FB8];
	_ =	sdelay $0x3  }
0x36: {  	p1 =	seq.s32 s10, $0x1;
	s10 =	sld [smem:$0x3FB9];
	_ =	sdelay $0x3  }
0x37: {  	[smem:$0x3FB9] =	sst s10  }
0x38: {  	s10 =	sld [smem:$0x3FBA]  }
0x39: {  	_ = 	snop;
	(pc) =	sbr.ind lr, $3  }
0x3a: {  	_ = 	snop  }
0x3b: {  	_ = 	snop  }
0x3c: {  	p2 =	seq.s32 s10, $0x1;
	s10 =	sld [smem:$0x3FB9]  }
0x3d: {  	_ =	shalt  }
0x3e: {  	_ =	shalt  }
0x3f: {  	_ =	shalt  }
0x40: {  	_ =	shalt  }
0x41: {  	_ =	shalt  }
0x42: {  	_ =	shalt  }
0x43: {  	_ =	shalt  }
0x44: {  	_ =	shalt  }
0x45: {  	_ =	shalt  }
0x46: {  	_ =	shalt  }
0x47: {  	_ =	shalt  }
0x48: {  	_ =	shalt  }
0x49: {  	_ =	shalt  }
0x4a: {  	_ =	shalt  }
0x4b: {  	_ =	shalt  }
0x4c: {  	_ =	shalt  }
0x4d: {  	_ =	shalt  }
0x4e: {  	_ =	shalt  }
0x4f: {  	_ =	shalt  }
0x50: {  	_ =	shalt  }
0x51: {  	_ =	shalt  }
0x52: {  	_ =	shalt  }
0x53: {  	_ =	shalt  }
0x54: {  	_ =	shalt  }
0x55: {  	_ =	shalt  }
0x56: {  	_ =	shalt  }
0x57: {  	_ =	shalt  }
0x58: {  	_ =	shalt  }
0x59: {  	_ =	shalt  }
0x5a: {  	_ =	shalt  }
0x5b: {  	_ =	shalt  }
0x5c: {  	_ =	shalt  }
0x5d: {  	_ =	shalt  }
0x5e: {  	_ =	shalt  }
0x5f: {  	_ =	shalt  }
0x60: {  	_ =	shalt  }
0x61: {  	_ =	shalt  }
0x62: {  	_ =	shalt  }
0x63: {  	_ =	shalt  }
0x64: {  	_ =	shalt  }
0x65: {  	_ =	shalt  }
0x66: {  	_ =	shalt  }
0x67: {  	_ =	shalt  }
0x68: {  	_ =	shalt  }
0x69: {  	_ =	shalt  }
0x6a: {  	_ =	shalt  }
0x6b: {  	_ =	shalt  }
0x6c: {  	_ =	shalt  }
0x6d: {  	_ =	shalt  }
0x6e: {  	_ =	shalt  }
0x6f: {  	_ =	shalt  }
0x70: {  	_ =	shalt  }
0x71: {  	_ =	shalt  }
0x72: {  	_ =	shalt  }
0x73: {  	_ =	shalt  }
0x74: {  	_ =	shalt  }
0x75: {  	_ =	shalt  }
0x76: {  	_ =	shalt  }
0x77: {  	_ =	shalt  }
0x78: {  	_ =	shalt  }
0x79: {  	_ =	shalt  }
0x7a: {  	_ =	shalt  }
0x7b: {  	_ =	shalt  }
0x7c: {  	_ =	shalt  }
0x7d: {  	_ =	shalt  }
0x7e: {  	_ =	shalt  }
0x7f: {  	_ =	shalt  }
0x80: {  	_ =	shalt  }
0x81: {  	_ =	shalt  }
0x82: {  	_ =	shalt  }
0x83: {  	_ =	shalt  }
0x84: {  	_ =	shalt  }
0x85: {  	_ =	shalt  }
0x86: {  	_ =	shalt  }
0x87: {  	_ =	shalt  }
.Lfunc_end0:
.L_simem_size_0:
called_computation.3_lowered:
.L_overlay_start_0:
0x88: {  	s2 =	sld [smem:$0x3FD9]  }
0x89: {  	s3 =	sld [smem:$0x3FFE];
	_ =	sdelay $0x1  }
0x8a: {  	s1 =	srdreg.scid  }
0x8b: {  	s0 =	sand.u32 $0x1, s1  }
0x8c: {  	s17 =	sshll.u32 s0, $0xA;
	s2 =	sadd.s32 s3, s2  }
0x8d: {  	s2 =	sadd.s32 s2, s17  }
0x8e: {  	[smem:$0x3FC5] =	sst s2  }
0x8f: {  	_ = 	snop  }
0x90: {  	s2 =	sld [smem:$0x3FC8];
	(tm) =	ssettm $0x1  }
0x91: {  	s18 =	sld [smem:$0x3FFB];
	_ =	sdelay $0x3  }
0x92: {  	_ =	strace s18  }
0x93: {  	s3 =	sld [smem:$0x3FFC];
	_ =	sdelay $0x3  }
0x94: {  	_ =	strace s3  }
0x95: {  	s3 =	sld [smem:$0x3FFD];
	_ =	sdelay $0x3  }
0x96: {  	_ =	strace s3  }
0x97: {  	_ =	strace $0x8FFFFFFF  }
0x98: {  	s19 =	sld [smem:$0x3FDB];
	_ =	sdelay $0x1  }
0x99: {  	s4 =	simm.s32 $_scs_section_size  }
0x9a: {  	s5 =	simm.s32 $_size__tile_overlayer_lowered;
	s6 =	simm.s32 $_tile_overlayer_lowered  }
0x9b: {  	s22 =	simm.s32 $0x1BFF;
	s21 =	sshll.u32 s6, $0x1;
	s3 =	sadd.s32 s4, s19  }
0x9c: {  	s7 =	simm.s32 $0x0;
	s20 =	sshll.u32 s5, $0x1;
	s5 =	sadd.s32 s21, s3  }
0x9d: {  	[timem:s7], [sflag:s22] =	dma.local [hbm:s5], s20  }
0x9e: {  	_ =	swait.ge [sflag:s22], s20  }
0x9f: {  	s4 =	ssub.s32 $0x0, s20;
	[sflag:s22] =	ssyncset.done $0x0  }
0xa0: {  	[sflag:s22] =	ssyncadd.s32 s4;
	_ =	sdelay $0x1  }
0xa1: {  	s23 =	simm.s32 $0x1B8B  }
0xa2: {  	_ =	swait.ge [sflag:s23], $0x1  }
0xa3: {  	[sflag:s23] =	ssyncset.done $0x0  }
0xa4: {  	s25 =	simm.s32 $0x1B8E;
	s24 =	sld [smem:$0x3FFE];
	[sflag:s23] =	ssyncadd.s32 $0xFFFFFFFF  }
0xa5: {  	s26 =	simm.s32 $execute0_lowered;
	[smem:$0x3FD2] =	sst s25  }
0xa6: {  	s5 =	sshll.u32 s26, $0x1;
	_ =	strace $0x80000046;
	[dreg:$0x1] =	wrdreg $0xFFFFFFFF  }
0xa7: {  	s28 =	simm.s32 $_size_execute0_lowered;
	s3 =	sadd.s32 s3, s5;
	[dreg:$0x0] =	wrdreg $0x0  }
0xa8: {  	s5 =	sshll.u32 s28, $0x1;
	[dreg:$0x2] =	wrdreg s3  }
0xa9: {  	[dreg:$0x3] =	wrdreg s5  }
0xaa: {  	[dreg:$0x4] =	wrdreg $0xC0  }
0xab: {  	_ =	task [dreg:s7], $0x5FFFF  }
0xac: {  	[dreg:$0x1] =	wrdreg $0xFFFFFFFF  }
0xad: {  	[dreg:$0x0] =	wrdreg $0x60  }
0xae: {  	[dreg:$0x2] =	wrdreg s2  }
0xaf: {  	[dreg:$0x3] =	wrdreg s24  }
0xb0: {  	[dreg:$0x4] =	wrdreg $0xC  }
0xb1: {  	_ =	task.clear_ibuf [dreg:s7], $0x5FFFF;
	_ =	strace $0x90000046  }
0xb2: {  	s29 =	simm.s32 $0xC;
	_ =	strace $0x8000004F  }
0xb3: {  	_ =	swait.ge [sflag:s29], $0x1  }
0xb4: {  	[sflag:s29] =	ssyncadd.s32 $0xFFFFFFFF  }
0xb5: {  	_ =	strace $0x9000004F  }
0xb6: {  	_ =	sfence  }
0xb7: {  	s30 =	sld [smem:$0x0];
	_ =	sdelay $0x2  }
0xb8: {  	s31 =	sshll.u32 s1, $0xD;
	s1 =	sshrl.u32 s1, $0x2  }
0xb9: {  	s3 =	sand.u32 $0x4000, s31;
	s1 =	sadd.s32 s1, s30  }
0xba: {  	s0 =	sor.u32 s3, s0;
	s1 =	sshll.u32 s1, $0x11  }
0xbb: {  	s0 =	sor.u32 s1, s0  }
0xbc: {  	s0 =	sadd.s32 $0x8F2B, s0  }
0xbd: {  	[sflag:s0] =	ssyncadd.remote.s32 $0x1  }
0xbe: {  	_ =	sfence.sel $0xFFFF  }
0xbf: {  	[dreg:$0x0] =	wrdreg $0xFFFFFFFF;
	(pc) =	sbr.abs _section_cstart, $3  }
0xc0: {  	[dreg:$0x1] =	wrdreg $0xFFFFFFFF  }
0xc1: {  	_ =	task.clear_ibuf [dreg:s7], $0x2FFFF;
	_ =	strace $0x9FFFFFFF  }
0xc2: {  	(tm) =	ssettm $0x7FFFFFFF  }
0xc3: {  	_ =	shalt  }
tec
execute0_lowered:
.L_overlay_start_1:
0x0: {  	(tag) =	ssettag $0x1  }
0x1: {  	s1 =	rddreg [dreg:$0x0]  }
0x2: {  	s3 =	rddreg [dreg:$0x1]  }
0x3: {  	s0 =	rddreg [dreg:$0x2];
	s2 =	simm.s32 $0x0  }
0x4: {  	s5 =	srdreg.scid;
	s9 =	simm.s32 $0x80;
	s10 =	simm.s32 $0x5  }
0x5: {  	s11 =	simm.s32 $0x0;
	[smem:$0x7FF] =	sst s2;
	s4 =	sadd.s32 $0x11A00, s3  }
0x6: {  	s6 =	sadd.s32 $0x19A00, s3;
	s5 =	sand.u32 $0x1, s5;
	s3 =	stileid.u32  }
0x7: {  	_ =	strace $0x80000047;
	s7 =	ssub.s32 $0x2, s5;
	s5 =	sshll.u32 s5, $0x4  }
0x8: {  	[dreg:$0x3] =	wrdreg s6;
	s30 =	sshrl.u32 s7, $0x1;
	s8 =	sor.u32 s3, s5  }
0x9: {  	s7 =	ssub.s32 s7, s30;
	s5 =	sshll.u32 s8, $0x5;
	s31 =	sshll.u32 s8, $0xA  }
0xa: {  	s8 =	simm.s32 $0x1;
	s6 =	sadd.s32 s4, s31;
	s7 =	smax.u32 s7, $0x1  }
.LBB2_1:
0xb: {  	_ =	strace $0x80000048;
	s12 =	simm.s32 $0x1;
	p0 =	por $0x0, $0x0  }
0xc: {  	[tilespmem:s2], [sflag:$0x2] =	stream.linear.gather [hbm4b:s6+s2], $0x100, $0x200038;
	[tilespmem:$0x10200] =	vst v63  }
0xd: {  	s12 =	simm.s32 @p0 $0x0  }
0xe: {  	p5 =	por $0x1, $0x1;
	p1 =	sne.s32 s12, $0x0  }
0xf: {  	p0 =	por !p5, !p1  }
0x10: {  	s19 =	sand.u32 $0x1, s2;
	s30 =	simm.s32 $0x0;
	p3 =	por !p0, !p0  }
0x11: {  	p4 =	por $0x0, $0x0;
	s18 =	sadd.s32 $0x0, s5;
	s13 =	sadd.s32 @p3 s5, s12  }
0x12: {  	_ =	strace $0x90000048;
	s14 =	sand.u32 @p3 $0x1, s8;
	s13 =	sshll.u32 @p3 s13, $0x5  }
0x13: {  	s15 =	simm.s32 @p3 $0x0;
	_ =	strace @p3 $0x80000049;
	s13 =	sand.u32 @p3 $0x1FFFFFE0, s13  }
0x14: {  	s16 =	sshll.u32 @p3 s14, $0x8;
	s14 =	sor.u32 @p3 $0x2, s14;
	s13 =	sadd.s32 @p3 s4, s13  }
0x15: {  	[tilespmem:s16], [sflag:s14] =	stream.linear.gather @p3 [hbm4b:s13+s15], $0x100, $0x200038;
	[tilespmem:$0x10200] =	vst v63  }
0x16: {  	p6 =	por $0x1, $0x1;
	s26 =	simm.s32 $0x1;
	_ =	strace @p3 $0x90000049  }
0x17: {  	s29 =	sor.u32 $0x2, s19;
	s31 =	sshll.u32 s19, $0xF;
	_ =	strace $0x8000004A  }
0x18: {  	s21 =	sor.u32 $0x200, s31;
	p5 =	por p4, p1;
	_ =	swait.ge [sflag:s29], $0x100  }
0x19: {  	p0 =	por $0x1, $0x1;
	s23 =	sshll.u32 @p5 s18, $0xC;
	[sflag:s29] =	ssyncset.done $0x0  }
0x1a: {  	s26 =	simm.s32 @!p5 $0x0;
	s18 =	simm.s32 $0x0;
	[sflag:s29] =	ssyncadd.s32 $0xFFFFFF00  }
0x1b: {  	s17 =	sand.u32 @!p0 $0x1, s2;
	p2 =	por p0, p0;
	_ =	strace $0x9000004A  }
0x1c: {  	p0 =	por $0x0, $0x0;
	s16 =	sand.u32 $0x100, s30;
	_ =	strace $0x8000004B  }
0x1d: {  	[tilespmem:s21], [sflag:$0x1] =	stream.indirect.gather [hbm4b:s1+s9], $0x80, s16, s9, $0x2000b8;
	[tilespmem:$0x10200] =	vst v63  }
0x1e: {  	s22 =	sor.u32 @!p2 $0x4, s17;
	s14 =	sor.u32 $0x4200, s31;
	s16 =	sor.u32 $0x80, s16  }
0x1f: {  	[tilespmem:s14], [sflag:$0x1] =	stream.indirect.gather [hbm4b:s1+s9], $0x80, s16, s9, $0x2000b8;
	[tilespmem:$0x10200] =	vst v63  }
0x20: {  	s17 =	sadd.s32 $0x1, s12;
	s13 =	simm.s32 $0x1F;
	_ =	swait.ge [sflag:s8], $0x4000  }
0x21: {  	s16 =	simm.s32 $0x1;
	s14 =	simm.s32 $0x1;
	[sflag:s8] =	ssyncset.done $0x0  }
0x22: {  	s16 =	simm.s32 @!p3 $0x0;
	p3 =	por $0x0, $0x0;
	[sflag:s8] =	ssyncadd.s32 $0xFFFFC000  }
0x23: {  	s14 =	simm.s32 @!p3 $0x0;
	p3 =	seq.s32 s17, $0x20;
	_ =	swait.ge [sflag:s8], $0x4000  }
0x24: {  	s15 =	simm.s32 $0x1E;
	s17 =	simm.s32 @p3 $0x0;
	[sflag:s8] =	ssyncset.done $0x0  }
0x25: {  	s20 =	sadd.s32 $0x1, s16;
	p1 =	sne.s32 s12, s17;
	[sflag:s8] =	ssyncadd.s32 $0xFFFFC000  }
0x26: {  	s16 =	simm.s32 $0x0;
	p3 =	por !p6, !p1;
	_ =	strace $0x9000004B  }
0x27: {  	s14 =	sadd.s32 $0x0, s14;
	p3 =	por !p3, !p3;
	_ =	strace @p5 $0x8000004C  }
0x28: {  	s25 =	sand.u32 @p3 $0x1, s20;
	s24 =	sadd.s32 @p3 s5, s17;
	s28 =	rddreg [dreg:$0x3]  }
.LBB2_2:
0x29: {  	s29 =	sshll.u32 @p3 s24, $0x5;
	s30 =	sand.u32 @p5 $0x1FFFF000, s23  }
0x2a: {  	s24 =	smov.u32 s12;
	s19 =	sor.u32 @p5 $0x4, s19;
	s12 =	sand.u32 @p3 $0x1FFFFFE0, s29  }
0x2b: {  	s29 =	simm.s32 @p5 $0x0;
	s31 =	sadd.s32 @p3 s4, s12;
	s12 =	sadd.s32 @p5 s28, s30  }
0x2c: {  	[hbm4b:s12+s29] =	stream.linear.scatter @p5 [tilespmem:s21], [sflag:s19], $0x8000, $0x200038;
	[tilespmem:$0x10200] =	vst v63  }
0x2d: {  	_ =	strace @p5 $0x9000004C  }
0x2e: {  	s16 =	sadd.s32 s26, s16;
	_ =	strace @!p2 $0x8000004D  }
0x2f: {  	s23 =	smov.u32 s13;
	s13 =	smov.u32 s15;
	_ =	swait.ge @!p2 [sflag:s22], $0x8000  }
0x30: {  	s18 =	sadd.s32 s26, s18;
	s15 =	sadd.s32 $0xFFFFFFFF, s15;
	[sflag:s22] =	ssyncset.done @!p2 $0x0  }
0x31: {  	s26 =	sshll.u32 s18, $0x8;
	p4 =	sne.s32 s15, $0x0;
	[sflag:s22] =	ssyncadd.s32 @!p2 $0xFFFF8000  }
0x32: {  	p6 =	seq.s32 s23, $0x1;
	s21 =	simm.s32 @p3 $0x0;
	_ =	strace @!p2 $0x9000004D  }
0x33: {  	s22 =	sshll.u32 @p3 s25, $0x8;
	s25 =	sor.u32 @p3 $0x2, s25;
	_ =	strace @p3 $0x80000049  }
0x34: {  	[tilespmem:s22], [sflag:s25] =	stream.linear.gather @p3 [hbm4b:s31+s21], $0x100, $0x200038;
	[tilespmem:$0x10200] =	vst v63  }
0x35: {  	s24 =	sadd.s32 s5, s24;
	s29 =	sand.u32 $0x1, s18;
	_ =	strace @p3 $0x90000049  }
0x36: {  	s28 =	sand.u32 @!p0 $0x1, s14;
	s19 =	sor.u32 $0x2, s29;
	_ =	strace $0x8000004A  }
0x37: {  	s12 =	smov.u32 s17;
	s17 =	sadd.s32 $0x1, s17;
	_ =	swait.ge [sflag:s19], $0x100  }
0x38: {  	p5 =	por p6, p1;
	p6 =	sne.s32 s13, $0x1;
	[sflag:s19] =	ssyncset.done $0x0  }
0x39: {  	p2 =	por p0, p0;
	[sflag:s19] =	ssyncadd.s32 $0xFFFFFF00;
	s19 =	sand.u32 $0x1, s16  }
0x3a: {  	p0 =	seq.s32 s13, $0x20;
	_ =	strace $0x9000004A;
	s30 =	sshll.u32 s19, $0xF  }
0x3b: {  	s31 =	sand.u32 $0x100, s26;
	_ =	strace $0x8000004B;
	s21 =	sor.u32 $0x200, s30  }
0x3c: {  	[tilespmem:s21], [sflag:$0x1] =	stream.indirect.gather [hbm4b:s1+s9], $0x80, s31, s9, $0x2000b8;
	[tilespmem:$0x10200] =	vst v63  }
0x3d: {  	s26 =	simm.s32 $0x1;
	s25 =	sor.u32 $0x80, s31;
	s22 =	sor.u32 $0x4200, s30  }
0x3e: {  	[tilespmem:s22], [sflag:$0x1] =	stream.indirect.gather [hbm4b:s1+s9], $0x80, s25, s9, $0x2000b8;
	[tilespmem:$0x10200] =	vst v63  }
0x3f: {  	s26 =	simm.s32 @!p5 $0x0;
	s25 =	simm.s32 $0x1;
	_ =	swait.ge [sflag:s8], $0x4000  }
0x40: {  	s22 =	sor.u32 @!p2 $0x4, s28;
	s25 =	simm.s32 @!p3 $0x0;
	[sflag:s8] =	ssyncset.done $0x0  }
0x41: {  	p3 =	sne.s32 s23, $0x20;
	s23 =	simm.s32 $0x1;
	[sflag:s8] =	ssyncadd.s32 $0xFFFFC000  }
0x42: {  	s23 =	simm.s32 @!p3 $0x0;
	p3 =	seq.s32 s17, $0x20;
	_ =	swait.ge [sflag:s8], $0x4000  }
.Ltmp0:
0x43: {  	s17 =	simm.s32 @p3 $0x0;
	[sflag:s8] =	ssyncset.done $0x0;
	(pc) =	sbr.rel @p4 .LBB2_2-.Ltmp0, $4  }
0x44: {  	s20 =	sadd.s32 s25, s20;
	p1 =	sne.s32 s12, s17;
	[sflag:s8] =	ssyncadd.s32 $0xFFFFC000  }
0x45: {  	s14 =	sadd.s32 s23, s14;
	p3 =	por !p6, !p1;
	_ =	strace $0x9000004B  }
0x46: {  	s23 =	sshll.u32 @p5 s24, $0xC;
	p3 =	por !p3, !p3;
	_ =	strace @p5 $0x8000004C  }
0x47: {  	s25 =	sand.u32 @p3 $0x1, s20;
	s24 =	sadd.s32 @p3 s5, s17;
	s28 =	rddreg [dreg:$0x3]  }
0x48: {  	s15 =	sand.u32 @p5 $0x1FFFF000, s23  }
0x49: {  	s17 =	sor.u32 @p5 $0x4, s19;
	s19 =	simm.s32 @p5 $0x0;
	s15 =	sadd.s32 @p5 s28, s15  }
0x4a: {  	[hbm4b:s15+s19] =	stream.linear.scatter @p5 [tilespmem:s21], [sflag:s17], $0x8000, $0x200038;
	[tilespmem:$0x10200] =	vst v63  }
0x4b: {  	_ =	strace @p5 $0x9000004C  }
0x4c: {  	_ =	strace @!p2 $0x8000004D  }
0x4d: {  	_ =	swait.ge @!p2 [sflag:s22], $0x8000  }
0x4e: {  	s20 =	sor.u32 @p3 $0x2, s25;
	[sflag:s22] =	ssyncset.done @!p2 $0x0  }
0x4f: {  	s28 =	sadd.s32 s26, s18;
	s15 =	sshll.u32 @p3 s24, $0x5;
	[sflag:s22] =	ssyncadd.s32 @!p2 $0xFFFF8000  }
0x50: {  	s18 =	simm.s32 @p3 $0x0;
	s15 =	sand.u32 @p3 $0x1FFFFFE0, s15;
	_ =	strace @!p2 $0x9000004D  }
0x51: {  	s19 =	sshll.u32 @p3 s25, $0x8;
	s15 =	sadd.s32 @p3 s4, s15;
	_ =	strace @p3 $0x80000049  }
0x52: {  	[tilespmem:s19], [sflag:s20] =	stream.linear.gather @p3 [hbm4b:s15+s18], $0x100, $0x200038;
	[tilespmem:$0x10200] =	vst v63  }
0x53: {  	s29 =	sand.u32 $0x1, s28;
	_ =	strace @p3 $0x90000049  }
0x54: {  	s15 =	sor.u32 $0x2, s29;
	_ =	strace $0x8000004A  }
0x55: {  	_ =	swait.ge [sflag:s15], $0x100  }
0x56: {  	s16 =	sadd.s32 s26, s16;
	[sflag:s15] =	ssyncset.done $0x0  }
0x57: {  	[sflag:s15] =	ssyncadd.s32 $0xFFFFFF00;
	s15 =	sand.u32 $0x1, s16  }
0x58: {  	s30 =	sshll.u32 s28, $0x8;
	_ =	strace $0x9000004A;
	s31 =	sshll.u32 s15, $0xF  }
0x59: {  	s16 =	sand.u32 $0x100, s30;
	_ =	strace $0x8000004B;
	s18 =	sor.u32 $0x200, s31  }
0x5a: {  	[tilespmem:s18], [sflag:$0x1] =	stream.indirect.gather [hbm4b:s1+s9], $0x80, s16, s9, $0x2000b8;
	[tilespmem:$0x10200] =	vst v63  }
0x5b: {  	s17 =	sor.u32 $0x4200, s31;
	s16 =	sor.u32 $0x80, s16  }
0x5c: {  	[tilespmem:s17], [sflag:$0x1] =	stream.indirect.gather [hbm4b:s1+s9], $0x80, s16, s9, $0x2000b8;
	[tilespmem:$0x10200] =	vst v63  }
0x5d: {  	_ =	swait.ge [sflag:s8], $0x4000  }
0x5e: {  	[sflag:s8] =	ssyncset.done $0x0  }
0x5f: {  	[sflag:s8] =	ssyncadd.s32 $0xFFFFC000  }
0x60: {  	_ =	swait.ge [sflag:s8], $0x4000  }
0x61: {  	[sflag:s8] =	ssyncset.done $0x0  }
0x62: {  	p6 =	seq.s32 s13, $0x1;
	[sflag:s8] =	ssyncadd.s32 $0xFFFFC000  }
0x63: {  	s12 =	sadd.s32 s5, s12;
	p1 =	por p6, p1;
	_ =	strace $0x9000004B  }
0x64: {  	s12 =	sshll.u32 @p1 s12, $0xC;
	_ =	strace @p1 $0x8000004C  }
0x65: {  	s12 =	sand.u32 @p1 $0x1FFFF000, s12;
	s13 =	rddreg [dreg:$0x3]  }
0x66: {  	s15 =	sor.u32 @p1 $0x4, s15;
	s16 =	simm.s32 @p1 $0x0;
	s12 =	sadd.s32 @p1 s13, s12  }
0x67: {  	[hbm4b:s12+s16] =	stream.linear.scatter @p1 [tilespmem:s18], [sflag:s15], $0x8000, $0x200038;
	[tilespmem:$0x10200] =	vst v63  }
0x68: {  	s12 =	sand.u32 @!p0 $0x1, s14;
	p0 =	por p0, p0;
	_ =	strace @p1 $0x9000004C  }
0x69: {  	s12 =	sor.u32 @!p0 $0x4, s12;
	_ =	strace @!p0 $0x8000004D  }
0x6a: {  	_ =	swait.ge @!p0 [sflag:s12], $0x8000  }
0x6b: {  	[sflag:s12] =	ssyncset.done @!p0 $0x0  }
0x6c: {  	s11 =	sadd.s32 $0x1, s11;
	[sflag:s12] =	ssyncadd.s32 @!p0 $0xFFFF8000  }
0x6d: {  	_ =	strace @!p0 $0x9000004D;
	p0 =	sne.s32 s11, s7  }
.Ltmp1:
0x6e: {  	_ =	strace $0x8000004E;
	(pc) =	sbr.rel @p0 .LBB2_1-.Ltmp1, $4  }
0x6f: {  	_ =	swait.ge [sflag:s10], $0x8000  }
0x70: {  	[sflag:s10] =	ssyncset.done $0x0  }
0x71: {  	[sflag:s10] =	ssyncadd.s32 $0xFFFF8000  }
0x72: {  	_ =	strace $0x9000004E  }
0x73: {  	_ =	sfence.sel $0x180000  }
0x74: {  	[bflag:$0x0] =	sbarrier.arrive $0xFFFF  }
0x75: {  	p0 =	sne.s32 s3, $0x0;
	_ =	strace $0x90000047  }
0x76: {  	s0 =	sadd.s32 @!p0 $0x100000, s0;
	[bflag:$0x2] =	sbarrier.arrive $0xFFFF  }
0x77: {  	[sflag:s0] =	ssyncadd.tile.s32 @!p0 $0x1;
	_ =	shalt  }
.Lfunc_end2:
_tile_overlayer_lowered:
.L_overlay_start_2:
0x78: {  	(tag) =	ssettag $0x2  }
0x79: {  	s0 =	rddreg [dreg:$0x0];
	s2 =	stileid.u32  }
0x7a: {  	s1 =	rddreg [dreg:$0x1];
	p0 =	sne.s32 s2, $0x0  }
0x7b: {  	s3 =	rddreg [dreg:$0x2];
	[bflag:$0x3] =	sbarrier.arrive $0xFFFF;
	s2 =	simm.s32 @!p0 $0x1C02  }
0x7c: {  	[timem:s3], [sflag:s2] =	dma.local @!p0 [hbm:s0], s1  }
0x7d: {  	s0 =	simm.s32 @!p0 $0x2  }
0x7e: {  	_ =	swait.ge @!p0 [sflag:s0], s1  }
0x7f: {  	s1 =	ssub.s32 @!p0 $0x0, s1;
	[sflag:s0] =	ssyncset.done @!p0 $0x0  }
0x80: {  	[sflag:s0] =	ssyncadd.s32 @!p0 s1  }
0x81: {  	[bflag:$0x3] =	sbarrier.arrive $0xFFFF  }
0x82: {  	_ =	shalt  }

</sc_bundles>
